<compile_context>
chip_gen: v7x
topology: tpu7x:2x2x1
jax: 0.10.2.dev20260603
libtpu: 0.0.44.dev20260713+nightly
codegen_flags: <defaults>
</compile_context>

<pallas_src>
import functools
import numpy as np
import jax
import jax.numpy as jnp
from jax import lax
from jax.experimental import pallas as pl
from jax.experimental.pallas import tpu as pltpu
from jax.experimental.pallas import tpu_sc as plsc

_B, _T, _P, _D = 8, 16, 576, 768
_N = _B * _T

_WORDS = [0x8D744451, 0xB39A25C9, 0x587166EB, 0x27893CC9]
_FLAT = np.array([(w >> b) & 1 for w in _WORDS for b in range(32)], dtype=bool)
_COPIES = np.nonzero(~_FLAT)[0].tolist()
_TOKENS = np.nonzero(_FLAT)[0].tolist()

_NC, _NS = 2, 16
_NW = _NC * _NS

_S0 = _COPIES[0:32]
_S1 = _COPIES[32:64]
_S2 = [0] * _NW
_S3 = [0] * _NW
_NC3 = [1 if w < 3 else 0 for w in range(_NW)]
_t = 0
for _w in range(_NW):
    if _w < 3:
        _S2[_w] = _COPIES[64 + _w]
        _S3[_w] = _TOKENS[_t]
        _t += 1
    else:
        _S2[_w] = _TOKENS[_t]
        _S3[_w] = _TOKENS[_t + 1]
        _t += 2
assert _t == len(_TOKENS)

_CH = 48
_NCH = _P // _CH
_TR = 16
_NTW = _P // _TR


def _lookup32(table, idx):
    cur = [jnp.int32(int(v)) for v in table]
    bit = 0
    while len(cur) > 1:
        b = (idx >> bit) & 1
        cur = [jnp.where(b == 0, cur[i], cur[i + 1]) for i in range(0, len(cur), 2)]
        bit += 1
    return cur[0]


def _sc_body(x_hbm, tok_hbm, out_hbm, tokbuf, b0, b1, b2, sem_t, sem_g, sem_s, sem_w):
    wid = lax.axis_index("s") * _NC + lax.axis_index("c")
    f0 = _lookup32(_S0, wid)
    f1 = _lookup32(_S1, wid)
    f2 = _lookup32(_S2, wid)
    f3 = _lookup32(_S3, wid)
    three = _lookup32(_NC3, wid)

    tf = [
        pltpu.make_async_copy(tok_hbm, tokbuf.at[pl.ds(r, 1)], sem_t)
        for r in range(_TR)
    ]
    for c in tf:
        c.start()
    for c in tf:
        c.wait()

    def fire_tok(f):
        for j in range(_NTW):
            pltpu.make_async_copy(
                tokbuf, out_hbm.at[f, pl.ds(j * _TR, _TR)], sem_w
            ).start()

    fire_tok(f3)

    @pl.when(three == 0)
    def _():
        fire_tok(f2)

    bufs = [b0, b1, b2]

    def copy_frame(f):
        pltpu.make_async_copy(x_hbm.at[f], out_hbm.at[f], sem_g).start()

    def drain_frame(f):
        pltpu.make_async_copy(x_hbm.at[f], out_hbm.at[f], sem_g).wait()

    copy_frame(f0)
    copy_frame(f1)

    @pl.when(three != 0)
    def _():
        copy_frame(f2)

    drain_frame(f0)
    drain_frame(f1)

    @pl.when(three != 0)
    def _():
        drain_frame(f2)

    for j in range(_NTW):
        pltpu.make_async_copy(tokbuf, out_hbm.at[f3, pl.ds(j * _TR, _TR)], sem_w).wait()

    @pl.when(three == 0)
    def _():
        for j in range(_NTW):
            pltpu.make_async_copy(
                tokbuf, out_hbm.at[f2, pl.ds(j * _TR, _TR)], sem_w
            ).wait()


def kernel(x, mask_token):
    x3 = x.reshape(_N, _P, _D)
    tok = mask_token.reshape(1, _D)
    mesh = plsc.VectorSubcoreMesh(core_axis_name="c", subcore_axis_name="s")
    k = functools.partial(
        pl.kernel,
        mesh=mesh,
        out_type=jax.ShapeDtypeStruct((_N, _P, _D), jnp.float32),
        scratch_types=[
            pltpu.VMEM((_TR, _D), jnp.float32),
            pltpu.VMEM((_CH, _D), jnp.float32),
            pltpu.VMEM((_CH, _D), jnp.float32),
            pltpu.VMEM((_CH, _D), jnp.float32),
            pltpu.SemaphoreType.DMA,
            pltpu.SemaphoreType.DMA,
            pltpu.SemaphoreType.DMA,
            pltpu.SemaphoreType.DMA,
        ],
    )(_sc_body)
    out3 = k(x3, tok)
    return out3.reshape(_B, _T, _P, _D)

# --- scband reference (transcript-rebuilt; emitter-appended) ---
"""Pipeline reference for scband-mask-git-70669391889088 (READ-ONLY COPY).

The authoritative reference and input builder live on the scoring server;
editing this copy changes nothing except your own understanding.
"""

import jax, jax.numpy as jnp
import numpy as np

MASK_RATIO = 0.5
D_MODEL = 768


def setup_inputs(seed: int = 0) -> dict:
    key = jax.random.key(seed)
    k1, k2 = jax.random.split(key)
    x = jax.random.normal(k1, (8, 16, 576, D_MODEL), dtype=jnp.float32)
    # learned parameter: mask_token of shape (1, 1, d_model)
    mask_token = jax.random.normal(k2, (1, 1, D_MODEL), dtype=jnp.float32)
    return {"x": x, "mask_token": mask_token}


def reference(x, mask_token):
    # torch: mask = torch.rand(B, T) < mask_ratio ; x[mask] = mask_token
    # The mask selects whole (num_patches, d_model) frame slices and overwrites
    # them with the broadcast mask_token (scatter-overwrite semantics).
    B, T, P, D = x.shape
    mask = jax.random.uniform(jax.random.key(42), (B, T)) < MASK_RATIO
    tok = jnp.broadcast_to(mask_token.reshape(1, 1, 1, D), x.shape)
    out = jnp.where(mask[:, :, None, None], tok, x)
    return out

if __name__ == "__main__":
    import jax
    _d = setup_inputs()
    print(jax.jit(kernel)(*tuple(_d.values())))

</pallas_src>

<mosaic_0001>
#map = affine_map<(d0, d1) -> (0, 0, 0)>
#map1 = affine_map<(d0, d1) -> (0, 0)>
module attributes {stable_mosaic.version = 14 : i64} {
  func.func @_sc_body(%arg0: i32, %arg1: i32, %arg2: memref<128x576x768xf32, #tpu.memory_space<hbm>>, %arg3: memref<1x768xf32, #tpu.memory_space<hbm>>, %arg4: memref<128x576x768xf32, #tpu.memory_space<hbm>>, %arg5: memref<16x768xf32, #tpu.memory_space<vmem>>, %arg6: memref<48x768xf32, #tpu.memory_space<vmem>>, %arg7: memref<48x768xf32, #tpu.memory_space<vmem>>, %arg8: memref<48x768xf32, #tpu.memory_space<vmem>>, %arg9: memref<!tpu.dma_semaphore, #tpu.memory_space<semaphore_mem>>, %arg10: memref<!tpu.dma_semaphore, #tpu.memory_space<semaphore_mem>>, %arg11: memref<!tpu.dma_semaphore, #tpu.memory_space<semaphore_mem>>, %arg12: memref<!tpu.dma_semaphore, #tpu.memory_space<semaphore_mem>>) attributes {dimension_semantics = [#tpu.dimension_semantics<core_parallel>, #tpu.dimension_semantics<subcore_parallel>], iteration_bounds = array<i64: 2, 16>, scalar_prefetch = 0 : i64, scratch_operands = 8 : i64, tpu.core_type = #tpu.core_type<sc_vector_subcore>, window_params = [{transform_indices = #map}, {transform_indices = #map1}, {transform_indices = #map}]} {
    %mul3A = arith.constant 2 : i32
    %mul3A_0 = arith.muli %arg1, %mul3A : i32
    %add3A = arith.addi %mul3A_0, %arg0 : i32
    %shift_right_arithmetic3A = arith.constant 0 : i32
    %shift_right_arithmetic3A_1 = arith.shrsi %add3A, %shift_right_arithmetic3A : i32
    %and3A = arith.constant 1 : i32
    %and3A_2 = arith.andi %shift_right_arithmetic3A_1, %and3A : i32
    %eq3A = arith.constant 0 : i32
    %eq3A_3 = arith.cmpi eq, %and3A_2, %eq3A : i32
    %jit3A = arith.constant 1 : i32
    %jit3A_4 = arith.constant 2 : i32
    %select_n3A = arith.select %eq3A_3, %jit3A, %jit3A_4 : i32
    %eq3A_5 = arith.constant 0 : i32
    %eq3A_6 = arith.cmpi eq, %and3A_2, %eq3A_5 : i32
    %jit3A_7 = arith.constant 3 : i32
    %jit3A_8 = arith.constant 5 : i32
    %select_n3A_9 = arith.select %eq3A_6, %jit3A_7, %jit3A_8 : i32
    %eq3A_10 = arith.constant 0 : i32
    %eq3A_11 = arith.cmpi eq, %and3A_2, %eq3A_10 : i32
    %jit3A_12 = arith.constant 7 : i32
    %jit3A_13 = arith.constant 8 : i32
    %select_n3A_14 = arith.select %eq3A_11, %jit3A_12, %jit3A_13 : i32
    %eq3A_15 = arith.constant 0 : i32
    %eq3A_16 = arith.cmpi eq, %and3A_2, %eq3A_15 : i32
    %jit3A_17 = arith.constant 9 : i32
    %jit3A_18 = arith.constant 11 : i32
    %select_n3A_19 = arith.select %eq3A_16, %jit3A_17, %jit3A_18 : i32
    %eq3A_20 = arith.constant 0 : i32
    %eq3A_21 = arith.cmpi eq, %and3A_2, %eq3A_20 : i32
    %jit3A_22 = arith.constant 12 : i32
    %jit3A_23 = arith.constant 13 : i32
    %select_n3A_24 = arith.select %eq3A_21, %jit3A_22, %jit3A_23 : i32
    %eq3A_25 = arith.constant 0 : i32
    %eq3A_26 = arith.cmpi eq, %and3A_2, %eq3A_25 : i32
    %jit3A_27 = arith.constant 15 : i32
    %jit3A_28 = arith.constant 16 : i32
    %select_n3A_29 = arith.select %eq3A_26, %jit3A_27, %jit3A_28 : i32
    %eq3A_30 = arith.constant 0 : i32
    %eq3A_31 = arith.cmpi eq, %and3A_2, %eq3A_30 : i32
    %jit3A_32 = arith.constant 17 : i32
    %jit3A_33 = arith.constant 19 : i32
    %select_n3A_34 = arith.select %eq3A_31, %jit3A_32, %jit3A_33 : i32
    %eq3A_35 = arith.constant 0 : i32
    %eq3A_36 = arith.cmpi eq, %and3A_2, %eq3A_35 : i32
    %jit3A_37 = arith.constant 23 : i32
    %jit3A_38 = arith.constant 25 : i32
    %select_n3A_39 = arith.select %eq3A_36, %jit3A_37, %jit3A_38 : i32
    %eq3A_40 = arith.constant 0 : i32
    %eq3A_41 = arith.cmpi eq, %and3A_2, %eq3A_40 : i32
    %jit3A_42 = arith.constant 28 : i32
    %jit3A_43 = arith.constant 29 : i32
    %select_n3A_44 = arith.select %eq3A_41, %jit3A_42, %jit3A_43 : i32
    %eq3A_45 = arith.constant 0 : i32
    %eq3A_46 = arith.cmpi eq, %and3A_2, %eq3A_45 : i32
    %jit3A_47 = arith.constant 30 : i32
    %jit3A_48 = arith.constant 33 : i32
    %select_n3A_49 = arith.select %eq3A_46, %jit3A_47, %jit3A_48 : i32
    %eq3A_50 = arith.constant 0 : i32
    %eq3A_51 = arith.cmpi eq, %and3A_2, %eq3A_50 : i32
    %jit3A_52 = arith.constant 34 : i32
    %jit3A_53 = arith.constant 36 : i32
    %select_n3A_54 = arith.select %eq3A_51, %jit3A_52, %jit3A_53 : i32
    %eq3A_55 = arith.constant 0 : i32
    %eq3A_56 = arith.cmpi eq, %and3A_2, %eq3A_55 : i32
    %jit3A_57 = arith.constant 37 : i32
    %jit3A_58 = arith.constant 41 : i32
    %select_n3A_59 = arith.select %eq3A_56, %jit3A_57, %jit3A_58 : i32
    %eq3A_60 = arith.constant 0 : i32
    %eq3A_61 = arith.cmpi eq, %and3A_2, %eq3A_60 : i32
    %jit3A_62 = arith.constant 43 : i32
    %jit3A_63 = arith.constant 44 : i32
    %select_n3A_64 = arith.select %eq3A_61, %jit3A_62, %jit3A_63 : i32
    %eq3A_65 = arith.constant 0 : i32
    %eq3A_66 = arith.cmpi eq, %and3A_2, %eq3A_65 : i32
    %jit3A_67 = arith.constant 46 : i32
    %jit3A_68 = arith.constant 47 : i32
    %select_n3A_69 = arith.select %eq3A_66, %jit3A_67, %jit3A_68 : i32
    %eq3A_70 = arith.constant 0 : i32
    %eq3A_71 = arith.cmpi eq, %and3A_2, %eq3A_70 : i32
    %jit3A_72 = arith.constant 48 : i32
    %jit3A_73 = arith.constant 50 : i32
    %select_n3A_74 = arith.select %eq3A_71, %jit3A_72, %jit3A_73 : i32
    %eq3A_75 = arith.constant 0 : i32
    %eq3A_76 = arith.cmpi eq, %and3A_2, %eq3A_75 : i32
    %jit3A_77 = arith.constant 53 : i32
    %jit3A_78 = arith.constant 54 : i32
    %select_n3A_79 = arith.select %eq3A_76, %jit3A_77, %jit3A_78 : i32
    %shift_right_arithmetic3A_80 = arith.constant 1 : i32
    %shift_right_arithmetic3A_81 = arith.shrsi %add3A, %shift_right_arithmetic3A_80 : i32
    %and3A_82 = arith.constant 1 : i32
    %and3A_83 = arith.andi %shift_right_arithmetic3A_81, %and3A_82 : i32
    %eq3A_84 = arith.constant 0 : i32
    %eq3A_85 = arith.cmpi eq, %and3A_83, %eq3A_84 : i32
    %select_n3A_86 = arith.select %eq3A_85, %select_n3A, %select_n3A_9 : i32
    %eq3A_87 = arith.constant 0 : i32
    %eq3A_88 = arith.cmpi eq, %and3A_83, %eq3A_87 : i32
    %select_n3A_89 = arith.select %eq3A_88, %select_n3A_14, %select_n3A_19 : i32
    %eq3A_90 = arith.constant 0 : i32
    %eq3A_91 = arith.cmpi eq, %and3A_83, %eq3A_90 : i32
    %select_n3A_92 = arith.select %eq3A_91, %select_n3A_24, %select_n3A_29 : i32
    %eq3A_93 = arith.constant 0 : i32
    %eq3A_94 = arith.cmpi eq, %and3A_83, %eq3A_93 : i32
    %select_n3A_95 = arith.select %eq3A_94, %select_n3A_34, %select_n3A_39 : i32
    %eq3A_96 = arith.constant 0 : i32
    %eq3A_97 = arith.cmpi eq, %and3A_83, %eq3A_96 : i32
    %select_n3A_98 = arith.select %eq3A_97, %select_n3A_44, %select_n3A_49 : i32
    %eq3A_99 = arith.constant 0 : i32
    %eq3A_100 = arith.cmpi eq, %and3A_83, %eq3A_99 : i32
    %select_n3A_101 = arith.select %eq3A_100, %select_n3A_54, %select_n3A_59 : i32
    %eq3A_102 = arith.constant 0 : i32
    %eq3A_103 = arith.cmpi eq, %and3A_83, %eq3A_102 : i32
    %select_n3A_104 = arith.select %eq3A_103, %select_n3A_64, %select_n3A_69 : i32
    %eq3A_105 = arith.constant 0 : i32
    %eq3A_106 = arith.cmpi eq, %and3A_83, %eq3A_105 : i32
    %select_n3A_107 = arith.select %eq3A_106, %select_n3A_74, %select_n3A_79 : i32
    %shift_right_arithmetic3A_108 = arith.constant 2 : i32
    %shift_right_arithmetic3A_109 = arith.shrsi %add3A, %shift_right_arithmetic3A_108 : i32
    %and3A_110 = arith.constant 1 : i32
    %and3A_111 = arith.andi %shift_right_arithmetic3A_109, %and3A_110 : i32
    %eq3A_112 = arith.constant 0 : i32
    %eq3A_113 = arith.cmpi eq, %and3A_111, %eq3A_112 : i32
    %select_n3A_114 = arith.select %eq3A_113, %select_n3A_86, %select_n3A_89 : i32
    %eq3A_115 = arith.constant 0 : i32
    %eq3A_116 = arith.cmpi eq, %and3A_111, %eq3A_115 : i32
    %select_n3A_117 = arith.select %eq3A_116, %select_n3A_92, %select_n3A_95 : i32
    %eq3A_118 = arith.constant 0 : i32
    %eq3A_119 = arith.cmpi eq, %and3A_111, %eq3A_118 : i32
    %select_n3A_120 = arith.select %eq3A_119, %select_n3A_98, %select_n3A_101 : i32
    %eq3A_121 = arith.constant 0 : i32
    %eq3A_122 = arith.cmpi eq, %and3A_111, %eq3A_121 : i32
    %select_n3A_123 = arith.select %eq3A_122, %select_n3A_104, %select_n3A_107 : i32
    %shift_right_arithmetic3A_124 = arith.constant 3 : i32
    %shift_right_arithmetic3A_125 = arith.shrsi %add3A, %shift_right_arithmetic3A_124 : i32
    %and3A_126 = arith.constant 1 : i32
    %and3A_127 = arith.andi %shift_right_arithmetic3A_125, %and3A_126 : i32
    %eq3A_128 = arith.constant 0 : i32
    %eq3A_129 = arith.cmpi eq, %and3A_127, %eq3A_128 : i32
    %select_n3A_130 = arith.select %eq3A_129, %select_n3A_114, %select_n3A_117 : i32
    %eq3A_131 = arith.constant 0 : i32
    %eq3A_132 = arith.cmpi eq, %and3A_127, %eq3A_131 : i32
    %select_n3A_133 = arith.select %eq3A_132, %select_n3A_120, %select_n3A_123 : i32
    %shift_right_arithmetic3A_134 = arith.constant 4 : i32
    %shift_right_arithmetic3A_135 = arith.shrsi %add3A, %shift_right_arithmetic3A_134 : i32
    %and3A_136 = arith.constant 1 : i32
    %and3A_137 = arith.andi %shift_right_arithmetic3A_135, %and3A_136 : i32
    %eq3A_138 = arith.constant 0 : i32
    %eq3A_139 = arith.cmpi eq, %and3A_137, %eq3A_138 : i32
    %select_n3A_140 = arith.select %eq3A_139, %select_n3A_130, %select_n3A_133 : i32
    %shift_right_arithmetic3A_141 = arith.constant 0 : i32
    %shift_right_arithmetic3A_142 = arith.shrsi %add3A, %shift_right_arithmetic3A_141 : i32
    %and3A_143 = arith.constant 1 : i32
    %and3A_144 = arith.andi %shift_right_arithmetic3A_142, %and3A_143 : i32
    %eq3A_145 = arith.constant 0 : i32
    %eq3A_146 = arith.cmpi eq, %and3A_144, %eq3A_145 : i32
    %jit3A_147 = arith.constant 58 : i32
    %jit3A_148 = arith.constant 59 : i32
    %select_n3A_149 = arith.select %eq3A_146, %jit3A_147, %jit3A_148 : i32
    %eq3A_150 = arith.constant 0 : i32
    %eq3A_151 = arith.cmpi eq, %and3A_144, %eq3A_150 : i32
    %jit3A_152 = arith.constant 62 : i32
    %jit3A_153 = arith.constant 66 : i32
    %select_n3A_154 = arith.select %eq3A_151, %jit3A_152, %jit3A_153 : i32
    %eq3A_155 = arith.constant 0 : i32
    %eq3A_156 = arith.cmpi eq, %and3A_144, %eq3A_155 : i32
    %jit3A_157 = arith.constant 68 : i32
    %jit3A_158 = arith.constant 72 : i32
    %select_n3A_159 = arith.select %eq3A_156, %jit3A_157, %jit3A_158 : i32
    %eq3A_160 = arith.constant 0 : i32
    %eq3A_161 = arith.cmpi eq, %and3A_144, %eq3A_160 : i32
    %jit3A_162 = arith.constant 75 : i32
    %jit3A_163 = arith.constant 76 : i32
    %select_n3A_164 = arith.select %eq3A_161, %jit3A_162, %jit3A_163 : i32
    %eq3A_165 = arith.constant 0 : i32
    %eq3A_166 = arith.cmpi eq, %and3A_144, %eq3A_165 : i32
    %jit3A_167 = arith.constant 79 : i32
    %jit3A_168 = arith.constant 81 : i32
    %select_n3A_169 = arith.select %eq3A_166, %jit3A_167, %jit3A_168 : i32
    %eq3A_170 = arith.constant 0 : i32
    %eq3A_171 = arith.cmpi eq, %and3A_144, %eq3A_170 : i32
    %jit3A_172 = arith.constant 82 : i32
    %jit3A_173 = arith.constant 83 : i32
    %select_n3A_174 = arith.select %eq3A_171, %jit3A_172, %jit3A_173 : i32
    %eq3A_175 = arith.constant 0 : i32
    %eq3A_176 = arith.cmpi eq, %and3A_144, %eq3A_175 : i32
    %jit3A_177 = arith.constant 87 : i32
    %jit3A_178 = arith.constant 88 : i32
    %select_n3A_179 = arith.select %eq3A_176, %jit3A_177, %jit3A_178 : i32
    %eq3A_180 = arith.constant 0 : i32
    %eq3A_181 = arith.cmpi eq, %and3A_144, %eq3A_180 : i32
    %jit3A_182 = arith.constant 89 : i32
    %jit3A_183 = arith.constant 90 : i32
    %select_n3A_184 = arith.select %eq3A_181, %jit3A_182, %jit3A_183 : i32
    %eq3A_185 = arith.constant 0 : i32
    %eq3A_186 = arith.cmpi eq, %and3A_144, %eq3A_185 : i32
    %jit3A_187 = arith.constant 93 : i32
    %jit3A_188 = arith.constant 95 : i32
    %select_n3A_189 = arith.select %eq3A_186, %jit3A_187, %jit3A_188 : i32
    %eq3A_190 = arith.constant 0 : i32
    %eq3A_191 = arith.cmpi eq, %and3A_144, %eq3A_190 : i32
    %jit3A_192 = arith.constant 97 : i32
    %jit3A_193 = arith.constant 98 : i32
    %select_n3A_194 = arith.select %eq3A_191, %jit3A_192, %jit3A_193 : i32
    %eq3A_195 = arith.constant 0 : i32
    %eq3A_196 = arith.cmpi eq, %and3A_144, %eq3A_195 : i32
    %jit3A_197 = arith.constant 100 : i32
    %jit3A_198 = arith.constant 101 : i32
    %select_n3A_199 = arith.select %eq3A_196, %jit3A_197, %jit3A_198 : i32
    %eq3A_200 = arith.constant 0 : i32
    %eq3A_201 = arith.cmpi eq, %and3A_144, %eq3A_200 : i32
    %jit3A_202 = arith.constant 104 : i32
    %jit3A_203 = arith.constant 105 : i32
    %select_n3A_204 = arith.select %eq3A_201, %jit3A_202, %jit3A_203 : i32
    %eq3A_205 = arith.constant 0 : i32
    %eq3A_206 = arith.cmpi eq, %and3A_144, %eq3A_205 : i32
    %jit3A_207 = arith.constant 110 : i32
    %jit3A_208 = arith.constant 111 : i32
    %select_n3A_209 = arith.select %eq3A_206, %jit3A_207, %jit3A_208 : i32
    %eq3A_210 = arith.constant 0 : i32
    %eq3A_211 = arith.cmpi eq, %and3A_144, %eq3A_210 : i32
    %jit3A_212 = arith.constant 113 : i32
    %jit3A_213 = arith.constant 114 : i32
    %select_n3A_214 = arith.select %eq3A_211, %jit3A_212, %jit3A_213 : i32
    %eq3A_215 = arith.constant 0 : i32
    %eq3A_216 = arith.cmpi eq, %and3A_144, %eq3A_215 : i32
    %jit3A_217 = arith.constant 116 : i32
    %jit3A_218 = arith.constant 117 : i32
    %select_n3A_219 = arith.select %eq3A_216, %jit3A_217, %jit3A_218 : i32
    %eq3A_220 = arith.constant 0 : i32
    %eq3A_221 = arith.cmpi eq, %and3A_144, %eq3A_220 : i32
    %jit3A_222 = arith.constant 118 : i32
    %jit3A_223 = arith.constant 123 : i32
    %select_n3A_224 = arith.select %eq3A_221, %jit3A_222, %jit3A_223 : i32
    %shift_right_arithmetic3A_225 = arith.constant 1 : i32
    %shift_right_arithmetic3A_226 = arith.shrsi %add3A, %shift_right_arithmetic3A_225 : i32
    %and3A_227 = arith.constant 1 : i32
    %and3A_228 = arith.andi %shift_right_arithmetic3A_226, %and3A_227 : i32
    %eq3A_229 = arith.constant 0 : i32
    %eq3A_230 = arith.cmpi eq, %and3A_228, %eq3A_229 : i32
    %select_n3A_231 = arith.select %eq3A_230, %select_n3A_149, %select_n3A_154 : i32
    %eq3A_232 = arith.constant 0 : i32
    %eq3A_233 = arith.cmpi eq, %and3A_228, %eq3A_232 : i32
    %select_n3A_234 = arith.select %eq3A_233, %select_n3A_159, %select_n3A_164 : i32
    %eq3A_235 = arith.constant 0 : i32
    %eq3A_236 = arith.cmpi eq, %and3A_228, %eq3A_235 : i32
    %select_n3A_237 = arith.select %eq3A_236, %select_n3A_169, %select_n3A_174 : i32
    %eq3A_238 = arith.constant 0 : i32
    %eq3A_239 = arith.cmpi eq, %and3A_228, %eq3A_238 : i32
    %select_n3A_240 = arith.select %eq3A_239, %select_n3A_179, %select_n3A_184 : i32
    %eq3A_241 = arith.constant 0 : i32
    %eq3A_242 = arith.cmpi eq, %and3A_228, %eq3A_241 : i32
    %select_n3A_243 = arith.select %eq3A_242, %select_n3A_189, %select_n3A_194 : i32
    %eq3A_244 = arith.constant 0 : i32
    %eq3A_245 = arith.cmpi eq, %and3A_228, %eq3A_244 : i32
    %select_n3A_246 = arith.select %eq3A_245, %select_n3A_199, %select_n3A_204 : i32
    %eq3A_247 = arith.constant 0 : i32
    %eq3A_248 = arith.cmpi eq, %and3A_228, %eq3A_247 : i32
    %select_n3A_249 = arith.select %eq3A_248, %select_n3A_209, %select_n3A_214 : i32
    %eq3A_250 = arith.constant 0 : i32
    %eq3A_251 = arith.cmpi eq, %and3A_228, %eq3A_250 : i32
    %select_n3A_252 = arith.select %eq3A_251, %select_n3A_219, %select_n3A_224 : i32
    %shift_right_arithmetic3A_253 = arith.constant 2 : i32
    %shift_right_arithmetic3A_254 = arith.shrsi %add3A, %shift_right_arithmetic3A_253 : i32
    %and3A_255 = arith.constant 1 : i32
    %and3A_256 = arith.andi %shift_right_arithmetic3A_254, %and3A_255 : i32
    %eq3A_257 = arith.constant 0 : i32
    %eq3A_258 = arith.cmpi eq, %and3A_256, %eq3A_257 : i32
    %select_n3A_259 = arith.select %eq3A_258, %select_n3A_231, %select_n3A_234 : i32
    %eq3A_260 = arith.constant 0 : i32
    %eq3A_261 = arith.cmpi eq, %and3A_256, %eq3A_260 : i32
    %select_n3A_262 = arith.select %eq3A_261, %select_n3A_237, %select_n3A_240 : i32
    %eq3A_263 = arith.constant 0 : i32
    %eq3A_264 = arith.cmpi eq, %and3A_256, %eq3A_263 : i32
    %select_n3A_265 = arith.select %eq3A_264, %select_n3A_243, %select_n3A_246 : i32
    %eq3A_266 = arith.constant 0 : i32
    %eq3A_267 = arith.cmpi eq, %and3A_256, %eq3A_266 : i32
    %select_n3A_268 = arith.select %eq3A_267, %select_n3A_249, %select_n3A_252 : i32
    %shift_right_arithmetic3A_269 = arith.constant 3 : i32
    %shift_right_arithmetic3A_270 = arith.shrsi %add3A, %shift_right_arithmetic3A_269 : i32
    %and3A_271 = arith.constant 1 : i32
    %and3A_272 = arith.andi %shift_right_arithmetic3A_270, %and3A_271 : i32
    %eq3A_273 = arith.constant 0 : i32
    %eq3A_274 = arith.cmpi eq, %and3A_272, %eq3A_273 : i32
    %select_n3A_275 = arith.select %eq3A_274, %select_n3A_259, %select_n3A_262 : i32
    %eq3A_276 = arith.constant 0 : i32
    %eq3A_277 = arith.cmpi eq, %and3A_272, %eq3A_276 : i32
    %select_n3A_278 = arith.select %eq3A_277, %select_n3A_265, %select_n3A_268 : i32
    %shift_right_arithmetic3A_279 = arith.constant 4 : i32
    %shift_right_arithmetic3A_280 = arith.shrsi %add3A, %shift_right_arithmetic3A_279 : i32
    %and3A_281 = arith.constant 1 : i32
    %and3A_282 = arith.andi %shift_right_arithmetic3A_280, %and3A_281 : i32
    %eq3A_283 = arith.constant 0 : i32
    %eq3A_284 = arith.cmpi eq, %and3A_282, %eq3A_283 : i32
    %select_n3A_285 = arith.select %eq3A_284, %select_n3A_275, %select_n3A_278 : i32
    %shift_right_arithmetic3A_286 = arith.constant 0 : i32
    %shift_right_arithmetic3A_287 = arith.shrsi %add3A, %shift_right_arithmetic3A_286 : i32
    %and3A_288 = arith.constant 1 : i32
    %and3A_289 = arith.andi %shift_right_arithmetic3A_287, %and3A_288 : i32
    %eq3A_290 = arith.constant 0 : i32
    %eq3A_291 = arith.cmpi eq, %and3A_289, %eq3A_290 : i32
    %jit3A_292 = arith.constant 124 : i32
    %jit3A_293 = arith.constant 126 : i32
    %select_n3A_294 = arith.select %eq3A_291, %jit3A_292, %jit3A_293 : i32
    %eq3A_295 = arith.constant 0 : i32
    %eq3A_296 = arith.cmpi eq, %and3A_289, %eq3A_295 : i32
    %jit3A_297 = arith.constant 127 : i32
    %jit3A_298 = arith.constant 10 : i32
    %select_n3A_299 = arith.select %eq3A_296, %jit3A_297, %jit3A_298 : i32
    %eq3A_300 = arith.constant 0 : i32
    %eq3A_301 = arith.cmpi eq, %and3A_289, %eq3A_300 : i32
    %jit3A_302 = arith.constant 18 : i32
    %jit3A_303 = arith.constant 21 : i32
    %select_n3A_304 = arith.select %eq3A_301, %jit3A_302, %jit3A_303 : i32
    %eq3A_305 = arith.constant 0 : i32
    %eq3A_306 = arith.cmpi eq, %and3A_289, %eq3A_305 : i32
    %jit3A_307 = arith.constant 24 : i32
    %jit3A_308 = arith.constant 27 : i32
    %select_n3A_309 = arith.select %eq3A_306, %jit3A_307, %jit3A_308 : i32
    %eq3A_310 = arith.constant 0 : i32
    %eq3A_311 = arith.cmpi eq, %and3A_289, %eq3A_310 : i32
    %jit3A_312 = arith.constant 32 : i32
    %jit3A_313 = arith.constant 38 : i32
    %select_n3A_314 = arith.select %eq3A_311, %jit3A_312, %jit3A_313 : i32
    %eq3A_315 = arith.constant 0 : i32
    %eq3A_316 = arith.cmpi eq, %and3A_289, %eq3A_315 : i32
    %jit3A_317 = arith.constant 40 : i32
    %jit3A_318 = arith.constant 45 : i32
    %select_n3A_319 = arith.select %eq3A_316, %jit3A_317, %jit3A_318 : i32
    %eq3A_320 = arith.constant 0 : i32
    %eq3A_321 = arith.cmpi eq, %and3A_289, %eq3A_320 : i32
    %jit3A_322 = arith.constant 51 : i32
    %jit3A_323 = arith.constant 55 : i32
    %select_n3A_324 = arith.select %eq3A_321, %jit3A_322, %jit3A_323 : i32
    %eq3A_325 = arith.constant 0 : i32
    %eq3A_326 = arith.cmpi eq, %and3A_289, %eq3A_325 : i32
    %jit3A_327 = arith.constant 57 : i32
    %jit3A_328 = arith.constant 61 : i32
    %select_n3A_329 = arith.select %eq3A_326, %jit3A_327, %jit3A_328 : i32
    %eq3A_330 = arith.constant 0 : i32
    %eq3A_331 = arith.cmpi eq, %and3A_289, %eq3A_330 : i32
    %jit3A_332 = arith.constant 64 : i32
    %jit3A_333 = arith.constant 67 : i32
    %select_n3A_334 = arith.select %eq3A_331, %jit3A_332, %jit3A_333 : i32
    %eq3A_335 = arith.constant 0 : i32
    %eq3A_336 = arith.cmpi eq, %and3A_289, %eq3A_335 : i32
    %jit3A_337 = arith.constant 70 : i32
    %jit3A_338 = arith.constant 73 : i32
    %select_n3A_339 = arith.select %eq3A_336, %jit3A_337, %jit3A_338 : i32
    %eq3A_340 = arith.constant 0 : i32
    %eq3A_341 = arith.cmpi eq, %and3A_289, %eq3A_340 : i32
    %jit3A_342 = arith.constant 77 : i32
    %jit3A_343 = arith.constant 80 : i32
    %select_n3A_344 = arith.select %eq3A_341, %jit3A_342, %jit3A_343 : i32
    %eq3A_345 = arith.constant 0 : i32
    %eq3A_346 = arith.cmpi eq, %and3A_289, %eq3A_345 : i32
    %jit3A_347 = arith.constant 85 : i32
    %jit3A_348 = arith.constant 91 : i32
    %select_n3A_349 = arith.select %eq3A_346, %jit3A_347, %jit3A_348 : i32
    %eq3A_350 = arith.constant 0 : i32
    %eq3A_351 = arith.cmpi eq, %and3A_289, %eq3A_350 : i32
    %jit3A_352 = arith.constant 94 : i32
    %jit3A_353 = arith.constant 99 : i32
    %select_n3A_354 = arith.select %eq3A_351, %jit3A_352, %jit3A_353 : i32
    %eq3A_355 = arith.constant 0 : i32
    %eq3A_356 = arith.cmpi eq, %and3A_289, %eq3A_355 : i32
    %jit3A_357 = arith.constant 103 : i32
    %jit3A_358 = arith.constant 107 : i32
    %select_n3A_359 = arith.select %eq3A_356, %jit3A_357, %jit3A_358 : i32
    %eq3A_360 = arith.constant 0 : i32
    %eq3A_361 = arith.cmpi eq, %and3A_289, %eq3A_360 : i32
    %jit3A_362 = arith.constant 109 : i32
    %jit3A_363 = arith.constant 115 : i32
    %select_n3A_364 = arith.select %eq3A_361, %jit3A_362, %jit3A_363 : i32
    %eq3A_365 = arith.constant 0 : i32
    %eq3A_366 = arith.cmpi eq, %and3A_289, %eq3A_365 : i32
    %jit3A_367 = arith.constant 120 : i32
    %jit3A_368 = arith.constant 122 : i32
    %select_n3A_369 = arith.select %eq3A_366, %jit3A_367, %jit3A_368 : i32
    %shift_right_arithmetic3A_370 = arith.constant 1 : i32
    %shift_right_arithmetic3A_371 = arith.shrsi %add3A, %shift_right_arithmetic3A_370 : i32
    %and3A_372 = arith.constant 1 : i32
    %and3A_373 = arith.andi %shift_right_arithmetic3A_371, %and3A_372 : i32
    %eq3A_374 = arith.constant 0 : i32
    %eq3A_375 = arith.cmpi eq, %and3A_373, %eq3A_374 : i32
    %select_n3A_376 = arith.select %eq3A_375, %select_n3A_294, %select_n3A_299 : i32
    %eq3A_377 = arith.constant 0 : i32
    %eq3A_378 = arith.cmpi eq, %and3A_373, %eq3A_377 : i32
    %select_n3A_379 = arith.select %eq3A_378, %select_n3A_304, %select_n3A_309 : i32
    %eq3A_380 = arith.constant 0 : i32
    %eq3A_381 = arith.cmpi eq, %and3A_373, %eq3A_380 : i32
    %select_n3A_382 = arith.select %eq3A_381, %select_n3A_314, %select_n3A_319 : i32
    %eq3A_383 = arith.constant 0 : i32
    %eq3A_384 = arith.cmpi eq, %and3A_373, %eq3A_383 : i32
    %select_n3A_385 = arith.select %eq3A_384, %select_n3A_324, %select_n3A_329 : i32
    %eq3A_386 = arith.constant 0 : i32
    %eq3A_387 = arith.cmpi eq, %and3A_373, %eq3A_386 : i32
    %select_n3A_388 = arith.select %eq3A_387, %select_n3A_334, %select_n3A_339 : i32
    %eq3A_389 = arith.constant 0 : i32
    %eq3A_390 = arith.cmpi eq, %and3A_373, %eq3A_389 : i32
    %select_n3A_391 = arith.select %eq3A_390, %select_n3A_344, %select_n3A_349 : i32
    %eq3A_392 = arith.constant 0 : i32
    %eq3A_393 = arith.cmpi eq, %and3A_373, %eq3A_392 : i32
    %select_n3A_394 = arith.select %eq3A_393, %select_n3A_354, %select_n3A_359 : i32
    %eq3A_395 = arith.constant 0 : i32
    %eq3A_396 = arith.cmpi eq, %and3A_373, %eq3A_395 : i32
    %select_n3A_397 = arith.select %eq3A_396, %select_n3A_364, %select_n3A_369 : i32
    %shift_right_arithmetic3A_398 = arith.constant 2 : i32
    %shift_right_arithmetic3A_399 = arith.shrsi %add3A, %shift_right_arithmetic3A_398 : i32
    %and3A_400 = arith.constant 1 : i32
    %and3A_401 = arith.andi %shift_right_arithmetic3A_399, %and3A_400 : i32
    %eq3A_402 = arith.constant 0 : i32
    %eq3A_403 = arith.cmpi eq, %and3A_401, %eq3A_402 : i32
    %select_n3A_404 = arith.select %eq3A_403, %select_n3A_376, %select_n3A_379 : i32
    %eq3A_405 = arith.constant 0 : i32
    %eq3A_406 = arith.cmpi eq, %and3A_401, %eq3A_405 : i32
    %select_n3A_407 = arith.select %eq3A_406, %select_n3A_382, %select_n3A_385 : i32
    %eq3A_408 = arith.constant 0 : i32
    %eq3A_409 = arith.cmpi eq, %and3A_401, %eq3A_408 : i32
    %select_n3A_410 = arith.select %eq3A_409, %select_n3A_388, %select_n3A_391 : i32
    %eq3A_411 = arith.constant 0 : i32
    %eq3A_412 = arith.cmpi eq, %and3A_401, %eq3A_411 : i32
    %select_n3A_413 = arith.select %eq3A_412, %select_n3A_394, %select_n3A_397 : i32
    %shift_right_arithmetic3A_414 = arith.constant 3 : i32
    %shift_right_arithmetic3A_415 = arith.shrsi %add3A, %shift_right_arithmetic3A_414 : i32
    %and3A_416 = arith.constant 1 : i32
    %and3A_417 = arith.andi %shift_right_arithmetic3A_415, %and3A_416 : i32
    %eq3A_418 = arith.constant 0 : i32
    %eq3A_419 = arith.cmpi eq, %and3A_417, %eq3A_418 : i32
    %select_n3A_420 = arith.select %eq3A_419, %select_n3A_404, %select_n3A_407 : i32
    %eq3A_421 = arith.constant 0 : i32
    %eq3A_422 = arith.cmpi eq, %and3A_417, %eq3A_421 : i32
    %select_n3A_423 = arith.select %eq3A_422, %select_n3A_410, %select_n3A_413 : i32
    %shift_right_arithmetic3A_424 = arith.constant 4 : i32
    %shift_right_arithmetic3A_425 = arith.shrsi %add3A, %shift_right_arithmetic3A_424 : i32
    %and3A_426 = arith.constant 1 : i32
    %and3A_427 = arith.andi %shift_right_arithmetic3A_425, %and3A_426 : i32
    %eq3A_428 = arith.constant 0 : i32
    %eq3A_429 = arith.cmpi eq, %and3A_427, %eq3A_428 : i32
    %select_n3A_430 = arith.select %eq3A_429, %select_n3A_420, %select_n3A_423 : i32
    %shift_right_arithmetic3A_431 = arith.constant 0 : i32
    %shift_right_arithmetic3A_432 = arith.shrsi %add3A, %shift_right_arithmetic3A_431 : i32
    %and3A_433 = arith.constant 1 : i32
    %and3A_434 = arith.andi %shift_right_arithmetic3A_432, %and3A_433 : i32
    %eq3A_435 = arith.constant 0 : i32
    %eq3A_436 = arith.cmpi eq, %and3A_434, %eq3A_435 : i32
    %jit3A_437 = arith.constant 0 : i32
    %jit3A_438 = arith.constant 4 : i32
    %select_n3A_439 = arith.select %eq3A_436, %jit3A_437, %jit3A_438 : i32
    %eq3A_440 = arith.constant 0 : i32
    %eq3A_441 = arith.cmpi eq, %and3A_434, %eq3A_440 : i32
    %jit3A_442 = arith.constant 6 : i32
    %jit3A_443 = arith.constant 14 : i32
    %select_n3A_444 = arith.select %eq3A_441, %jit3A_442, %jit3A_443 : i32
    %eq3A_445 = arith.constant 0 : i32
    %eq3A_446 = arith.cmpi eq, %and3A_434, %eq3A_445 : i32
    %jit3A_447 = arith.constant 20 : i32
    %jit3A_448 = arith.constant 22 : i32
    %select_n3A_449 = arith.select %eq3A_446, %jit3A_447, %jit3A_448 : i32
    %eq3A_450 = arith.constant 0 : i32
    %eq3A_451 = arith.cmpi eq, %and3A_434, %eq3A_450 : i32
    %jit3A_452 = arith.constant 26 : i32
    %jit3A_453 = arith.constant 31 : i32
    %select_n3A_454 = arith.select %eq3A_451, %jit3A_452, %jit3A_453 : i32
    %eq3A_455 = arith.constant 0 : i32
    %eq3A_456 = arith.cmpi eq, %and3A_434, %eq3A_455 : i32
    %jit3A_457 = arith.constant 35 : i32
    %jit3A_458 = arith.constant 39 : i32
    %select_n3A_459 = arith.select %eq3A_456, %jit3A_457, %jit3A_458 : i32
    %eq3A_460 = arith.constant 0 : i32
    %eq3A_461 = arith.cmpi eq, %and3A_434, %eq3A_460 : i32
    %jit3A_462 = arith.constant 42 : i32
    %jit3A_463 = arith.constant 49 : i32
    %select_n3A_464 = arith.select %eq3A_461, %jit3A_462, %jit3A_463 : i32
    %eq3A_465 = arith.constant 0 : i32
    %eq3A_466 = arith.cmpi eq, %and3A_434, %eq3A_465 : i32
    %jit3A_467 = arith.constant 52 : i32
    %jit3A_468 = arith.constant 56 : i32
    %select_n3A_469 = arith.select %eq3A_466, %jit3A_467, %jit3A_468 : i32
    %eq3A_470 = arith.constant 0 : i32
    %eq3A_471 = arith.cmpi eq, %and3A_434, %eq3A_470 : i32
    %jit3A_472 = arith.constant 60 : i32
    %jit3A_473 = arith.constant 63 : i32
    %select_n3A_474 = arith.select %eq3A_471, %jit3A_472, %jit3A_473 : i32
    %eq3A_475 = arith.constant 0 : i32
    %eq3A_476 = arith.cmpi eq, %and3A_434, %eq3A_475 : i32
    %jit3A_477 = arith.constant 65 : i32
    %jit3A_478 = arith.constant 69 : i32
    %select_n3A_479 = arith.select %eq3A_476, %jit3A_477, %jit3A_478 : i32
    %eq3A_480 = arith.constant 0 : i32
    %eq3A_481 = arith.cmpi eq, %and3A_434, %eq3A_480 : i32
    %jit3A_482 = arith.constant 71 : i32
    %jit3A_483 = arith.constant 74 : i32
    %select_n3A_484 = arith.select %eq3A_481, %jit3A_482, %jit3A_483 : i32
    %eq3A_485 = arith.constant 0 : i32
    %eq3A_486 = arith.cmpi eq, %and3A_434, %eq3A_485 : i32
    %jit3A_487 = arith.constant 78 : i32
    %jit3A_488 = arith.constant 84 : i32
    %select_n3A_489 = arith.select %eq3A_486, %jit3A_487, %jit3A_488 : i32
    %eq3A_490 = arith.constant 0 : i32
    %eq3A_491 = arith.cmpi eq, %and3A_434, %eq3A_490 : i32
    %jit3A_492 = arith.constant 86 : i32
    %jit3A_493 = arith.constant 92 : i32
    %select_n3A_494 = arith.select %eq3A_491, %jit3A_492, %jit3A_493 : i32
    %eq3A_495 = arith.constant 0 : i32
    %eq3A_496 = arith.cmpi eq, %and3A_434, %eq3A_495 : i32
    %jit3A_497 = arith.constant 96 : i32
    %jit3A_498 = arith.constant 102 : i32
    %select_n3A_499 = arith.select %eq3A_496, %jit3A_497, %jit3A_498 : i32
    %eq3A_500 = arith.constant 0 : i32
    %eq3A_501 = arith.cmpi eq, %and3A_434, %eq3A_500 : i32
    %jit3A_502 = arith.constant 106 : i32
    %jit3A_503 = arith.constant 108 : i32
    %select_n3A_504 = arith.select %eq3A_501, %jit3A_502, %jit3A_503 : i32
    %eq3A_505 = arith.constant 0 : i32
    %eq3A_506 = arith.cmpi eq, %and3A_434, %eq3A_505 : i32
    %jit3A_507 = arith.constant 112 : i32
    %jit3A_508 = arith.constant 119 : i32
    %select_n3A_509 = arith.select %eq3A_506, %jit3A_507, %jit3A_508 : i32
    %eq3A_510 = arith.constant 0 : i32
    %eq3A_511 = arith.cmpi eq, %and3A_434, %eq3A_510 : i32
    %jit3A_512 = arith.constant 121 : i32
    %jit3A_513 = arith.constant 125 : i32
    %select_n3A_514 = arith.select %eq3A_511, %jit3A_512, %jit3A_513 : i32
    %shift_right_arithmetic3A_515 = arith.constant 1 : i32
    %shift_right_arithmetic3A_516 = arith.shrsi %add3A, %shift_right_arithmetic3A_515 : i32
    %and3A_517 = arith.constant 1 : i32
    %and3A_518 = arith.andi %shift_right_arithmetic3A_516, %and3A_517 : i32
    %eq3A_519 = arith.constant 0 : i32
    %eq3A_520 = arith.cmpi eq, %and3A_518, %eq3A_519 : i32
    %select_n3A_521 = arith.select %eq3A_520, %select_n3A_439, %select_n3A_444 : i32
    %eq3A_522 = arith.constant 0 : i32
    %eq3A_523 = arith.cmpi eq, %and3A_518, %eq3A_522 : i32
    %select_n3A_524 = arith.select %eq3A_523, %select_n3A_449, %select_n3A_454 : i32
    %eq3A_525 = arith.constant 0 : i32
    %eq3A_526 = arith.cmpi eq, %and3A_518, %eq3A_525 : i32
    %select_n3A_527 = arith.select %eq3A_526, %select_n3A_459, %select_n3A_464 : i32
    %eq3A_528 = arith.constant 0 : i32
    %eq3A_529 = arith.cmpi eq, %and3A_518, %eq3A_528 : i32
    %select_n3A_530 = arith.select %eq3A_529, %select_n3A_469, %select_n3A_474 : i32
    %eq3A_531 = arith.constant 0 : i32
    %eq3A_532 = arith.cmpi eq, %and3A_518, %eq3A_531 : i32
    %select_n3A_533 = arith.select %eq3A_532, %select_n3A_479, %select_n3A_484 : i32
    %eq3A_534 = arith.constant 0 : i32
    %eq3A_535 = arith.cmpi eq, %and3A_518, %eq3A_534 : i32
    %select_n3A_536 = arith.select %eq3A_535, %select_n3A_489, %select_n3A_494 : i32
    %eq3A_537 = arith.constant 0 : i32
    %eq3A_538 = arith.cmpi eq, %and3A_518, %eq3A_537 : i32
    %select_n3A_539 = arith.select %eq3A_538, %select_n3A_499, %select_n3A_504 : i32
    %eq3A_540 = arith.constant 0 : i32
    %eq3A_541 = arith.cmpi eq, %and3A_518, %eq3A_540 : i32
    %select_n3A_542 = arith.select %eq3A_541, %select_n3A_509, %select_n3A_514 : i32
    %shift_right_arithmetic3A_543 = arith.constant 2 : i32
    %shift_right_arithmetic3A_544 = arith.shrsi %add3A, %shift_right_arithmetic3A_543 : i32
    %and3A_545 = arith.constant 1 : i32
    %and3A_546 = arith.andi %shift_right_arithmetic3A_544, %and3A_545 : i32
    %eq3A_547 = arith.constant 0 : i32
    %eq3A_548 = arith.cmpi eq, %and3A_546, %eq3A_547 : i32
    %select_n3A_549 = arith.select %eq3A_548, %select_n3A_521, %select_n3A_524 : i32
    %eq3A_550 = arith.constant 0 : i32
    %eq3A_551 = arith.cmpi eq, %and3A_546, %eq3A_550 : i32
    %select_n3A_552 = arith.select %eq3A_551, %select_n3A_527, %select_n3A_530 : i32
    %eq3A_553 = arith.constant 0 : i32
    %eq3A_554 = arith.cmpi eq, %and3A_546, %eq3A_553 : i32
    %select_n3A_555 = arith.select %eq3A_554, %select_n3A_533, %select_n3A_536 : i32
    %eq3A_556 = arith.constant 0 : i32
    %eq3A_557 = arith.cmpi eq, %and3A_546, %eq3A_556 : i32
    %select_n3A_558 = arith.select %eq3A_557, %select_n3A_539, %select_n3A_542 : i32
    %shift_right_arithmetic3A_559 = arith.constant 3 : i32
    %shift_right_arithmetic3A_560 = arith.shrsi %add3A, %shift_right_arithmetic3A_559 : i32
    %and3A_561 = arith.constant 1 : i32
    %and3A_562 = arith.andi %shift_right_arithmetic3A_560, %and3A_561 : i32
    %eq3A_563 = arith.constant 0 : i32
    %eq3A_564 = arith.cmpi eq, %and3A_562, %eq3A_563 : i32
    %select_n3A_565 = arith.select %eq3A_564, %select_n3A_549, %select_n3A_552 : i32
    %eq3A_566 = arith.constant 0 : i32
    %eq3A_567 = arith.cmpi eq, %and3A_562, %eq3A_566 : i32
    %select_n3A_568 = arith.select %eq3A_567, %select_n3A_555, %select_n3A_558 : i32
    %shift_right_arithmetic3A_569 = arith.constant 4 : i32
    %shift_right_arithmetic3A_570 = arith.shrsi %add3A, %shift_right_arithmetic3A_569 : i32
    %and3A_571 = arith.constant 1 : i32
    %and3A_572 = arith.andi %shift_right_arithmetic3A_570, %and3A_571 : i32
    %eq3A_573 = arith.constant 0 : i32
    %eq3A_574 = arith.cmpi eq, %and3A_572, %eq3A_573 : i32
    %select_n3A_575 = arith.select %eq3A_574, %select_n3A_565, %select_n3A_568 : i32
    %shift_right_arithmetic3A_576 = arith.constant 0 : i32
    %shift_right_arithmetic3A_577 = arith.shrsi %add3A, %shift_right_arithmetic3A_576 : i32
    %and3A_578 = arith.constant 1 : i32
    %and3A_579 = arith.andi %shift_right_arithmetic3A_577, %and3A_578 : i32
    %eq3A_580 = arith.constant 0 : i32
    %eq3A_581 = arith.cmpi eq, %and3A_579, %eq3A_580 : i32
    %jit3A_582 = arith.constant 1 : i32
    %jit3A_583 = arith.constant 1 : i32
    %select_n3A_584 = arith.select %eq3A_581, %jit3A_582, %jit3A_583 : i32
    %eq3A_585 = arith.constant 0 : i32
    %eq3A_586 = arith.cmpi eq, %and3A_579, %eq3A_585 : i32
    %jit3A_587 = arith.constant 1 : i32
    %jit3A_588 = arith.constant 0 : i32
    %select_n3A_589 = arith.select %eq3A_586, %jit3A_587, %jit3A_588 : i32
    %eq3A_590 = arith.constant 0 : i32
    %eq3A_591 = arith.cmpi eq, %and3A_579, %eq3A_590 : i32
    %jit3A_592 = arith.constant 0 : i32
    %jit3A_593 = arith.constant 0 : i32
    %select_n3A_594 = arith.select %eq3A_591, %jit3A_592, %jit3A_593 : i32
    %eq3A_595 = arith.constant 0 : i32
    %eq3A_596 = arith.cmpi eq, %and3A_579, %eq3A_595 : i32
    %jit3A_597 = arith.constant 0 : i32
    %jit3A_598 = arith.constant 0 : i32
    %select_n3A_599 = arith.select %eq3A_596, %jit3A_597, %jit3A_598 : i32
    %eq3A_600 = arith.constant 0 : i32
    %eq3A_601 = arith.cmpi eq, %and3A_579, %eq3A_600 : i32
    %jit3A_602 = arith.constant 0 : i32
    %jit3A_603 = arith.constant 0 : i32
    %select_n3A_604 = arith.select %eq3A_601, %jit3A_602, %jit3A_603 : i32
    %eq3A_605 = arith.constant 0 : i32
    %eq3A_606 = arith.cmpi eq, %and3A_579, %eq3A_605 : i32
    %jit3A_607 = arith.constant 0 : i32
    %jit3A_608 = arith.constant 0 : i32
    %select_n3A_609 = arith.select %eq3A_606, %jit3A_607, %jit3A_608 : i32
    %eq3A_610 = arith.constant 0 : i32
    %eq3A_611 = arith.cmpi eq, %and3A_579, %eq3A_610 : i32
    %jit3A_612 = arith.constant 0 : i32
    %jit3A_613 = arith.constant 0 : i32
    %select_n3A_614 = arith.select %eq3A_611, %jit3A_612, %jit3A_613 : i32
    %eq3A_615 = arith.constant 0 : i32
    %eq3A_616 = arith.cmpi eq, %and3A_579, %eq3A_615 : i32
    %jit3A_617 = arith.constant 0 : i32
    %jit3A_618 = arith.constant 0 : i32
    %select_n3A_619 = arith.select %eq3A_616, %jit3A_617, %jit3A_618 : i32
    %eq3A_620 = arith.constant 0 : i32
    %eq3A_621 = arith.cmpi eq, %and3A_579, %eq3A_620 : i32
    %jit3A_622 = arith.constant 0 : i32
    %jit3A_623 = arith.constant 0 : i32
    %select_n3A_624 = arith.select %eq3A_621, %jit3A_622, %jit3A_623 : i32
    %eq3A_625 = arith.constant 0 : i32
    %eq3A_626 = arith.cmpi eq, %and3A_579, %eq3A_625 : i32
    %jit3A_627 = arith.constant 0 : i32
    %jit3A_628 = arith.constant 0 : i32
    %select_n3A_629 = arith.select %eq3A_626, %jit3A_627, %jit3A_628 : i32
    %eq3A_630 = arith.constant 0 : i32
    %eq3A_631 = arith.cmpi eq, %and3A_579, %eq3A_630 : i32
    %jit3A_632 = arith.constant 0 : i32
    %jit3A_633 = arith.constant 0 : i32
    %select_n3A_634 = arith.select %eq3A_631, %jit3A_632, %jit3A_633 : i32
    %eq3A_635 = arith.constant 0 : i32
    %eq3A_636 = arith.cmpi eq, %and3A_579, %eq3A_635 : i32
    %jit3A_637 = arith.constant 0 : i32
    %jit3A_638 = arith.constant 0 : i32
    %select_n3A_639 = arith.select %eq3A_636, %jit3A_637, %jit3A_638 : i32
    %eq3A_640 = arith.constant 0 : i32
    %eq3A_641 = arith.cmpi eq, %and3A_579, %eq3A_640 : i32
    %jit3A_642 = arith.constant 0 : i32
    %jit3A_643 = arith.constant 0 : i32
    %select_n3A_644 = arith.select %eq3A_641, %jit3A_642, %jit3A_643 : i32
    %eq3A_645 = arith.constant 0 : i32
    %eq3A_646 = arith.cmpi eq, %and3A_579, %eq3A_645 : i32
    %jit3A_647 = arith.constant 0 : i32
    %jit3A_648 = arith.constant 0 : i32
    %select_n3A_649 = arith.select %eq3A_646, %jit3A_647, %jit3A_648 : i32
    %eq3A_650 = arith.constant 0 : i32
    %eq3A_651 = arith.cmpi eq, %and3A_579, %eq3A_650 : i32
    %jit3A_652 = arith.constant 0 : i32
    %jit3A_653 = arith.constant 0 : i32
    %select_n3A_654 = arith.select %eq3A_651, %jit3A_652, %jit3A_653 : i32
    %eq3A_655 = arith.constant 0 : i32
    %eq3A_656 = arith.cmpi eq, %and3A_579, %eq3A_655 : i32
    %jit3A_657 = arith.constant 0 : i32
    %jit3A_658 = arith.constant 0 : i32
    %select_n3A_659 = arith.select %eq3A_656, %jit3A_657, %jit3A_658 : i32
    %shift_right_arithmetic3A_660 = arith.constant 1 : i32
    %shift_right_arithmetic3A_661 = arith.shrsi %add3A, %shift_right_arithmetic3A_660 : i32
    %and3A_662 = arith.constant 1 : i32
    %and3A_663 = arith.andi %shift_right_arithmetic3A_661, %and3A_662 : i32
    %eq3A_664 = arith.constant 0 : i32
    %eq3A_665 = arith.cmpi eq, %and3A_663, %eq3A_664 : i32
    %select_n3A_666 = arith.select %eq3A_665, %select_n3A_584, %select_n3A_589 : i32
    %eq3A_667 = arith.constant 0 : i32
    %eq3A_668 = arith.cmpi eq, %and3A_663, %eq3A_667 : i32
    %select_n3A_669 = arith.select %eq3A_668, %select_n3A_594, %select_n3A_599 : i32
    %eq3A_670 = arith.constant 0 : i32
    %eq3A_671 = arith.cmpi eq, %and3A_663, %eq3A_670 : i32
    %select_n3A_672 = arith.select %eq3A_671, %select_n3A_604, %select_n3A_609 : i32
    %eq3A_673 = arith.constant 0 : i32
    %eq3A_674 = arith.cmpi eq, %and3A_663, %eq3A_673 : i32
    %select_n3A_675 = arith.select %eq3A_674, %select_n3A_614, %select_n3A_619 : i32
    %eq3A_676 = arith.constant 0 : i32
    %eq3A_677 = arith.cmpi eq, %and3A_663, %eq3A_676 : i32
    %select_n3A_678 = arith.select %eq3A_677, %select_n3A_624, %select_n3A_629 : i32
    %eq3A_679 = arith.constant 0 : i32
    %eq3A_680 = arith.cmpi eq, %and3A_663, %eq3A_679 : i32
    %select_n3A_681 = arith.select %eq3A_680, %select_n3A_634, %select_n3A_639 : i32
    %eq3A_682 = arith.constant 0 : i32
    %eq3A_683 = arith.cmpi eq, %and3A_663, %eq3A_682 : i32
    %select_n3A_684 = arith.select %eq3A_683, %select_n3A_644, %select_n3A_649 : i32
    %eq3A_685 = arith.constant 0 : i32
    %eq3A_686 = arith.cmpi eq, %and3A_663, %eq3A_685 : i32
    %select_n3A_687 = arith.select %eq3A_686, %select_n3A_654, %select_n3A_659 : i32
    %shift_right_arithmetic3A_688 = arith.constant 2 : i32
    %shift_right_arithmetic3A_689 = arith.shrsi %add3A, %shift_right_arithmetic3A_688 : i32
    %and3A_690 = arith.constant 1 : i32
    %and3A_691 = arith.andi %shift_right_arithmetic3A_689, %and3A_690 : i32
    %eq3A_692 = arith.constant 0 : i32
    %eq3A_693 = arith.cmpi eq, %and3A_691, %eq3A_692 : i32
    %select_n3A_694 = arith.select %eq3A_693, %select_n3A_666, %select_n3A_669 : i32
    %eq3A_695 = arith.constant 0 : i32
    %eq3A_696 = arith.cmpi eq, %and3A_691, %eq3A_695 : i32
    %select_n3A_697 = arith.select %eq3A_696, %select_n3A_672, %select_n3A_675 : i32
    %eq3A_698 = arith.constant 0 : i32
    %eq3A_699 = arith.cmpi eq, %and3A_691, %eq3A_698 : i32
    %select_n3A_700 = arith.select %eq3A_699, %select_n3A_678, %select_n3A_681 : i32
    %eq3A_701 = arith.constant 0 : i32
    %eq3A_702 = arith.cmpi eq, %and3A_691, %eq3A_701 : i32
    %select_n3A_703 = arith.select %eq3A_702, %select_n3A_684, %select_n3A_687 : i32
    %shift_right_arithmetic3A_704 = arith.constant 3 : i32
    %shift_right_arithmetic3A_705 = arith.shrsi %add3A, %shift_right_arithmetic3A_704 : i32
    %and3A_706 = arith.constant 1 : i32
    %and3A_707 = arith.andi %shift_right_arithmetic3A_705, %and3A_706 : i32
    %eq3A_708 = arith.constant 0 : i32
    %eq3A_709 = arith.cmpi eq, %and3A_707, %eq3A_708 : i32
    %select_n3A_710 = arith.select %eq3A_709, %select_n3A_694, %select_n3A_697 : i32
    %eq3A_711 = arith.constant 0 : i32
    %eq3A_712 = arith.cmpi eq, %and3A_707, %eq3A_711 : i32
    %select_n3A_713 = arith.select %eq3A_712, %select_n3A_700, %select_n3A_703 : i32
    %shift_right_arithmetic3A_714 = arith.constant 4 : i32
    %shift_right_arithmetic3A_715 = arith.shrsi %add3A, %shift_right_arithmetic3A_714 : i32
    %and3A_716 = arith.constant 1 : i32
    %and3A_717 = arith.andi %shift_right_arithmetic3A_715, %and3A_716 : i32
    %eq3A_718 = arith.constant 0 : i32
    %eq3A_719 = arith.cmpi eq, %and3A_717, %eq3A_718 : i32
    %select_n3A_720 = arith.select %eq3A_719, %select_n3A_710, %select_n3A_713 : i32
    %dma_start3A = arith.constant 0 : i32
    %dma_start3A_721 = arith.constant 0 : i32
    %dma_start3A_722 = tpu.memref_slice %arg5[%dma_start3A, %dma_start3A_721] : memref<16x768xf32, #tpu.memory_space<vmem>> -> memref<1x768xf32, #tpu.memory_space<vmem>>
    %dma_start3A_723 = arith.constant 0 : i32
    %dma_start3A_724 = arith.constant 0 : i32
    %dma_start3A_725 = tpu.memref_slice %arg5[%dma_start3A_723, %dma_start3A_724] : memref<16x768xf32, #tpu.memory_space<vmem>> -> memref<1x768xf32, #tpu.memory_space<vmem>>
    tpu.enqueue_dma source(%arg3 : memref<1x768xf32, #tpu.memory_space<hbm>>) target(%dma_start3A_725 : memref<1x768xf32, #tpu.memory_space<vmem>>) target_semaphore(%arg9 : memref<!tpu.dma_semaphore, #tpu.memory_space<semaphore_mem>>)
    %dma_start3A_726 = arith.constant 1 : i32
    %dma_start3A_727 = arith.constant 0 : i32
    %dma_start3A_728 = tpu.memref_slice %arg5[%dma_start3A_726, %dma_start3A_727] : memref<16x768xf32, #tpu.memory_space<vmem>> -> memref<1x768xf32, #tpu.memory_space<vmem>>
    %dma_start3A_729 = arith.constant 1 : i32
    %dma_start3A_730 = arith.constant 0 : i32
    %dma_start3A_731 = tpu.memref_slice %arg5[%dma_start3A_729, %dma_start3A_730] : memref<16x768xf32, #tpu.memory_space<vmem>> -> memref<1x768xf32, #tpu.memory_space<vmem>>
    tpu.enqueue_dma source(%arg3 : memref<1x768xf32, #tpu.memory_space<hbm>>) target(%dma_start3A_731 : memref<1x768xf32, #tpu.memory_space<vmem>>) target_semaphore(%arg9 : memref<!tpu.dma_semaphore, #tpu.memory_space<semaphore_mem>>)
    %dma_start3A_732 = arith.constant 2 : i32
    %dma_start3A_733 = arith.constant 0 : i32
    %dma_start3A_734 = tpu.memref_slice %arg5[%dma_start3A_732, %dma_start3A_733] : memref<16x768xf32, #tpu.memory_space<vmem>> -> memref<1x768xf32, #tpu.memory_space<vmem>>
    %dma_start3A_735 = arith.constant 2 : i32
    %dma_start3A_736 = arith.constant 0 : i32
    %dma_start3A_737 = tpu.memref_slice %arg5[%dma_start3A_735, %dma_start3A_736] : memref<16x768xf32, #tpu.memory_space<vmem>> -> memref<1x768xf32, #tpu.memory_space<vmem>>
    tpu.enqueue_dma source(%arg3 : memref<1x768xf32, #tpu.memory_space<hbm>>) target(%dma_start3A_737 : memref<1x768xf32, #tpu.memory_space<vmem>>) target_semaphore(%arg9 : memref<!tpu.dma_semaphore, #tpu.memory_space<semaphore_mem>>)
    %dma_start3A_738 = arith.constant 3 : i32
    %dma_start3A_739 = arith.constant 0 : i32
    %dma_start3A_740 = tpu.memref_slice %arg5[%dma_start3A_738, %dma_start3A_739] : memref<16x768xf32, #tpu.memory_space<vmem>> -> memref<1x768xf32, #tpu.memory_space<vmem>>
    %dma_start3A_741 = arith.constant 3 : i32
    %dma_start3A_742 = arith.constant 0 : i32
    %dma_start3A_743 = tpu.memref_slice %arg5[%dma_start3A_741, %dma_start3A_742] : memref<16x768xf32, #tpu.memory_space<vmem>> -> memref<1x768xf32, #tpu.memory_space<vmem>>
    tpu.enqueue_dma source(%arg3 : memref<1x768xf32, #tpu.memory_space<hbm>>) target(%dma_start3A_743 : memref<1x768xf32, #tpu.memory_space<vmem>>) target_semaphore(%arg9 : memref<!tpu.dma_semaphore, #tpu.memory_space<semaphore_mem>>)
    %dma_start3A_744 = arith.constant 4 : i32
    %dma_start3A_745 = arith.constant 0 : i32
    %dma_start3A_746 = tpu.memref_slice %arg5[%dma_start3A_744, %dma_start3A_745] : memref<16x768xf32, #tpu.memory_space<vmem>> -> memref<1x768xf32, #tpu.memory_space<vmem>>
    %dma_start3A_747 = arith.constant 4 : i32
    %dma_start3A_748 = arith.constant 0 : i32
    %dma_start3A_749 = tpu.memref_slice %arg5[%dma_start3A_747, %dma_start3A_748] : memref<16x768xf32, #tpu.memory_space<vmem>> -> memref<1x768xf32, #tpu.memory_space<vmem>>
    tpu.enqueue_dma source(%arg3 : memref<1x768xf32, #tpu.memory_space<hbm>>) target(%dma_start3A_749 : memref<1x768xf32, #tpu.memory_space<vmem>>) target_semaphore(%arg9 : memref<!tpu.dma_semaphore, #tpu.memory_space<semaphore_mem>>)
    %dma_start3A_750 = arith.constant 5 : i32
    %dma_start3A_751 = arith.constant 0 : i32
    %dma_start3A_752 = tpu.memref_slice %arg5[%dma_start3A_750, %dma_start3A_751] : memref<16x768xf32, #tpu.memory_space<vmem>> -> memref<1x768xf32, #tpu.memory_space<vmem>>
    %dma_start3A_753 = arith.constant 5 : i32
    %dma_start3A_754 = arith.constant 0 : i32
    %dma_start3A_755 = tpu.memref_slice %arg5[%dma_start3A_753, %dma_start3A_754] : memref<16x768xf32, #tpu.memory_space<vmem>> -> memref<1x768xf32, #tpu.memory_space<vmem>>
    tpu.enqueue_dma source(%arg3 : memref<1x768xf32, #tpu.memory_space<hbm>>) target(%dma_start3A_755 : memref<1x768xf32, #tpu.memory_space<vmem>>) target_semaphore(%arg9 : memref<!tpu.dma_semaphore, #tpu.memory_space<semaphore_mem>>)
    %dma_start3A_756 = arith.constant 6 : i32
    %dma_start3A_757 = arith.constant 0 : i32
    %dma_start3A_758 = tpu.memref_slice %arg5[%dma_start3A_756, %dma_start3A_757] : memref<16x768xf32, #tpu.memory_space<vmem>> -> memref<1x768xf32, #tpu.memory_space<vmem>>
    %dma_start3A_759 = arith.constant 6 : i32
    %dma_start3A_760 = arith.constant 0 : i32
    %dma_start3A_761 = tpu.memref_slice %arg5[%dma_start3A_759, %dma_start3A_760] : memref<16x768xf32, #tpu.memory_space<vmem>> -> memref<1x768xf32, #tpu.memory_space<vmem>>
    tpu.enqueue_dma source(%arg3 : memref<1x768xf32, #tpu.memory_space<hbm>>) target(%dma_start3A_761 : memref<1x768xf32, #tpu.memory_space<vmem>>) target_semaphore(%arg9 : memref<!tpu.dma_semaphore, #tpu.memory_space<semaphore_mem>>)
    %dma_start3A_762 = arith.constant 7 : i32
    %dma_start3A_763 = arith.constant 0 : i32
    %dma_start3A_764 = tpu.memref_slice %arg5[%dma_start3A_762, %dma_start3A_763] : memref<16x768xf32, #tpu.memory_space<vmem>> -> memref<1x768xf32, #tpu.memory_space<vmem>>
    %dma_start3A_765 = arith.constant 7 : i32
    %dma_start3A_766 = arith.constant 0 : i32
    %dma_start3A_767 = tpu.memref_slice %arg5[%dma_start3A_765, %dma_start3A_766] : memref<16x768xf32, #tpu.memory_space<vmem>> -> memref<1x768xf32, #tpu.memory_space<vmem>>
    tpu.enqueue_dma source(%arg3 : memref<1x768xf32, #tpu.memory_space<hbm>>) target(%dma_start3A_767 : memref<1x768xf32, #tpu.memory_space<vmem>>) target_semaphore(%arg9 : memref<!tpu.dma_semaphore, #tpu.memory_space<semaphore_mem>>)
    %dma_start3A_768 = arith.constant 8 : i32
    %dma_start3A_769 = arith.constant 0 : i32
    %dma_start3A_770 = tpu.memref_slice %arg5[%dma_start3A_768, %dma_start3A_769] : memref<16x768xf32, #tpu.memory_space<vmem>> -> memref<1x768xf32, #tpu.memory_space<vmem>>
    %dma_start3A_771 = arith.constant 8 : i32
    %dma_start3A_772 = arith.constant 0 : i32
    %dma_start3A_773 = tpu.memref_slice %arg5[%dma_start3A_771, %dma_start3A_772] : memref<16x768xf32, #tpu.memory_space<vmem>> -> memref<1x768xf32, #tpu.memory_space<vmem>>
    tpu.enqueue_dma source(%arg3 : memref<1x768xf32, #tpu.memory_space<hbm>>) target(%dma_start3A_773 : memref<1x768xf32, #tpu.memory_space<vmem>>) target_semaphore(%arg9 : memref<!tpu.dma_semaphore, #tpu.memory_space<semaphore_mem>>)
    %dma_start3A_774 = arith.constant 9 : i32
    %dma_start3A_775 = arith.constant 0 : i32
    %dma_start3A_776 = tpu.memref_slice %arg5[%dma_start3A_774, %dma_start3A_775] : memref<16x768xf32, #tpu.memory_space<vmem>> -> memref<1x768xf32, #tpu.memory_space<vmem>>
    %dma_start3A_777 = arith.constant 9 : i32
    %dma_start3A_778 = arith.constant 0 : i32
    %dma_start3A_779 = tpu.memref_slice %arg5[%dma_start3A_777, %dma_start3A_778] : memref<16x768xf32, #tpu.memory_space<vmem>> -> memref<1x768xf32, #tpu.memory_space<vmem>>
    tpu.enqueue_dma source(%arg3 : memref<1x768xf32, #tpu.memory_space<hbm>>) target(%dma_start3A_779 : memref<1x768xf32, #tpu.memory_space<vmem>>) target_semaphore(%arg9 : memref<!tpu.dma_semaphore, #tpu.memory_space<semaphore_mem>>)
    %dma_start3A_780 = arith.constant 10 : i32
    %dma_start3A_781 = arith.constant 0 : i32
    %dma_start3A_782 = tpu.memref_slice %arg5[%dma_start3A_780, %dma_start3A_781] : memref<16x768xf32, #tpu.memory_space<vmem>> -> memref<1x768xf32, #tpu.memory_space<vmem>>
    %dma_start3A_783 = arith.constant 10 : i32
    %dma_start3A_784 = arith.constant 0 : i32
    %dma_start3A_785 = tpu.memref_slice %arg5[%dma_start3A_783, %dma_start3A_784] : memref<16x768xf32, #tpu.memory_space<vmem>> -> memref<1x768xf32, #tpu.memory_space<vmem>>
    tpu.enqueue_dma source(%arg3 : memref<1x768xf32, #tpu.memory_space<hbm>>) target(%dma_start3A_785 : memref<1x768xf32, #tpu.memory_space<vmem>>) target_semaphore(%arg9 : memref<!tpu.dma_semaphore, #tpu.memory_space<semaphore_mem>>)
    %dma_start3A_786 = arith.constant 11 : i32
    %dma_start3A_787 = arith.constant 0 : i32
    %dma_start3A_788 = tpu.memref_slice %arg5[%dma_start3A_786, %dma_start3A_787] : memref<16x768xf32, #tpu.memory_space<vmem>> -> memref<1x768xf32, #tpu.memory_space<vmem>>
    %dma_start3A_789 = arith.constant 11 : i32
    %dma_start3A_790 = arith.constant 0 : i32
    %dma_start3A_791 = tpu.memref_slice %arg5[%dma_start3A_789, %dma_start3A_790] : memref<16x768xf32, #tpu.memory_space<vmem>> -> memref<1x768xf32, #tpu.memory_space<vmem>>
    tpu.enqueue_dma source(%arg3 : memref<1x768xf32, #tpu.memory_space<hbm>>) target(%dma_start3A_791 : memref<1x768xf32, #tpu.memory_space<vmem>>) target_semaphore(%arg9 : memref<!tpu.dma_semaphore, #tpu.memory_space<semaphore_mem>>)
    %dma_start3A_792 = arith.constant 12 : i32
    %dma_start3A_793 = arith.constant 0 : i32
    %dma_start3A_794 = tpu.memref_slice %arg5[%dma_start3A_792, %dma_start3A_793] : memref<16x768xf32, #tpu.memory_space<vmem>> -> memref<1x768xf32, #tpu.memory_space<vmem>>
    %dma_start3A_795 = arith.constant 12 : i32
    %dma_start3A_796 = arith.constant 0 : i32
    %dma_start3A_797 = tpu.memref_slice %arg5[%dma_start3A_795, %dma_start3A_796] : memref<16x768xf32, #tpu.memory_space<vmem>> -> memref<1x768xf32, #tpu.memory_space<vmem>>
    tpu.enqueue_dma source(%arg3 : memref<1x768xf32, #tpu.memory_space<hbm>>) target(%dma_start3A_797 : memref<1x768xf32, #tpu.memory_space<vmem>>) target_semaphore(%arg9 : memref<!tpu.dma_semaphore, #tpu.memory_space<semaphore_mem>>)
    %dma_start3A_798 = arith.constant 13 : i32
    %dma_start3A_799 = arith.constant 0 : i32
    %dma_start3A_800 = tpu.memref_slice %arg5[%dma_start3A_798, %dma_start3A_799] : memref<16x768xf32, #tpu.memory_space<vmem>> -> memref<1x768xf32, #tpu.memory_space<vmem>>
    %dma_start3A_801 = arith.constant 13 : i32
    %dma_start3A_802 = arith.constant 0 : i32
    %dma_start3A_803 = tpu.memref_slice %arg5[%dma_start3A_801, %dma_start3A_802] : memref<16x768xf32, #tpu.memory_space<vmem>> -> memref<1x768xf32, #tpu.memory_space<vmem>>
    tpu.enqueue_dma source(%arg3 : memref<1x768xf32, #tpu.memory_space<hbm>>) target(%dma_start3A_803 : memref<1x768xf32, #tpu.memory_space<vmem>>) target_semaphore(%arg9 : memref<!tpu.dma_semaphore, #tpu.memory_space<semaphore_mem>>)
    %dma_start3A_804 = arith.constant 14 : i32
    %dma_start3A_805 = arith.constant 0 : i32
    %dma_start3A_806 = tpu.memref_slice %arg5[%dma_start3A_804, %dma_start3A_805] : memref<16x768xf32, #tpu.memory_space<vmem>> -> memref<1x768xf32, #tpu.memory_space<vmem>>
    %dma_start3A_807 = arith.constant 14 : i32
    %dma_start3A_808 = arith.constant 0 : i32
    %dma_start3A_809 = tpu.memref_slice %arg5[%dma_start3A_807, %dma_start3A_808] : memref<16x768xf32, #tpu.memory_space<vmem>> -> memref<1x768xf32, #tpu.memory_space<vmem>>
    tpu.enqueue_dma source(%arg3 : memref<1x768xf32, #tpu.memory_space<hbm>>) target(%dma_start3A_809 : memref<1x768xf32, #tpu.memory_space<vmem>>) target_semaphore(%arg9 : memref<!tpu.dma_semaphore, #tpu.memory_space<semaphore_mem>>)
    %dma_start3A_810 = arith.constant 15 : i32
    %dma_start3A_811 = arith.constant 0 : i32
    %dma_start3A_812 = tpu.memref_slice %arg5[%dma_start3A_810, %dma_start3A_811] : memref<16x768xf32, #tpu.memory_space<vmem>> -> memref<1x768xf32, #tpu.memory_space<vmem>>
    %dma_start3A_813 = arith.constant 15 : i32
    %dma_start3A_814 = arith.constant 0 : i32
    %dma_start3A_815 = tpu.memref_slice %arg5[%dma_start3A_813, %dma_start3A_814] : memref<16x768xf32, #tpu.memory_space<vmem>> -> memref<1x768xf32, #tpu.memory_space<vmem>>
    tpu.enqueue_dma source(%arg3 : memref<1x768xf32, #tpu.memory_space<hbm>>) target(%dma_start3A_815 : memref<1x768xf32, #tpu.memory_space<vmem>>) target_semaphore(%arg9 : memref<!tpu.dma_semaphore, #tpu.memory_space<semaphore_mem>>)
    %dma_wait3A = arith.constant 0 : i32
    %dma_wait3A_816 = arith.constant 0 : i32
    %dma_wait3A_817 = tpu.memref_slice %arg5[%dma_wait3A, %dma_wait3A_816] : memref<16x768xf32, #tpu.memory_space<vmem>> -> memref<1x768xf32, #tpu.memory_space<vmem>>
    %dma_wait3A_818 = arith.constant 0 : i32
    %dma_wait3A_819 = arith.constant 0 : i32
    %dma_wait3A_820 = tpu.memref_slice %arg5[%dma_wait3A_818, %dma_wait3A_819] : memref<16x768xf32, #tpu.memory_space<vmem>> -> memref<1x768xf32, #tpu.memory_space<vmem>>
    tpu.wait_dma2 semaphore(%arg9 : memref<!tpu.dma_semaphore, #tpu.memory_space<semaphore_mem>>) src(%arg3 : memref<1x768xf32, #tpu.memory_space<hbm>>) dst(%dma_wait3A_820 : memref<1x768xf32, #tpu.memory_space<vmem>>)
    %dma_wait3A_821 = arith.constant 1 : i32
    %dma_wait3A_822 = arith.constant 0 : i32
    %dma_wait3A_823 = tpu.memref_slice %arg5[%dma_wait3A_821, %dma_wait3A_822] : memref<16x768xf32, #tpu.memory_space<vmem>> -> memref<1x768xf32, #tpu.memory_space<vmem>>
    %dma_wait3A_824 = arith.constant 1 : i32
    %dma_wait3A_825 = arith.constant 0 : i32
    %dma_wait3A_826 = tpu.memref_slice %arg5[%dma_wait3A_824, %dma_wait3A_825] : memref<16x768xf32, #tpu.memory_space<vmem>> -> memref<1x768xf32, #tpu.memory_space<vmem>>
    tpu.wait_dma2 semaphore(%arg9 : memref<!tpu.dma_semaphore, #tpu.memory_space<semaphore_mem>>) src(%arg3 : memref<1x768xf32, #tpu.memory_space<hbm>>) dst(%dma_wait3A_826 : memref<1x768xf32, #tpu.memory_space<vmem>>)
    %dma_wait3A_827 = arith.constant 2 : i32
    %dma_wait3A_828 = arith.constant 0 : i32
    %dma_wait3A_829 = tpu.memref_slice %arg5[%dma_wait3A_827, %dma_wait3A_828] : memref<16x768xf32, #tpu.memory_space<vmem>> -> memref<1x768xf32, #tpu.memory_space<vmem>>
    %dma_wait3A_830 = arith.constant 2 : i32
    %dma_wait3A_831 = arith.constant 0 : i32
    %dma_wait3A_832 = tpu.memref_slice %arg5[%dma_wait3A_830, %dma_wait3A_831] : memref<16x768xf32, #tpu.memory_space<vmem>> -> memref<1x768xf32, #tpu.memory_space<vmem>>
    tpu.wait_dma2 semaphore(%arg9 : memref<!tpu.dma_semaphore, #tpu.memory_space<semaphore_mem>>) src(%arg3 : memref<1x768xf32, #tpu.memory_space<hbm>>) dst(%dma_wait3A_832 : memref<1x768xf32, #tpu.memory_space<vmem>>)
    %dma_wait3A_833 = arith.constant 3 : i32
    %dma_wait3A_834 = arith.constant 0 : i32
    %dma_wait3A_835 = tpu.memref_slice %arg5[%dma_wait3A_833, %dma_wait3A_834] : memref<16x768xf32, #tpu.memory_space<vmem>> -> memref<1x768xf32, #tpu.memory_space<vmem>>
    %dma_wait3A_836 = arith.constant 3 : i32
    %dma_wait3A_837 = arith.constant 0 : i32
    %dma_wait3A_838 = tpu.memref_slice %arg5[%dma_wait3A_836, %dma_wait3A_837] : memref<16x768xf32, #tpu.memory_space<vmem>> -> memref<1x768xf32, #tpu.memory_space<vmem>>
    tpu.wait_dma2 semaphore(%arg9 : memref<!tpu.dma_semaphore, #tpu.memory_space<semaphore_mem>>) src(%arg3 : memref<1x768xf32, #tpu.memory_space<hbm>>) dst(%dma_wait3A_838 : memref<1x768xf32, #tpu.memory_space<vmem>>)
    %dma_wait3A_839 = arith.constant 4 : i32
    %dma_wait3A_840 = arith.constant 0 : i32
    %dma_wait3A_841 = tpu.memref_slice %arg5[%dma_wait3A_839, %dma_wait3A_840] : memref<16x768xf32, #tpu.memory_space<vmem>> -> memref<1x768xf32, #tpu.memory_space<vmem>>
    %dma_wait3A_842 = arith.constant 4 : i32
    %dma_wait3A_843 = arith.constant 0 : i32
    %dma_wait3A_844 = tpu.memref_slice %arg5[%dma_wait3A_842, %dma_wait3A_843] : memref<16x768xf32, #tpu.memory_space<vmem>> -> memref<1x768xf32, #tpu.memory_space<vmem>>
    tpu.wait_dma2 semaphore(%arg9 : memref<!tpu.dma_semaphore, #tpu.memory_space<semaphore_mem>>) src(%arg3 : memref<1x768xf32, #tpu.memory_space<hbm>>) dst(%dma_wait3A_844 : memref<1x768xf32, #tpu.memory_space<vmem>>)
    %dma_wait3A_845 = arith.constant 5 : i32
    %dma_wait3A_846 = arith.constant 0 : i32
    %dma_wait3A_847 = tpu.memref_slice %arg5[%dma_wait3A_845, %dma_wait3A_846] : memref<16x768xf32, #tpu.memory_space<vmem>> -> memref<1x768xf32, #tpu.memory_space<vmem>>
    %dma_wait3A_848 = arith.constant 5 : i32
    %dma_wait3A_849 = arith.constant 0 : i32
    %dma_wait3A_850 = tpu.memref_slice %arg5[%dma_wait3A_848, %dma_wait3A_849] : memref<16x768xf32, #tpu.memory_space<vmem>> -> memref<1x768xf32, #tpu.memory_space<vmem>>
    tpu.wait_dma2 semaphore(%arg9 : memref<!tpu.dma_semaphore, #tpu.memory_space<semaphore_mem>>) src(%arg3 : memref<1x768xf32, #tpu.memory_space<hbm>>) dst(%dma_wait3A_850 : memref<1x768xf32, #tpu.memory_space<vmem>>)
    %dma_wait3A_851 = arith.constant 6 : i32
    %dma_wait3A_852 = arith.constant 0 : i32
    %dma_wait3A_853 = tpu.memref_slice %arg5[%dma_wait3A_851, %dma_wait3A_852] : memref<16x768xf32, #tpu.memory_space<vmem>> -> memref<1x768xf32, #tpu.memory_space<vmem>>
    %dma_wait3A_854 = arith.constant 6 : i32
    %dma_wait3A_855 = arith.constant 0 : i32
    %dma_wait3A_856 = tpu.memref_slice %arg5[%dma_wait3A_854, %dma_wait3A_855] : memref<16x768xf32, #tpu.memory_space<vmem>> -> memref<1x768xf32, #tpu.memory_space<vmem>>
    tpu.wait_dma2 semaphore(%arg9 : memref<!tpu.dma_semaphore, #tpu.memory_space<semaphore_mem>>) src(%arg3 : memref<1x768xf32, #tpu.memory_space<hbm>>) dst(%dma_wait3A_856 : memref<1x768xf32, #tpu.memory_space<vmem>>)
    %dma_wait3A_857 = arith.constant 7 : i32
    %dma_wait3A_858 = arith.constant 0 : i32
    %dma_wait3A_859 = tpu.memref_slice %arg5[%dma_wait3A_857, %dma_wait3A_858] : memref<16x768xf32, #tpu.memory_space<vmem>> -> memref<1x768xf32, #tpu.memory_space<vmem>>
    %dma_wait3A_860 = arith.constant 7 : i32
    %dma_wait3A_861 = arith.constant 0 : i32
    %dma_wait3A_862 = tpu.memref_slice %arg5[%dma_wait3A_860, %dma_wait3A_861] : memref<16x768xf32, #tpu.memory_space<vmem>> -> memref<1x768xf32, #tpu.memory_space<vmem>>
    tpu.wait_dma2 semaphore(%arg9 : memref<!tpu.dma_semaphore, #tpu.memory_space<semaphore_mem>>) src(%arg3 : memref<1x768xf32, #tpu.memory_space<hbm>>) dst(%dma_wait3A_862 : memref<1x768xf32, #tpu.memory_space<vmem>>)
    %dma_wait3A_863 = arith.constant 8 : i32
    %dma_wait3A_864 = arith.constant 0 : i32
    %dma_wait3A_865 = tpu.memref_slice %arg5[%dma_wait3A_863, %dma_wait3A_864] : memref<16x768xf32, #tpu.memory_space<vmem>> -> memref<1x768xf32, #tpu.memory_space<vmem>>
    %dma_wait3A_866 = arith.constant 8 : i32
    %dma_wait3A_867 = arith.constant 0 : i32
    %dma_wait3A_868 = tpu.memref_slice %arg5[%dma_wait3A_866, %dma_wait3A_867] : memref<16x768xf32, #tpu.memory_space<vmem>> -> memref<1x768xf32, #tpu.memory_space<vmem>>
    tpu.wait_dma2 semaphore(%arg9 : memref<!tpu.dma_semaphore, #tpu.memory_space<semaphore_mem>>) src(%arg3 : memref<1x768xf32, #tpu.memory_space<hbm>>) dst(%dma_wait3A_868 : memref<1x768xf32, #tpu.memory_space<vmem>>)
    %dma_wait3A_869 = arith.constant 9 : i32
    %dma_wait3A_870 = arith.constant 0 : i32
    %dma_wait3A_871 = tpu.memref_slice %arg5[%dma_wait3A_869, %dma_wait3A_870] : memref<16x768xf32, #tpu.memory_space<vmem>> -> memref<1x768xf32, #tpu.memory_space<vmem>>
    %dma_wait3A_872 = arith.constant 9 : i32
    %dma_wait3A_873 = arith.constant 0 : i32
    %dma_wait3A_874 = tpu.memref_slice %arg5[%dma_wait3A_872, %dma_wait3A_873] : memref<16x768xf32, #tpu.memory_space<vmem>> -> memref<1x768xf32, #tpu.memory_space<vmem>>
    tpu.wait_dma2 semaphore(%arg9 : memref<!tpu.dma_semaphore, #tpu.memory_space<semaphore_mem>>) src(%arg3 : memref<1x768xf32, #tpu.memory_space<hbm>>) dst(%dma_wait3A_874 : memref<1x768xf32, #tpu.memory_space<vmem>>)
    %dma_wait3A_875 = arith.constant 10 : i32
    %dma_wait3A_876 = arith.constant 0 : i32
    %dma_wait3A_877 = tpu.memref_slice %arg5[%dma_wait3A_875, %dma_wait3A_876] : memref<16x768xf32, #tpu.memory_space<vmem>> -> memref<1x768xf32, #tpu.memory_space<vmem>>
    %dma_wait3A_878 = arith.constant 10 : i32
    %dma_wait3A_879 = arith.constant 0 : i32
    %dma_wait3A_880 = tpu.memref_slice %arg5[%dma_wait3A_878, %dma_wait3A_879] : memref<16x768xf32, #tpu.memory_space<vmem>> -> memref<1x768xf32, #tpu.memory_space<vmem>>
    tpu.wait_dma2 semaphore(%arg9 : memref<!tpu.dma_semaphore, #tpu.memory_space<semaphore_mem>>) src(%arg3 : memref<1x768xf32, #tpu.memory_space<hbm>>) dst(%dma_wait3A_880 : memref<1x768xf32, #tpu.memory_space<vmem>>)
    %dma_wait3A_881 = arith.constant 11 : i32
    %dma_wait3A_882 = arith.constant 0 : i32
    %dma_wait3A_883 = tpu.memref_slice %arg5[%dma_wait3A_881, %dma_wait3A_882] : memref<16x768xf32, #tpu.memory_space<vmem>> -> memref<1x768xf32, #tpu.memory_space<vmem>>
    %dma_wait3A_884 = arith.constant 11 : i32
    %dma_wait3A_885 = arith.constant 0 : i32
    %dma_wait3A_886 = tpu.memref_slice %arg5[%dma_wait3A_884, %dma_wait3A_885] : memref<16x768xf32, #tpu.memory_space<vmem>> -> memref<1x768xf32, #tpu.memory_space<vmem>>
    tpu.wait_dma2 semaphore(%arg9 : memref<!tpu.dma_semaphore, #tpu.memory_space<semaphore_mem>>) src(%arg3 : memref<1x768xf32, #tpu.memory_space<hbm>>) dst(%dma_wait3A_886 : memref<1x768xf32, #tpu.memory_space<vmem>>)
    %dma_wait3A_887 = arith.constant 12 : i32
    %dma_wait3A_888 = arith.constant 0 : i32
    %dma_wait3A_889 = tpu.memref_slice %arg5[%dma_wait3A_887, %dma_wait3A_888] : memref<16x768xf32, #tpu.memory_space<vmem>> -> memref<1x768xf32, #tpu.memory_space<vmem>>
    %dma_wait3A_890 = arith.constant 12 : i32
    %dma_wait3A_891 = arith.constant 0 : i32
    %dma_wait3A_892 = tpu.memref_slice %arg5[%dma_wait3A_890, %dma_wait3A_891] : memref<16x768xf32, #tpu.memory_space<vmem>> -> memref<1x768xf32, #tpu.memory_space<vmem>>
    tpu.wait_dma2 semaphore(%arg9 : memref<!tpu.dma_semaphore, #tpu.memory_space<semaphore_mem>>) src(%arg3 : memref<1x768xf32, #tpu.memory_space<hbm>>) dst(%dma_wait3A_892 : memref<1x768xf32, #tpu.memory_space<vmem>>)
    %dma_wait3A_893 = arith.constant 13 : i32
    %dma_wait3A_894 = arith.constant 0 : i32
    %dma_wait3A_895 = tpu.memref_slice %arg5[%dma_wait3A_893, %dma_wait3A_894] : memref<16x768xf32, #tpu.memory_space<vmem>> -> memref<1x768xf32, #tpu.memory_space<vmem>>
    %dma_wait3A_896 = arith.constant 13 : i32
    %dma_wait3A_897 = arith.constant 0 : i32
    %dma_wait3A_898 = tpu.memref_slice %arg5[%dma_wait3A_896, %dma_wait3A_897] : memref<16x768xf32, #tpu.memory_space<vmem>> -> memref<1x768xf32, #tpu.memory_space<vmem>>
    tpu.wait_dma2 semaphore(%arg9 : memref<!tpu.dma_semaphore, #tpu.memory_space<semaphore_mem>>) src(%arg3 : memref<1x768xf32, #tpu.memory_space<hbm>>) dst(%dma_wait3A_898 : memref<1x768xf32, #tpu.memory_space<vmem>>)
    %dma_wait3A_899 = arith.constant 14 : i32
    %dma_wait3A_900 = arith.constant 0 : i32
    %dma_wait3A_901 = tpu.memref_slice %arg5[%dma_wait3A_899, %dma_wait3A_900] : memref<16x768xf32, #tpu.memory_space<vmem>> -> memref<1x768xf32, #tpu.memory_space<vmem>>
    %dma_wait3A_902 = arith.constant 14 : i32
    %dma_wait3A_903 = arith.constant 0 : i32
    %dma_wait3A_904 = tpu.memref_slice %arg5[%dma_wait3A_902, %dma_wait3A_903] : memref<16x768xf32, #tpu.memory_space<vmem>> -> memref<1x768xf32, #tpu.memory_space<vmem>>
    tpu.wait_dma2 semaphore(%arg9 : memref<!tpu.dma_semaphore, #tpu.memory_space<semaphore_mem>>) src(%arg3 : memref<1x768xf32, #tpu.memory_space<hbm>>) dst(%dma_wait3A_904 : memref<1x768xf32, #tpu.memory_space<vmem>>)
    %dma_wait3A_905 = arith.constant 15 : i32
    %dma_wait3A_906 = arith.constant 0 : i32
    %dma_wait3A_907 = tpu.memref_slice %arg5[%dma_wait3A_905, %dma_wait3A_906] : memref<16x768xf32, #tpu.memory_space<vmem>> -> memref<1x768xf32, #tpu.memory_space<vmem>>
    %dma_wait3A_908 = arith.constant 15 : i32
    %dma_wait3A_909 = arith.constant 0 : i32
    %dma_wait3A_910 = tpu.memref_slice %arg5[%dma_wait3A_908, %dma_wait3A_909] : memref<16x768xf32, #tpu.memory_space<vmem>> -> memref<1x768xf32, #tpu.memory_space<vmem>>
    tpu.wait_dma2 semaphore(%arg9 : memref<!tpu.dma_semaphore, #tpu.memory_space<semaphore_mem>>) src(%arg3 : memref<1x768xf32, #tpu.memory_space<hbm>>) dst(%dma_wait3A_910 : memref<1x768xf32, #tpu.memory_space<vmem>>)
    %dma_start3A_911 = arith.constant 0 : i32
    %dma_start3A_912 = arith.constant 0 : i32
    %dma_start3A_913 = tpu.memref_slice %arg4[%select_n3A_575, %dma_start3A_911, %dma_start3A_912] : memref<128x576x768xf32, #tpu.memory_space<hbm>> -> memref<1x16x768xf32, #tpu.memory_space<hbm>>
    %dma_start3A_914 = tpu.memref_squeeze %dma_start3A_913 : memref<1x16x768xf32, #tpu.memory_space<hbm>> -> memref<16x768xf32, #tpu.memory_space<hbm>>
    %dma_start3A_915 = arith.constant 0 : i32
    %dma_start3A_916 = arith.constant 0 : i32
    %dma_start3A_917 = tpu.memref_slice %arg4[%select_n3A_575, %dma_start3A_915, %dma_start3A_916] : memref<128x576x768xf32, #tpu.memory_space<hbm>> -> memref<1x16x768xf32, #tpu.memory_space<hbm>>
    %dma_start3A_918 = tpu.memref_squeeze %dma_start3A_917 : memref<1x16x768xf32, #tpu.memory_space<hbm>> -> memref<16x768xf32, #tpu.memory_space<hbm>>
    tpu.enqueue_dma source(%arg5 : memref<16x768xf32, #tpu.memory_space<vmem>>) target(%dma_start3A_918 : memref<16x768xf32, #tpu.memory_space<hbm>>) target_semaphore(%arg12 : memref<!tpu.dma_semaphore, #tpu.memory_space<semaphore_mem>>)
    %dma_start3A_919 = arith.constant 16 : i32
    %dma_start3A_920 = arith.constant 0 : i32
    %dma_start3A_921 = tpu.memref_slice %arg4[%select_n3A_575, %dma_start3A_919, %dma_start3A_920] : memref<128x576x768xf32, #tpu.memory_space<hbm>> -> memref<1x16x768xf32, #tpu.memory_space<hbm>>
    %dma_start3A_922 = tpu.memref_squeeze %dma_start3A_921 : memref<1x16x768xf32, #tpu.memory_space<hbm>> -> memref<16x768xf32, #tpu.memory_space<hbm>>
    %dma_start3A_923 = arith.constant 16 : i32
    %dma_start3A_924 = arith.constant 0 : i32
    %dma_start3A_925 = tpu.memref_slice %arg4[%select_n3A_575, %dma_start3A_923, %dma_start3A_924] : memref<128x576x768xf32, #tpu.memory_space<hbm>> -> memref<1x16x768xf32, #tpu.memory_space<hbm>>
    %dma_start3A_926 = tpu.memref_squeeze %dma_start3A_925 : memref<1x16x768xf32, #tpu.memory_space<hbm>> -> memref<16x768xf32, #tpu.memory_space<hbm>>
    tpu.enqueue_dma source(%arg5 : memref<16x768xf32, #tpu.memory_space<vmem>>) target(%dma_start3A_926 : memref<16x768xf32, #tpu.memory_space<hbm>>) target_semaphore(%arg12 : memref<!tpu.dma_semaphore, #tpu.memory_space<semaphore_mem>>)
    %dma_start3A_927 = arith.constant 32 : i32
    %dma_start3A_928 = arith.constant 0 : i32
    %dma_start3A_929 = tpu.memref_slice %arg4[%select_n3A_575, %dma_start3A_927, %dma_start3A_928] : memref<128x576x768xf32, #tpu.memory_space<hbm>> -> memref<1x16x768xf32, #tpu.memory_space<hbm>>
    %dma_start3A_930 = tpu.memref_squeeze %dma_start3A_929 : memref<1x16x768xf32, #tpu.memory_space<hbm>> -> memref<16x768xf32, #tpu.memory_space<hbm>>
    %dma_start3A_931 = arith.constant 32 : i32
    %dma_start3A_932 = arith.constant 0 : i32
    %dma_start3A_933 = tpu.memref_slice %arg4[%select_n3A_575, %dma_start3A_931, %dma_start3A_932] : memref<128x576x768xf32, #tpu.memory_space<hbm>> -> memref<1x16x768xf32, #tpu.memory_space<hbm>>
    %dma_start3A_934 = tpu.memref_squeeze %dma_start3A_933 : memref<1x16x768xf32, #tpu.memory_space<hbm>> -> memref<16x768xf32, #tpu.memory_space<hbm>>
    tpu.enqueue_dma source(%arg5 : memref<16x768xf32, #tpu.memory_space<vmem>>) target(%dma_start3A_934 : memref<16x768xf32, #tpu.memory_space<hbm>>) target_semaphore(%arg12 : memref<!tpu.dma_semaphore, #tpu.memory_space<semaphore_mem>>)
    %dma_start3A_935 = arith.constant 48 : i32
    %dma_start3A_936 = arith.constant 0 : i32
    %dma_start3A_937 = tpu.memref_slice %arg4[%select_n3A_575, %dma_start3A_935, %dma_start3A_936] : memref<128x576x768xf32, #tpu.memory_space<hbm>> -> memref<1x16x768xf32, #tpu.memory_space<hbm>>
    %dma_start3A_938 = tpu.memref_squeeze %dma_start3A_937 : memref<1x16x768xf32, #tpu.memory_space<hbm>> -> memref<16x768xf32, #tpu.memory_space<hbm>>
    %dma_start3A_939 = arith.constant 48 : i32
    %dma_start3A_940 = arith.constant 0 : i32
    %dma_start3A_941 = tpu.memref_slice %arg4[%select_n3A_575, %dma_start3A_939, %dma_start3A_940] : memref<128x576x768xf32, #tpu.memory_space<hbm>> -> memref<1x16x768xf32, #tpu.memory_space<hbm>>
    %dma_start3A_942 = tpu.memref_squeeze %dma_start3A_941 : memref<1x16x768xf32, #tpu.memory_space<hbm>> -> memref<16x768xf32, #tpu.memory_space<hbm>>
    tpu.enqueue_dma source(%arg5 : memref<16x768xf32, #tpu.memory_space<vmem>>) target(%dma_start3A_942 : memref<16x768xf32, #tpu.memory_space<hbm>>) target_semaphore(%arg12 : memref<!tpu.dma_semaphore, #tpu.memory_space<semaphore_mem>>)
    %dma_start3A_943 = arith.constant 64 : i32
    %dma_start3A_944 = arith.constant 0 : i32
    %dma_start3A_945 = tpu.memref_slice %arg4[%select_n3A_575, %dma_start3A_943, %dma_start3A_944] : memref<128x576x768xf32, #tpu.memory_space<hbm>> -> memref<1x16x768xf32, #tpu.memory_space<hbm>>
    %dma_start3A_946 = tpu.memref_squeeze %dma_start3A_945 : memref<1x16x768xf32, #tpu.memory_space<hbm>> -> memref<16x768xf32, #tpu.memory_space<hbm>>
    %dma_start3A_947 = arith.constant 64 : i32
    %dma_start3A_948 = arith.constant 0 : i32
    %dma_start3A_949 = tpu.memref_slice %arg4[%select_n3A_575, %dma_start3A_947, %dma_start3A_948] : memref<128x576x768xf32, #tpu.memory_space<hbm>> -> memref<1x16x768xf32, #tpu.memory_space<hbm>>
    %dma_start3A_950 = tpu.memref_squeeze %dma_start3A_949 : memref<1x16x768xf32, #tpu.memory_space<hbm>> -> memref<16x768xf32, #tpu.memory_space<hbm>>
    tpu.enqueue_dma source(%arg5 : memref<16x768xf32, #tpu.memory_space<vmem>>) target(%dma_start3A_950 : memref<16x768xf32, #tpu.memory_space<hbm>>) target_semaphore(%arg12 : memref<!tpu.dma_semaphore, #tpu.memory_space<semaphore_mem>>)
    %dma_start3A_951 = arith.constant 80 : i32
    %dma_start3A_952 = arith.constant 0 : i32
    %dma_start3A_953 = tpu.memref_slice %arg4[%select_n3A_575, %dma_start3A_951, %dma_start3A_952] : memref<128x576x768xf32, #tpu.memory_space<hbm>> -> memref<1x16x768xf32, #tpu.memory_space<hbm>>
    %dma_start3A_954 = tpu.memref_squeeze %dma_start3A_953 : memref<1x16x768xf32, #tpu.memory_space<hbm>> -> memref<16x768xf32, #tpu.memory_space<hbm>>
    %dma_start3A_955 = arith.constant 80 : i32
    %dma_start3A_956 = arith.constant 0 : i32
    %dma_start3A_957 = tpu.memref_slice %arg4[%select_n3A_575, %dma_start3A_955, %dma_start3A_956] : memref<128x576x768xf32, #tpu.memory_space<hbm>> -> memref<1x16x768xf32, #tpu.memory_space<hbm>>
    %dma_start3A_958 = tpu.memref_squeeze %dma_start3A_957 : memref<1x16x768xf32, #tpu.memory_space<hbm>> -> memref<16x768xf32, #tpu.memory_space<hbm>>
    tpu.enqueue_dma source(%arg5 : memref<16x768xf32, #tpu.memory_space<vmem>>) target(%dma_start3A_958 : memref<16x768xf32, #tpu.memory_space<hbm>>) target_semaphore(%arg12 : memref<!tpu.dma_semaphore, #tpu.memory_space<semaphore_mem>>)
    %dma_start3A_959 = arith.constant 96 : i32
    %dma_start3A_960 = arith.constant 0 : i32
    %dma_start3A_961 = tpu.memref_slice %arg4[%select_n3A_575, %dma_start3A_959, %dma_start3A_960] : memref<128x576x768xf32, #tpu.memory_space<hbm>> -> memref<1x16x768xf32, #tpu.memory_space<hbm>>
    %dma_start3A_962 = tpu.memref_squeeze %dma_start3A_961 : memref<1x16x768xf32, #tpu.memory_space<hbm>> -> memref<16x768xf32, #tpu.memory_space<hbm>>
    %dma_start3A_963 = arith.constant 96 : i32
    %dma_start3A_964 = arith.constant 0 : i32
    %dma_start3A_965 = tpu.memref_slice %arg4[%select_n3A_575, %dma_start3A_963, %dma_start3A_964] : memref<128x576x768xf32, #tpu.memory_space<hbm>> -> memref<1x16x768xf32, #tpu.memory_space<hbm>>
    %dma_start3A_966 = tpu.memref_squeeze %dma_start3A_965 : memref<1x16x768xf32, #tpu.memory_space<hbm>> -> memref<16x768xf32, #tpu.memory_space<hbm>>
    tpu.enqueue_dma source(%arg5 : memref<16x768xf32, #tpu.memory_space<vmem>>) target(%dma_start3A_966 : memref<16x768xf32, #tpu.memory_space<hbm>>) target_semaphore(%arg12 : memref<!tpu.dma_semaphore, #tpu.memory_space<semaphore_mem>>)
    %dma_start3A_967 = arith.constant 112 : i32
    %dma_start3A_968 = arith.constant 0 : i32
    %dma_start3A_969 = tpu.memref_slice %arg4[%select_n3A_575, %dma_start3A_967, %dma_start3A_968] : memref<128x576x768xf32, #tpu.memory_space<hbm>> -> memref<1x16x768xf32, #tpu.memory_space<hbm>>
    %dma_start3A_970 = tpu.memref_squeeze %dma_start3A_969 : memref<1x16x768xf32, #tpu.memory_space<hbm>> -> memref<16x768xf32, #tpu.memory_space<hbm>>
    %dma_start3A_971 = arith.constant 112 : i32
    %dma_start3A_972 = arith.constant 0 : i32
    %dma_start3A_973 = tpu.memref_slice %arg4[%select_n3A_575, %dma_start3A_971, %dma_start3A_972] : memref<128x576x768xf32, #tpu.memory_space<hbm>> -> memref<1x16x768xf32, #tpu.memory_space<hbm>>
    %dma_start3A_974 = tpu.memref_squeeze %dma_start3A_973 : memref<1x16x768xf32, #tpu.memory_space<hbm>> -> memref<16x768xf32, #tpu.memory_space<hbm>>
    tpu.enqueue_dma source(%arg5 : memref<16x768xf32, #tpu.memory_space<vmem>>) target(%dma_start3A_974 : memref<16x768xf32, #tpu.memory_space<hbm>>) target_semaphore(%arg12 : memref<!tpu.dma_semaphore, #tpu.memory_space<semaphore_mem>>)
    %dma_start3A_975 = arith.constant 128 : i32
    %dma_start3A_976 = arith.constant 0 : i32
    %dma_start3A_977 = tpu.memref_slice %arg4[%select_n3A_575, %dma_start3A_975, %dma_start3A_976] : memref<128x576x768xf32, #tpu.memory_space<hbm>> -> memref<1x16x768xf32, #tpu.memory_space<hbm>>
    %dma_start3A_978 = tpu.memref_squeeze %dma_start3A_977 : memref<1x16x768xf32, #tpu.memory_space<hbm>> -> memref<16x768xf32, #tpu.memory_space<hbm>>
    %dma_start3A_979 = arith.constant 128 : i32
    %dma_start3A_980 = arith.constant 0 : i32
    %dma_start3A_981 = tpu.memref_slice %arg4[%select_n3A_575, %dma_start3A_979, %dma_start3A_980] : memref<128x576x768xf32, #tpu.memory_space<hbm>> -> memref<1x16x768xf32, #tpu.memory_space<hbm>>
    %dma_start3A_982 = tpu.memref_squeeze %dma_start3A_981 : memref<1x16x768xf32, #tpu.memory_space<hbm>> -> memref<16x768xf32, #tpu.memory_space<hbm>>
    tpu.enqueue_dma source(%arg5 : memref<16x768xf32, #tpu.memory_space<vmem>>) target(%dma_start3A_982 : memref<16x768xf32, #tpu.memory_space<hbm>>) target_semaphore(%arg12 : memref<!tpu.dma_semaphore, #tpu.memory_space<semaphore_mem>>)
    %dma_start3A_983 = arith.constant 144 : i32
    %dma_start3A_984 = arith.constant 0 : i32
    %dma_start3A_985 = tpu.memref_slice %arg4[%select_n3A_575, %dma_start3A_983, %dma_start3A_984] : memref<128x576x768xf32, #tpu.memory_space<hbm>> -> memref<1x16x768xf32, #tpu.memory_space<hbm>>
    %dma_start3A_986 = tpu.memref_squeeze %dma_start3A_985 : memref<1x16x768xf32, #tpu.memory_space<hbm>> -> memref<16x768xf32, #tpu.memory_space<hbm>>
    %dma_start3A_987 = arith.constant 144 : i32
    %dma_start3A_988 = arith.constant 0 : i32
    %dma_start3A_989 = tpu.memref_slice %arg4[%select_n3A_575, %dma_start3A_987, %dma_start3A_988] : memref<128x576x768xf32, #tpu.memory_space<hbm>> -> memref<1x16x768xf32, #tpu.memory_space<hbm>>
    %dma_start3A_990 = tpu.memref_squeeze %dma_start3A_989 : memref<1x16x768xf32, #tpu.memory_space<hbm>> -> memref<16x768xf32, #tpu.memory_space<hbm>>
    tpu.enqueue_dma source(%arg5 : memref<16x768xf32, #tpu.memory_space<vmem>>) target(%dma_start3A_990 : memref<16x768xf32, #tpu.memory_space<hbm>>) target_semaphore(%arg12 : memref<!tpu.dma_semaphore, #tpu.memory_space<semaphore_mem>>)
    %dma_start3A_991 = arith.constant 160 : i32
    %dma_start3A_992 = arith.constant 0 : i32
    %dma_start3A_993 = tpu.memref_slice %arg4[%select_n3A_575, %dma_start3A_991, %dma_start3A_992] : memref<128x576x768xf32, #tpu.memory_space<hbm>> -> memref<1x16x768xf32, #tpu.memory_space<hbm>>
    %dma_start3A_994 = tpu.memref_squeeze %dma_start3A_993 : memref<1x16x768xf32, #tpu.memory_space<hbm>> -> memref<16x768xf32, #tpu.memory_space<hbm>>
    %dma_start3A_995 = arith.constant 160 : i32
    %dma_start3A_996 = arith.constant 0 : i32
    %dma_start3A_997 = tpu.memref_slice %arg4[%select_n3A_575, %dma_start3A_995, %dma_start3A_996] : memref<128x576x768xf32, #tpu.memory_space<hbm>> -> memref<1x16x768xf32, #tpu.memory_space<hbm>>
    %dma_start3A_998 = tpu.memref_squeeze %dma_start3A_997 : memref<1x16x768xf32, #tpu.memory_space<hbm>> -> memref<16x768xf32, #tpu.memory_space<hbm>>
    tpu.enqueue_dma source(%arg5 : memref<16x768xf32, #tpu.memory_space<vmem>>) target(%dma_start3A_998 : memref<16x768xf32, #tpu.memory_space<hbm>>) target_semaphore(%arg12 : memref<!tpu.dma_semaphore, #tpu.memory_space<semaphore_mem>>)
    %dma_start3A_999 = arith.constant 176 : i32
    %dma_start3A_1000 = arith.constant 0 : i32
    %dma_start3A_1001 = tpu.memref_slice %arg4[%select_n3A_575, %dma_start3A_999, %dma_start3A_1000] : memref<128x576x768xf32, #tpu.memory_space<hbm>> -> memref<1x16x768xf32, #tpu.memory_space<hbm>>
    %dma_start3A_1002 = tpu.memref_squeeze %dma_start3A_1001 : memref<1x16x768xf32, #tpu.memory_space<hbm>> -> memref<16x768xf32, #tpu.memory_space<hbm>>
    %dma_start3A_1003 = arith.constant 176 : i32
    %dma_start3A_1004 = arith.constant 0 : i32
    %dma_start3A_1005 = tpu.memref_slice %arg4[%select_n3A_575, %dma_start3A_1003, %dma_start3A_1004] : memref<128x576x768xf32, #tpu.memory_space<hbm>> -> memref<1x16x768xf32, #tpu.memory_space<hbm>>
    %dma_start3A_1006 = tpu.memref_squeeze %dma_start3A_1005 : memref<1x16x768xf32, #tpu.memory_space<hbm>> -> memref<16x768xf32, #tpu.memory_space<hbm>>
    tpu.enqueue_dma source(%arg5 : memref<16x768xf32, #tpu.memory_space<vmem>>) target(%dma_start3A_1006 : memref<16x768xf32, #tpu.memory_space<hbm>>) target_semaphore(%arg12 : memref<!tpu.dma_semaphore, #tpu.memory_space<semaphore_mem>>)
    %dma_start3A_1007 = arith.constant 192 : i32
    %dma_start3A_1008 = arith.constant 0 : i32
    %dma_start3A_1009 = tpu.memref_slice %arg4[%select_n3A_575, %dma_start3A_1007, %dma_start3A_1008] : memref<128x576x768xf32, #tpu.memory_space<hbm>> -> memref<1x16x768xf32, #tpu.memory_space<hbm>>
    %dma_start3A_1010 = tpu.memref_squeeze %dma_start3A_1009 : memref<1x16x768xf32, #tpu.memory_space<hbm>> -> memref<16x768xf32, #tpu.memory_space<hbm>>
    %dma_start3A_1011 = arith.constant 192 : i32
    %dma_start3A_1012 = arith.constant 0 : i32
    %dma_start3A_1013 = tpu.memref_slice %arg4[%select_n3A_575, %dma_start3A_1011, %dma_start3A_1012] : memref<128x576x768xf32, #tpu.memory_space<hbm>> -> memref<1x16x768xf32, #tpu.memory_space<hbm>>
    %dma_start3A_1014 = tpu.memref_squeeze %dma_start3A_1013 : memref<1x16x768xf32, #tpu.memory_space<hbm>> -> memref<16x768xf32, #tpu.memory_space<hbm>>
    tpu.enqueue_dma source(%arg5 : memref<16x768xf32, #tpu.memory_space<vmem>>) target(%dma_start3A_1014 : memref<16x768xf32, #tpu.memory_space<hbm>>) target_semaphore(%arg12 : memref<!tpu.dma_semaphore, #tpu.memory_space<semaphore_mem>>)
    %dma_start3A_1015 = arith.constant 208 : i32
    %dma_start3A_1016 = arith.constant 0 : i32
    %dma_start3A_1017 = tpu.memref_slice %arg4[%select_n3A_575, %dma_start3A_1015, %dma_start3A_1016] : memref<128x576x768xf32, #tpu.memory_space<hbm>> -> memref<1x16x768xf32, #tpu.memory_space<hbm>>
    %dma_start3A_1018 = tpu.memref_squeeze %dma_start3A_1017 : memref<1x16x768xf32, #tpu.memory_space<hbm>> -> memref<16x768xf32, #tpu.memory_space<hbm>>
    %dma_start3A_1019 = arith.constant 208 : i32
    %dma_start3A_1020 = arith.constant 0 : i32
    %dma_start3A_1021 = tpu.memref_slice %arg4[%select_n3A_575, %dma_start3A_1019, %dma_start3A_1020] : memref<128x576x768xf32, #tpu.memory_space<hbm>> -> memref<1x16x768xf32, #tpu.memory_space<hbm>>
    %dma_start3A_1022 = tpu.memref_squeeze %dma_start3A_1021 : memref<1x16x768xf32, #tpu.memory_space<hbm>> -> memref<16x768xf32, #tpu.memory_space<hbm>>
    tpu.enqueue_dma source(%arg5 : memref<16x768xf32, #tpu.memory_space<vmem>>) target(%dma_start3A_1022 : memref<16x768xf32, #tpu.memory_space<hbm>>) target_semaphore(%arg12 : memref<!tpu.dma_semaphore, #tpu.memory_space<semaphore_mem>>)
    %dma_start3A_1023 = arith.constant 224 : i32
    %dma_start3A_1024 = arith.constant 0 : i32
    %dma_start3A_1025 = tpu.memref_slice %arg4[%select_n3A_575, %dma_start3A_1023, %dma_start3A_1024] : memref<128x576x768xf32, #tpu.memory_space<hbm>> -> memref<1x16x768xf32, #tpu.memory_space<hbm>>
    %dma_start3A_1026 = tpu.memref_squeeze %dma_start3A_1025 : memref<1x16x768xf32, #tpu.memory_space<hbm>> -> memref<16x768xf32, #tpu.memory_space<hbm>>
    %dma_start3A_1027 = arith.constant 224 : i32
    %dma_start3A_1028 = arith.constant 0 : i32
    %dma_start3A_1029 = tpu.memref_slice %arg4[%select_n3A_575, %dma_start3A_1027, %dma_start3A_1028] : memref<128x576x768xf32, #tpu.memory_space<hbm>> -> memref<1x16x768xf32, #tpu.memory_space<hbm>>
    %dma_start3A_1030 = tpu.memref_squeeze %dma_start3A_1029 : memref<1x16x768xf32, #tpu.memory_space<hbm>> -> memref<16x768xf32, #tpu.memory_space<hbm>>
    tpu.enqueue_dma source(%arg5 : memref<16x768xf32, #tpu.memory_space<vmem>>) target(%dma_start3A_1030 : memref<16x768xf32, #tpu.memory_space<hbm>>) target_semaphore(%arg12 : memref<!tpu.dma_semaphore, #tpu.memory_space<semaphore_mem>>)
    %dma_start3A_1031 = arith.constant 240 : i32
    %dma_start3A_1032 = arith.constant 0 : i32
    %dma_start3A_1033 = tpu.memref_slice %arg4[%select_n3A_575, %dma_start3A_1031, %dma_start3A_1032] : memref<128x576x768xf32, #tpu.memory_space<hbm>> -> memref<1x16x768xf32, #tpu.memory_space<hbm>>
    %dma_start3A_1034 = tpu.memref_squeeze %dma_start3A_1033 : memref<1x16x768xf32, #tpu.memory_space<hbm>> -> memref<16x768xf32, #tpu.memory_space<hbm>>
    %dma_start3A_1035 = arith.constant 240 : i32
    %dma_start3A_1036 = arith.constant 0 : i32
    %dma_start3A_1037 = tpu.memref_slice %arg4[%select_n3A_575, %dma_start3A_1035, %dma_start3A_1036] : memref<128x576x768xf32, #tpu.memory_space<hbm>> -> memref<1x16x768xf32, #tpu.memory_space<hbm>>
    %dma_start3A_1038 = tpu.memref_squeeze %dma_start3A_1037 : memref<1x16x768xf32, #tpu.memory_space<hbm>> -> memref<16x768xf32, #tpu.memory_space<hbm>>
    tpu.enqueue_dma source(%arg5 : memref<16x768xf32, #tpu.memory_space<vmem>>) target(%dma_start3A_1038 : memref<16x768xf32, #tpu.memory_space<hbm>>) target_semaphore(%arg12 : memref<!tpu.dma_semaphore, #tpu.memory_space<semaphore_mem>>)
    %dma_start3A_1039 = arith.constant 256 : i32
    %dma_start3A_1040 = arith.constant 0 : i32
    %dma_start3A_1041 = tpu.memref_slice %arg4[%select_n3A_575, %dma_start3A_1039, %dma_start3A_1040] : memref<128x576x768xf32, #tpu.memory_space<hbm>> -> memref<1x16x768xf32, #tpu.memory_space<hbm>>
    %dma_start3A_1042 = tpu.memref_squeeze %dma_start3A_1041 : memref<1x16x768xf32, #tpu.memory_space<hbm>> -> memref<16x768xf32, #tpu.memory_space<hbm>>
    %dma_start3A_1043 = arith.constant 256 : i32
    %dma_start3A_1044 = arith.constant 0 : i32
    %dma_start3A_1045 = tpu.memref_slice %arg4[%select_n3A_575, %dma_start3A_1043, %dma_start3A_1044] : memref<128x576x768xf32, #tpu.memory_space<hbm>> -> memref<1x16x768xf32, #tpu.memory_space<hbm>>
    %dma_start3A_1046 = tpu.memref_squeeze %dma_start3A_1045 : memref<1x16x768xf32, #tpu.memory_space<hbm>> -> memref<16x768xf32, #tpu.memory_space<hbm>>
    tpu.enqueue_dma source(%arg5 : memref<16x768xf32, #tpu.memory_space<vmem>>) target(%dma_start3A_1046 : memref<16x768xf32, #tpu.memory_space<hbm>>) target_semaphore(%arg12 : memref<!tpu.dma_semaphore, #tpu.memory_space<semaphore_mem>>)
    %dma_start3A_1047 = arith.constant 272 : i32
    %dma_start3A_1048 = arith.constant 0 : i32
    %dma_start3A_1049 = tpu.memref_slice %arg4[%select_n3A_575, %dma_start3A_1047, %dma_start3A_1048] : memref<128x576x768xf32, #tpu.memory_space<hbm>> -> memref<1x16x768xf32, #tpu.memory_space<hbm>>
    %dma_start3A_1050 = tpu.memref_squeeze %dma_start3A_1049 : memref<1x16x768xf32, #tpu.memory_space<hbm>> -> memref<16x768xf32, #tpu.memory_space<hbm>>
    %dma_start3A_1051 = arith.constant 272 : i32
    %dma_start3A_1052 = arith.constant 0 : i32
    %dma_start3A_1053 = tpu.memref_slice %arg4[%select_n3A_575, %dma_start3A_1051, %dma_start3A_1052] : memref<128x576x768xf32, #tpu.memory_space<hbm>> -> memref<1x16x768xf32, #tpu.memory_space<hbm>>
    %dma_start3A_1054 = tpu.memref_squeeze %dma_start3A_1053 : memref<1x16x768xf32, #tpu.memory_space<hbm>> -> memref<16x768xf32, #tpu.memory_space<hbm>>
    tpu.enqueue_dma source(%arg5 : memref<16x768xf32, #tpu.memory_space<vmem>>) target(%dma_start3A_1054 : memref<16x768xf32, #tpu.memory_space<hbm>>) target_semaphore(%arg12 : memref<!tpu.dma_semaphore, #tpu.memory_space<semaphore_mem>>)
    %dma_start3A_1055 = arith.constant 288 : i32
    %dma_start3A_1056 = arith.constant 0 : i32
    %dma_start3A_1057 = tpu.memref_slice %arg4[%select_n3A_575, %dma_start3A_1055, %dma_start3A_1056] : memref<128x576x768xf32, #tpu.memory_space<hbm>> -> memref<1x16x768xf32, #tpu.memory_space<hbm>>
    %dma_start3A_1058 = tpu.memref_squeeze %dma_start3A_1057 : memref<1x16x768xf32, #tpu.memory_space<hbm>> -> memref<16x768xf32, #tpu.memory_space<hbm>>
    %dma_start3A_1059 = arith.constant 288 : i32
    %dma_start3A_1060 = arith.constant 0 : i32
    %dma_start3A_1061 = tpu.memref_slice %arg4[%select_n3A_575, %dma_start3A_1059, %dma_start3A_1060] : memref<128x576x768xf32, #tpu.memory_space<hbm>> -> memref<1x16x768xf32, #tpu.memory_space<hbm>>
    %dma_start3A_1062 = tpu.memref_squeeze %dma_start3A_1061 : memref<1x16x768xf32, #tpu.memory_space<hbm>> -> memref<16x768xf32, #tpu.memory_space<hbm>>
    tpu.enqueue_dma source(%arg5 : memref<16x768xf32, #tpu.memory_space<vmem>>) target(%dma_start3A_1062 : memref<16x768xf32, #tpu.memory_space<hbm>>) target_semaphore(%arg12 : memref<!tpu.dma_semaphore, #tpu.memory_space<semaphore_mem>>)
    %dma_start3A_1063 = arith.constant 304 : i32
    %dma_start3A_1064 = arith.constant 0 : i32
    %dma_start3A_1065 = tpu.memref_slice %arg4[%select_n3A_575, %dma_start3A_1063, %dma_start3A_1064] : memref<128x576x768xf32, #tpu.memory_space<hbm>> -> memref<1x16x768xf32, #tpu.memory_space<hbm>>
    %dma_start3A_1066 = tpu.memref_squeeze %dma_start3A_1065 : memref<1x16x768xf32, #tpu.memory_space<hbm>> -> memref<16x768xf32, #tpu.memory_space<hbm>>
    %dma_start3A_1067 = arith.constant 304 : i32
    %dma_start3A_1068 = arith.constant 0 : i32
    %dma_start3A_1069 = tpu.memref_slice %arg4[%select_n3A_575, %dma_start3A_1067, %dma_start3A_1068] : memref<128x576x768xf32, #tpu.memory_space<hbm>> -> memref<1x16x768xf32, #tpu.memory_space<hbm>>
    %dma_start3A_1070 = tpu.memref_squeeze %dma_start3A_1069 : memref<1x16x768xf32, #tpu.memory_space<hbm>> -> memref<16x768xf32, #tpu.memory_space<hbm>>
    tpu.enqueue_dma source(%arg5 : memref<16x768xf32, #tpu.memory_space<vmem>>) target(%dma_start3A_1070 : memref<16x768xf32, #tpu.memory_space<hbm>>) target_semaphore(%arg12 : memref<!tpu.dma_semaphore, #tpu.memory_space<semaphore_mem>>)
    %dma_start3A_1071 = arith.constant 320 : i32
    %dma_start3A_1072 = arith.constant 0 : i32
    %dma_start3A_1073 = tpu.memref_slice %arg4[%select_n3A_575, %dma_start3A_1071, %dma_start3A_1072] : memref<128x576x768xf32, #tpu.memory_space<hbm>> -> memref<1x16x768xf32, #tpu.memory_space<hbm>>
    %dma_start3A_1074 = tpu.memref_squeeze %dma_start3A_1073 : memref<1x16x768xf32, #tpu.memory_space<hbm>> -> memref<16x768xf32, #tpu.memory_space<hbm>>
    %dma_start3A_1075 = arith.constant 320 : i32
    %dma_start3A_1076 = arith.constant 0 : i32
    %dma_start3A_1077 = tpu.memref_slice %arg4[%select_n3A_575, %dma_start3A_1075, %dma_start3A_1076] : memref<128x576x768xf32, #tpu.memory_space<hbm>> -> memref<1x16x768xf32, #tpu.memory_space<hbm>>
    %dma_start3A_1078 = tpu.memref_squeeze %dma_start3A_1077 : memref<1x16x768xf32, #tpu.memory_space<hbm>> -> memref<16x768xf32, #tpu.memory_space<hbm>>
    tpu.enqueue_dma source(%arg5 : memref<16x768xf32, #tpu.memory_space<vmem>>) target(%dma_start3A_1078 : memref<16x768xf32, #tpu.memory_space<hbm>>) target_semaphore(%arg12 : memref<!tpu.dma_semaphore, #tpu.memory_space<semaphore_mem>>)
    %dma_start3A_1079 = arith.constant 336 : i32
    %dma_start3A_1080 = arith.constant 0 : i32
    %dma_start3A_1081 = tpu.memref_slice %arg4[%select_n3A_575, %dma_start3A_1079, %dma_start3A_1080] : memref<128x576x768xf32, #tpu.memory_space<hbm>> -> memref<1x16x768xf32, #tpu.memory_space<hbm>>
    %dma_start3A_1082 = tpu.memref_squeeze %dma_start3A_1081 : memref<1x16x768xf32, #tpu.memory_space<hbm>> -> memref<16x768xf32, #tpu.memory_space<hbm>>
    %dma_start3A_1083 = arith.constant 336 : i32
    %dma_start3A_1084 = arith.constant 0 : i32
    %dma_start3A_1085 = tpu.memref_slice %arg4[%select_n3A_575, %dma_start3A_1083, %dma_start3A_1084] : memref<128x576x768xf32, #tpu.memory_space<hbm>> -> memref<1x16x768xf32, #tpu.memory_space<hbm>>
    %dma_start3A_1086 = tpu.memref_squeeze %dma_start3A_1085 : memref<1x16x768xf32, #tpu.memory_space<hbm>> -> memref<16x768xf32, #tpu.memory_space<hbm>>
    tpu.enqueue_dma source(%arg5 : memref<16x768xf32, #tpu.memory_space<vmem>>) target(%dma_start3A_1086 : memref<16x768xf32, #tpu.memory_space<hbm>>) target_semaphore(%arg12 : memref<!tpu.dma_semaphore, #tpu.memory_space<semaphore_mem>>)
    %dma_start3A_1087 = arith.constant 352 : i32
    %dma_start3A_1088 = arith.constant 0 : i32
    %dma_start3A_1089 = tpu.memref_slice %arg4[%select_n3A_575, %dma_start3A_1087, %dma_start3A_1088] : memref<128x576x768xf32, #tpu.memory_space<hbm>> -> memref<1x16x768xf32, #tpu.memory_space<hbm>>
    %dma_start3A_1090 = tpu.memref_squeeze %dma_start3A_1089 : memref<1x16x768xf32, #tpu.memory_space<hbm>> -> memref<16x768xf32, #tpu.memory_space<hbm>>
    %dma_start3A_1091 = arith.constant 352 : i32
    %dma_start3A_1092 = arith.constant 0 : i32
    %dma_start3A_1093 = tpu.memref_slice %arg4[%select_n3A_575, %dma_start3A_1091, %dma_start3A_1092] : memref<128x576x768xf32, #tpu.memory_space<hbm>> -> memref<1x16x768xf32, #tpu.memory_space<hbm>>
    %dma_start3A_1094 = tpu.memref_squeeze %dma_start3A_1093 : memref<1x16x768xf32, #tpu.memory_space<hbm>> -> memref<16x768xf32, #tpu.memory_space<hbm>>
    tpu.enqueue_dma source(%arg5 : memref<16x768xf32, #tpu.memory_space<vmem>>) target(%dma_start3A_1094 : memref<16x768xf32, #tpu.memory_space<hbm>>) target_semaphore(%arg12 : memref<!tpu.dma_semaphore, #tpu.memory_space<semaphore_mem>>)
    %dma_start3A_1095 = arith.constant 368 : i32
    %dma_start3A_1096 = arith.constant 0 : i32
    %dma_start3A_1097 = tpu.memref_slice %arg4[%select_n3A_575, %dma_start3A_1095, %dma_start3A_1096] : memref<128x576x768xf32, #tpu.memory_space<hbm>> -> memref<1x16x768xf32, #tpu.memory_space<hbm>>
    %dma_start3A_1098 = tpu.memref_squeeze %dma_start3A_1097 : memref<1x16x768xf32, #tpu.memory_space<hbm>> -> memref<16x768xf32, #tpu.memory_space<hbm>>
    %dma_start3A_1099 = arith.constant 368 : i32
    %dma_start3A_1100 = arith.constant 0 : i32
    %dma_start3A_1101 = tpu.memref_slice %arg4[%select_n3A_575, %dma_start3A_1099, %dma_start3A_1100] : memref<128x576x768xf32, #tpu.memory_space<hbm>> -> memref<1x16x768xf32, #tpu.memory_space<hbm>>
    %dma_start3A_1102 = tpu.memref_squeeze %dma_start3A_1101 : memref<1x16x768xf32, #tpu.memory_space<hbm>> -> memref<16x768xf32, #tpu.memory_space<hbm>>
    tpu.enqueue_dma source(%arg5 : memref<16x768xf32, #tpu.memory_space<vmem>>) target(%dma_start3A_1102 : memref<16x768xf32, #tpu.memory_space<hbm>>) target_semaphore(%arg12 : memref<!tpu.dma_semaphore, #tpu.memory_space<semaphore_mem>>)
    %dma_start3A_1103 = arith.constant 384 : i32
    %dma_start3A_1104 = arith.constant 0 : i32
    %dma_start3A_1105 = tpu.memref_slice %arg4[%select_n3A_575, %dma_start3A_1103, %dma_start3A_1104] : memref<128x576x768xf32, #tpu.memory_space<hbm>> -> memref<1x16x768xf32, #tpu.memory_space<hbm>>
    %dma_start3A_1106 = tpu.memref_squeeze %dma_start3A_1105 : memref<1x16x768xf32, #tpu.memory_space<hbm>> -> memref<16x768xf32, #tpu.memory_space<hbm>>
    %dma_start3A_1107 = arith.constant 384 : i32
    %dma_start3A_1108 = arith.constant 0 : i32
    %dma_start3A_1109 = tpu.memref_slice %arg4[%select_n3A_575, %dma_start3A_1107, %dma_start3A_1108] : memref<128x576x768xf32, #tpu.memory_space<hbm>> -> memref<1x16x768xf32, #tpu.memory_space<hbm>>
    %dma_start3A_1110 = tpu.memref_squeeze %dma_start3A_1109 : memref<1x16x768xf32, #tpu.memory_space<hbm>> -> memref<16x768xf32, #tpu.memory_space<hbm>>
    tpu.enqueue_dma source(%arg5 : memref<16x768xf32, #tpu.memory_space<vmem>>) target(%dma_start3A_1110 : memref<16x768xf32, #tpu.memory_space<hbm>>) target_semaphore(%arg12 : memref<!tpu.dma_semaphore, #tpu.memory_space<semaphore_mem>>)
    %dma_start3A_1111 = arith.constant 400 : i32
    %dma_start3A_1112 = arith.constant 0 : i32
    %dma_start3A_1113 = tpu.memref_slice %arg4[%select_n3A_575, %dma_start3A_1111, %dma_start3A_1112] : memref<128x576x768xf32, #tpu.memory_space<hbm>> -> memref<1x16x768xf32, #tpu.memory_space<hbm>>
    %dma_start3A_1114 = tpu.memref_squeeze %dma_start3A_1113 : memref<1x16x768xf32, #tpu.memory_space<hbm>> -> memref<16x768xf32, #tpu.memory_space<hbm>>
    %dma_start3A_1115 = arith.constant 400 : i32
    %dma_start3A_1116 = arith.constant 0 : i32
    %dma_start3A_1117 = tpu.memref_slice %arg4[%select_n3A_575, %dma_start3A_1115, %dma_start3A_1116] : memref<128x576x768xf32, #tpu.memory_space<hbm>> -> memref<1x16x768xf32, #tpu.memory_space<hbm>>
    %dma_start3A_1118 = tpu.memref_squeeze %dma_start3A_1117 : memref<1x16x768xf32, #tpu.memory_space<hbm>> -> memref<16x768xf32, #tpu.memory_space<hbm>>
    tpu.enqueue_dma source(%arg5 : memref<16x768xf32, #tpu.memory_space<vmem>>) target(%dma_start3A_1118 : memref<16x768xf32, #tpu.memory_space<hbm>>) target_semaphore(%arg12 : memref<!tpu.dma_semaphore, #tpu.memory_space<semaphore_mem>>)
    %dma_start3A_1119 = arith.constant 416 : i32
    %dma_start3A_1120 = arith.constant 0 : i32
    %dma_start3A_1121 = tpu.memref_slice %arg4[%select_n3A_575, %dma_start3A_1119, %dma_start3A_1120] : memref<128x576x768xf32, #tpu.memory_space<hbm>> -> memref<1x16x768xf32, #tpu.memory_space<hbm>>
    %dma_start3A_1122 = tpu.memref_squeeze %dma_start3A_1121 : memref<1x16x768xf32, #tpu.memory_space<hbm>> -> memref<16x768xf32, #tpu.memory_space<hbm>>
    %dma_start3A_1123 = arith.constant 416 : i32
    %dma_start3A_1124 = arith.constant 0 : i32
    %dma_start3A_1125 = tpu.memref_slice %arg4[%select_n3A_575, %dma_start3A_1123, %dma_start3A_1124] : memref<128x576x768xf32, #tpu.memory_space<hbm>> -> memref<1x16x768xf32, #tpu.memory_space<hbm>>
    %dma_start3A_1126 = tpu.memref_squeeze %dma_start3A_1125 : memref<1x16x768xf32, #tpu.memory_space<hbm>> -> memref<16x768xf32, #tpu.memory_space<hbm>>
    tpu.enqueue_dma source(%arg5 : memref<16x768xf32, #tpu.memory_space<vmem>>) target(%dma_start3A_1126 : memref<16x768xf32, #tpu.memory_space<hbm>>) target_semaphore(%arg12 : memref<!tpu.dma_semaphore, #tpu.memory_space<semaphore_mem>>)
    %dma_start3A_1127 = arith.constant 432 : i32
    %dma_start3A_1128 = arith.constant 0 : i32
    %dma_start3A_1129 = tpu.memref_slice %arg4[%select_n3A_575, %dma_start3A_1127, %dma_start3A_1128] : memref<128x576x768xf32, #tpu.memory_space<hbm>> -> memref<1x16x768xf32, #tpu.memory_space<hbm>>
    %dma_start3A_1130 = tpu.memref_squeeze %dma_start3A_1129 : memref<1x16x768xf32, #tpu.memory_space<hbm>> -> memref<16x768xf32, #tpu.memory_space<hbm>>
    %dma_start3A_1131 = arith.constant 432 : i32
    %dma_start3A_1132 = arith.constant 0 : i32
    %dma_start3A_1133 = tpu.memref_slice %arg4[%select_n3A_575, %dma_start3A_1131, %dma_start3A_1132] : memref<128x576x768xf32, #tpu.memory_space<hbm>> -> memref<1x16x768xf32, #tpu.memory_space<hbm>>
    %dma_start3A_1134 = tpu.memref_squeeze %dma_start3A_1133 : memref<1x16x768xf32, #tpu.memory_space<hbm>> -> memref<16x768xf32, #tpu.memory_space<hbm>>
    tpu.enqueue_dma source(%arg5 : memref<16x768xf32, #tpu.memory_space<vmem>>) target(%dma_start3A_1134 : memref<16x768xf32, #tpu.memory_space<hbm>>) target_semaphore(%arg12 : memref<!tpu.dma_semaphore, #tpu.memory_space<semaphore_mem>>)
    %dma_start3A_1135 = arith.constant 448 : i32
    %dma_start3A_1136 = arith.constant 0 : i32
    %dma_start3A_1137 = tpu.memref_slice %arg4[%select_n3A_575, %dma_start3A_1135, %dma_start3A_1136] : memref<128x576x768xf32, #tpu.memory_space<hbm>> -> memref<1x16x768xf32, #tpu.memory_space<hbm>>
    %dma_start3A_1138 = tpu.memref_squeeze %dma_start3A_1137 : memref<1x16x768xf32, #tpu.memory_space<hbm>> -> memref<16x768xf32, #tpu.memory_space<hbm>>
    %dma_start3A_1139 = arith.constant 448 : i32
    %dma_start3A_1140 = arith.constant 0 : i32
    %dma_start3A_1141 = tpu.memref_slice %arg4[%select_n3A_575, %dma_start3A_1139, %dma_start3A_1140] : memref<128x576x768xf32, #tpu.memory_space<hbm>> -> memref<1x16x768xf32, #tpu.memory_space<hbm>>
    %dma_start3A_1142 = tpu.memref_squeeze %dma_start3A_1141 : memref<1x16x768xf32, #tpu.memory_space<hbm>> -> memref<16x768xf32, #tpu.memory_space<hbm>>
    tpu.enqueue_dma source(%arg5 : memref<16x768xf32, #tpu.memory_space<vmem>>) target(%dma_start3A_1142 : memref<16x768xf32, #tpu.memory_space<hbm>>) target_semaphore(%arg12 : memref<!tpu.dma_semaphore, #tpu.memory_space<semaphore_mem>>)
    %dma_start3A_1143 = arith.constant 464 : i32
    %dma_start3A_1144 = arith.constant 0 : i32
    %dma_start3A_1145 = tpu.memref_slice %arg4[%select_n3A_575, %dma_start3A_1143, %dma_start3A_1144] : memref<128x576x768xf32, #tpu.memory_space<hbm>> -> memref<1x16x768xf32, #tpu.memory_space<hbm>>
    %dma_start3A_1146 = tpu.memref_squeeze %dma_start3A_1145 : memref<1x16x768xf32, #tpu.memory_space<hbm>> -> memref<16x768xf32, #tpu.memory_space<hbm>>
    %dma_start3A_1147 = arith.constant 464 : i32
    %dma_start3A_1148 = arith.constant 0 : i32
    %dma_start3A_1149 = tpu.memref_slice %arg4[%select_n3A_575, %dma_start3A_1147, %dma_start3A_1148] : memref<128x576x768xf32, #tpu.memory_space<hbm>> -> memref<1x16x768xf32, #tpu.memory_space<hbm>>
    %dma_start3A_1150 = tpu.memref_squeeze %dma_start3A_1149 : memref<1x16x768xf32, #tpu.memory_space<hbm>> -> memref<16x768xf32, #tpu.memory_space<hbm>>
    tpu.enqueue_dma source(%arg5 : memref<16x768xf32, #tpu.memory_space<vmem>>) target(%dma_start3A_1150 : memref<16x768xf32, #tpu.memory_space<hbm>>) target_semaphore(%arg12 : memref<!tpu.dma_semaphore, #tpu.memory_space<semaphore_mem>>)
    %dma_start3A_1151 = arith.constant 480 : i32
    %dma_start3A_1152 = arith.constant 0 : i32
    %dma_start3A_1153 = tpu.memref_slice %arg4[%select_n3A_575, %dma_start3A_1151, %dma_start3A_1152] : memref<128x576x768xf32, #tpu.memory_space<hbm>> -> memref<1x16x768xf32, #tpu.memory_space<hbm>>
    %dma_start3A_1154 = tpu.memref_squeeze %dma_start3A_1153 : memref<1x16x768xf32, #tpu.memory_space<hbm>> -> memref<16x768xf32, #tpu.memory_space<hbm>>
    %dma_start3A_1155 = arith.constant 480 : i32
    %dma_start3A_1156 = arith.constant 0 : i32
    %dma_start3A_1157 = tpu.memref_slice %arg4[%select_n3A_575, %dma_start3A_1155, %dma_start3A_1156] : memref<128x576x768xf32, #tpu.memory_space<hbm>> -> memref<1x16x768xf32, #tpu.memory_space<hbm>>
    %dma_start3A_1158 = tpu.memref_squeeze %dma_start3A_1157 : memref<1x16x768xf32, #tpu.memory_space<hbm>> -> memref<16x768xf32, #tpu.memory_space<hbm>>
    tpu.enqueue_dma source(%arg5 : memref<16x768xf32, #tpu.memory_space<vmem>>) target(%dma_start3A_1158 : memref<16x768xf32, #tpu.memory_space<hbm>>) target_semaphore(%arg12 : memref<!tpu.dma_semaphore, #tpu.memory_space<semaphore_mem>>)
    %dma_start3A_1159 = arith.constant 496 : i32
    %dma_start3A_1160 = arith.constant 0 : i32
    %dma_start3A_1161 = tpu.memref_slice %arg4[%select_n3A_575, %dma_start3A_1159, %dma_start3A_1160] : memref<128x576x768xf32, #tpu.memory_space<hbm>> -> memref<1x16x768xf32, #tpu.memory_space<hbm>>
    %dma_start3A_1162 = tpu.memref_squeeze %dma_start3A_1161 : memref<1x16x768xf32, #tpu.memory_space<hbm>> -> memref<16x768xf32, #tpu.memory_space<hbm>>
    %dma_start3A_1163 = arith.constant 496 : i32
    %dma_start3A_1164 = arith.constant 0 : i32
    %dma_start3A_1165 = tpu.memref_slice %arg4[%select_n3A_575, %dma_start3A_1163, %dma_start3A_1164] : memref<128x576x768xf32, #tpu.memory_space<hbm>> -> memref<1x16x768xf32, #tpu.memory_space<hbm>>
    %dma_start3A_1166 = tpu.memref_squeeze %dma_start3A_1165 : memref<1x16x768xf32, #tpu.memory_space<hbm>> -> memref<16x768xf32, #tpu.memory_space<hbm>>
    tpu.enqueue_dma source(%arg5 : memref<16x768xf32, #tpu.memory_space<vmem>>) target(%dma_start3A_1166 : memref<16x768xf32, #tpu.memory_space<hbm>>) target_semaphore(%arg12 : memref<!tpu.dma_semaphore, #tpu.memory_space<semaphore_mem>>)
    %dma_start3A_1167 = arith.constant 512 : i32
    %dma_start3A_1168 = arith.constant 0 : i32
    %dma_start3A_1169 = tpu.memref_slice %arg4[%select_n3A_575, %dma_start3A_1167, %dma_start3A_1168] : memref<128x576x768xf32, #tpu.memory_space<hbm>> -> memref<1x16x768xf32, #tpu.memory_space<hbm>>
    %dma_start3A_1170 = tpu.memref_squeeze %dma_start3A_1169 : memref<1x16x768xf32, #tpu.memory_space<hbm>> -> memref<16x768xf32, #tpu.memory_space<hbm>>
    %dma_start3A_1171 = arith.constant 512 : i32
    %dma_start3A_1172 = arith.constant 0 : i32
    %dma_start3A_1173 = tpu.memref_slice %arg4[%select_n3A_575, %dma_start3A_1171, %dma_start3A_1172] : memref<128x576x768xf32, #tpu.memory_space<hbm>> -> memref<1x16x768xf32, #tpu.memory_space<hbm>>
    %dma_start3A_1174 = tpu.memref_squeeze %dma_start3A_1173 : memref<1x16x768xf32, #tpu.memory_space<hbm>> -> memref<16x768xf32, #tpu.memory_space<hbm>>
    tpu.enqueue_dma source(%arg5 : memref<16x768xf32, #tpu.memory_space<vmem>>) target(%dma_start3A_1174 : memref<16x768xf32, #tpu.memory_space<hbm>>) target_semaphore(%arg12 : memref<!tpu.dma_semaphore, #tpu.memory_space<semaphore_mem>>)
    %dma_start3A_1175 = arith.constant 528 : i32
    %dma_start3A_1176 = arith.constant 0 : i32
    %dma_start3A_1177 = tpu.memref_slice %arg4[%select_n3A_575, %dma_start3A_1175, %dma_start3A_1176] : memref<128x576x768xf32, #tpu.memory_space<hbm>> -> memref<1x16x768xf32, #tpu.memory_space<hbm>>
    %dma_start3A_1178 = tpu.memref_squeeze %dma_start3A_1177 : memref<1x16x768xf32, #tpu.memory_space<hbm>> -> memref<16x768xf32, #tpu.memory_space<hbm>>
    %dma_start3A_1179 = arith.constant 528 : i32
    %dma_start3A_1180 = arith.constant 0 : i32
    %dma_start3A_1181 = tpu.memref_slice %arg4[%select_n3A_575, %dma_start3A_1179, %dma_start3A_1180] : memref<128x576x768xf32, #tpu.memory_space<hbm>> -> memref<1x16x768xf32, #tpu.memory_space<hbm>>
    %dma_start3A_1182 = tpu.memref_squeeze %dma_start3A_1181 : memref<1x16x768xf32, #tpu.memory_space<hbm>> -> memref<16x768xf32, #tpu.memory_space<hbm>>
    tpu.enqueue_dma source(%arg5 : memref<16x768xf32, #tpu.memory_space<vmem>>) target(%dma_start3A_1182 : memref<16x768xf32, #tpu.memory_space<hbm>>) target_semaphore(%arg12 : memref<!tpu.dma_semaphore, #tpu.memory_space<semaphore_mem>>)
    %dma_start3A_1183 = arith.constant 544 : i32
    %dma_start3A_1184 = arith.constant 0 : i32
    %dma_start3A_1185 = tpu.memref_slice %arg4[%select_n3A_575, %dma_start3A_1183, %dma_start3A_1184] : memref<128x576x768xf32, #tpu.memory_space<hbm>> -> memref<1x16x768xf32, #tpu.memory_space<hbm>>
    %dma_start3A_1186 = tpu.memref_squeeze %dma_start3A_1185 : memref<1x16x768xf32, #tpu.memory_space<hbm>> -> memref<16x768xf32, #tpu.memory_space<hbm>>
    %dma_start3A_1187 = arith.constant 544 : i32
    %dma_start3A_1188 = arith.constant 0 : i32
    %dma_start3A_1189 = tpu.memref_slice %arg4[%select_n3A_575, %dma_start3A_1187, %dma_start3A_1188] : memref<128x576x768xf32, #tpu.memory_space<hbm>> -> memref<1x16x768xf32, #tpu.memory_space<hbm>>
    %dma_start3A_1190 = tpu.memref_squeeze %dma_start3A_1189 : memref<1x16x768xf32, #tpu.memory_space<hbm>> -> memref<16x768xf32, #tpu.memory_space<hbm>>
    tpu.enqueue_dma source(%arg5 : memref<16x768xf32, #tpu.memory_space<vmem>>) target(%dma_start3A_1190 : memref<16x768xf32, #tpu.memory_space<hbm>>) target_semaphore(%arg12 : memref<!tpu.dma_semaphore, #tpu.memory_space<semaphore_mem>>)
    %dma_start3A_1191 = arith.constant 560 : i32
    %dma_start3A_1192 = arith.constant 0 : i32
    %dma_start3A_1193 = tpu.memref_slice %arg4[%select_n3A_575, %dma_start3A_1191, %dma_start3A_1192] : memref<128x576x768xf32, #tpu.memory_space<hbm>> -> memref<1x16x768xf32, #tpu.memory_space<hbm>>
    %dma_start3A_1194 = tpu.memref_squeeze %dma_start3A_1193 : memref<1x16x768xf32, #tpu.memory_space<hbm>> -> memref<16x768xf32, #tpu.memory_space<hbm>>
    %dma_start3A_1195 = arith.constant 560 : i32
    %dma_start3A_1196 = arith.constant 0 : i32
    %dma_start3A_1197 = tpu.memref_slice %arg4[%select_n3A_575, %dma_start3A_1195, %dma_start3A_1196] : memref<128x576x768xf32, #tpu.memory_space<hbm>> -> memref<1x16x768xf32, #tpu.memory_space<hbm>>
    %dma_start3A_1198 = tpu.memref_squeeze %dma_start3A_1197 : memref<1x16x768xf32, #tpu.memory_space<hbm>> -> memref<16x768xf32, #tpu.memory_space<hbm>>
    tpu.enqueue_dma source(%arg5 : memref<16x768xf32, #tpu.memory_space<vmem>>) target(%dma_start3A_1198 : memref<16x768xf32, #tpu.memory_space<hbm>>) target_semaphore(%arg12 : memref<!tpu.dma_semaphore, #tpu.memory_space<semaphore_mem>>)
    %eq3A_1199 = arith.constant 0 : i32
    %eq3A_1200 = arith.cmpi eq, %select_n3A_720, %eq3A_1199 : i32
    %convert_element_type3A = arith.extui %eq3A_1200 : i1 to i32
    %cond3A = arith.constant 0 : i32
    %cond3A_1201 = arith.cmpi ne, %convert_element_type3A, %cond3A : i32
    scf.if %cond3A_1201 {
      %dma_start3A_1536 = arith.constant 0 : i32
      %dma_start3A_1537 = arith.constant 0 : i32
      %dma_start3A_1538 = tpu.memref_slice %arg4[%select_n3A_430, %dma_start3A_1536, %dma_start3A_1537] : memref<128x576x768xf32, #tpu.memory_space<hbm>> -> memref<1x16x768xf32, #tpu.memory_space<hbm>>
      %dma_start3A_1539 = tpu.memref_squeeze %dma_start3A_1538 : memref<1x16x768xf32, #tpu.memory_space<hbm>> -> memref<16x768xf32, #tpu.memory_space<hbm>>
      %dma_start3A_1540 = arith.constant 0 : i32
      %dma_start3A_1541 = arith.constant 0 : i32
      %dma_start3A_1542 = tpu.memref_slice %arg4[%select_n3A_430, %dma_start3A_1540, %dma_start3A_1541] : memref<128x576x768xf32, #tpu.memory_space<hbm>> -> memref<1x16x768xf32, #tpu.memory_space<hbm>>
      %dma_start3A_1543 = tpu.memref_squeeze %dma_start3A_1542 : memref<1x16x768xf32, #tpu.memory_space<hbm>> -> memref<16x768xf32, #tpu.memory_space<hbm>>
      tpu.enqueue_dma source(%arg5 : memref<16x768xf32, #tpu.memory_space<vmem>>) target(%dma_start3A_1543 : memref<16x768xf32, #tpu.memory_space<hbm>>) target_semaphore(%arg12 : memref<!tpu.dma_semaphore, #tpu.memory_space<semaphore_mem>>)
      %dma_start3A_1544 = arith.constant 16 : i32
      %dma_start3A_1545 = arith.constant 0 : i32
      %dma_start3A_1546 = tpu.memref_slice %arg4[%select_n3A_430, %dma_start3A_1544, %dma_start3A_1545] : memref<128x576x768xf32, #tpu.memory_space<hbm>> -> memref<1x16x768xf32, #tpu.memory_space<hbm>>
      %dma_start3A_1547 = tpu.memref_squeeze %dma_start3A_1546 : memref<1x16x768xf32, #tpu.memory_space<hbm>> -> memref<16x768xf32, #tpu.memory_space<hbm>>
      %dma_start3A_1548 = arith.constant 16 : i32
      %dma_start3A_1549 = arith.constant 0 : i32
      %dma_start3A_1550 = tpu.memref_slice %arg4[%select_n3A_430, %dma_start3A_1548, %dma_start3A_1549] : memref<128x576x768xf32, #tpu.memory_space<hbm>> -> memref<1x16x768xf32, #tpu.memory_space<hbm>>
      %dma_start3A_1551 = tpu.memref_squeeze %dma_start3A_1550 : memref<1x16x768xf32, #tpu.memory_space<hbm>> -> memref<16x768xf32, #tpu.memory_space<hbm>>
      tpu.enqueue_dma source(%arg5 : memref<16x768xf32, #tpu.memory_space<vmem>>) target(%dma_start3A_1551 : memref<16x768xf32, #tpu.memory_space<hbm>>) target_semaphore(%arg12 : memref<!tpu.dma_semaphore, #tpu.memory_space<semaphore_mem>>)
      %dma_start3A_1552 = arith.constant 32 : i32
      %dma_start3A_1553 = arith.constant 0 : i32
      %dma_start3A_1554 = tpu.memref_slice %arg4[%select_n3A_430, %dma_start3A_1552, %dma_start3A_1553] : memref<128x576x768xf32, #tpu.memory_space<hbm>> -> memref<1x16x768xf32, #tpu.memory_space<hbm>>
      %dma_start3A_1555 = tpu.memref_squeeze %dma_start3A_1554 : memref<1x16x768xf32, #tpu.memory_space<hbm>> -> memref<16x768xf32, #tpu.memory_space<hbm>>
      %dma_start3A_1556 = arith.constant 32 : i32
      %dma_start3A_1557 = arith.constant 0 : i32
      %dma_start3A_1558 = tpu.memref_slice %arg4[%select_n3A_430, %dma_start3A_1556, %dma_start3A_1557] : memref<128x576x768xf32, #tpu.memory_space<hbm>> -> memref<1x16x768xf32, #tpu.memory_space<hbm>>
      %dma_start3A_1559 = tpu.memref_squeeze %dma_start3A_1558 : memref<1x16x768xf32, #tpu.memory_space<hbm>> -> memref<16x768xf32, #tpu.memory_space<hbm>>
      tpu.enqueue_dma source(%arg5 : memref<16x768xf32, #tpu.memory_space<vmem>>) target(%dma_start3A_1559 : memref<16x768xf32, #tpu.memory_space<hbm>>) target_semaphore(%arg12 : memref<!tpu.dma_semaphore, #tpu.memory_space<semaphore_mem>>)
      %dma_start3A_1560 = arith.constant 48 : i32
      %dma_start3A_1561 = arith.constant 0 : i32
      %dma_start3A_1562 = tpu.memref_slice %arg4[%select_n3A_430, %dma_start3A_1560, %dma_start3A_1561] : memref<128x576x768xf32, #tpu.memory_space<hbm>> -> memref<1x16x768xf32, #tpu.memory_space<hbm>>
      %dma_start3A_1563 = tpu.memref_squeeze %dma_start3A_1562 : memref<1x16x768xf32, #tpu.memory_space<hbm>> -> memref<16x768xf32, #tpu.memory_space<hbm>>
      %dma_start3A_1564 = arith.constant 48 : i32
      %dma_start3A_1565 = arith.constant 0 : i32
      %dma_start3A_1566 = tpu.memref_slice %arg4[%select_n3A_430, %dma_start3A_1564, %dma_start3A_1565] : memref<128x576x768xf32, #tpu.memory_space<hbm>> -> memref<1x16x768xf32, #tpu.memory_space<hbm>>
      %dma_start3A_1567 = tpu.memref_squeeze %dma_start3A_1566 : memref<1x16x768xf32, #tpu.memory_space<hbm>> -> memref<16x768xf32, #tpu.memory_space<hbm>>
      tpu.enqueue_dma source(%arg5 : memref<16x768xf32, #tpu.memory_space<vmem>>) target(%dma_start3A_1567 : memref<16x768xf32, #tpu.memory_space<hbm>>) target_semaphore(%arg12 : memref<!tpu.dma_semaphore, #tpu.memory_space<semaphore_mem>>)
      %dma_start3A_1568 = arith.constant 64 : i32
      %dma_start3A_1569 = arith.constant 0 : i32
      %dma_start3A_1570 = tpu.memref_slice %arg4[%select_n3A_430, %dma_start3A_1568, %dma_start3A_1569] : memref<128x576x768xf32, #tpu.memory_space<hbm>> -> memref<1x16x768xf32, #tpu.memory_space<hbm>>
      %dma_start3A_1571 = tpu.memref_squeeze %dma_start3A_1570 : memref<1x16x768xf32, #tpu.memory_space<hbm>> -> memref<16x768xf32, #tpu.memory_space<hbm>>
      %dma_start3A_1572 = arith.constant 64 : i32
      %dma_start3A_1573 = arith.constant 0 : i32
      %dma_start3A_1574 = tpu.memref_slice %arg4[%select_n3A_430, %dma_start3A_1572, %dma_start3A_1573] : memref<128x576x768xf32, #tpu.memory_space<hbm>> -> memref<1x16x768xf32, #tpu.memory_space<hbm>>
      %dma_start3A_1575 = tpu.memref_squeeze %dma_start3A_1574 : memref<1x16x768xf32, #tpu.memory_space<hbm>> -> memref<16x768xf32, #tpu.memory_space<hbm>>
      tpu.enqueue_dma source(%arg5 : memref<16x768xf32, #tpu.memory_space<vmem>>) target(%dma_start3A_1575 : memref<16x768xf32, #tpu.memory_space<hbm>>) target_semaphore(%arg12 : memref<!tpu.dma_semaphore, #tpu.memory_space<semaphore_mem>>)
      %dma_start3A_1576 = arith.constant 80 : i32
      %dma_start3A_1577 = arith.constant 0 : i32
      %dma_start3A_1578 = tpu.memref_slice %arg4[%select_n3A_430, %dma_start3A_1576, %dma_start3A_1577] : memref<128x576x768xf32, #tpu.memory_space<hbm>> -> memref<1x16x768xf32, #tpu.memory_space<hbm>>
      %dma_start3A_1579 = tpu.memref_squeeze %dma_start3A_1578 : memref<1x16x768xf32, #tpu.memory_space<hbm>> -> memref<16x768xf32, #tpu.memory_space<hbm>>
      %dma_start3A_1580 = arith.constant 80 : i32
      %dma_start3A_1581 = arith.constant 0 : i32
      %dma_start3A_1582 = tpu.memref_slice %arg4[%select_n3A_430, %dma_start3A_1580, %dma_start3A_1581] : memref<128x576x768xf32, #tpu.memory_space<hbm>> -> memref<1x16x768xf32, #tpu.memory_space<hbm>>
      %dma_start3A_1583 = tpu.memref_squeeze %dma_start3A_1582 : memref<1x16x768xf32, #tpu.memory_space<hbm>> -> memref<16x768xf32, #tpu.memory_space<hbm>>
      tpu.enqueue_dma source(%arg5 : memref<16x768xf32, #tpu.memory_space<vmem>>) target(%dma_start3A_1583 : memref<16x768xf32, #tpu.memory_space<hbm>>) target_semaphore(%arg12 : memref<!tpu.dma_semaphore, #tpu.memory_space<semaphore_mem>>)
      %dma_start3A_1584 = arith.constant 96 : i32
      %dma_start3A_1585 = arith.constant 0 : i32
      %dma_start3A_1586 = tpu.memref_slice %arg4[%select_n3A_430, %dma_start3A_1584, %dma_start3A_1585] : memref<128x576x768xf32, #tpu.memory_space<hbm>> -> memref<1x16x768xf32, #tpu.memory_space<hbm>>
      %dma_start3A_1587 = tpu.memref_squeeze %dma_start3A_1586 : memref<1x16x768xf32, #tpu.memory_space<hbm>> -> memref<16x768xf32, #tpu.memory_space<hbm>>
      %dma_start3A_1588 = arith.constant 96 : i32
      %dma_start3A_1589 = arith.constant 0 : i32
      %dma_start3A_1590 = tpu.memref_slice %arg4[%select_n3A_430, %dma_start3A_1588, %dma_start3A_1589] : memref<128x576x768xf32, #tpu.memory_space<hbm>> -> memref<1x16x768xf32, #tpu.memory_space<hbm>>
      %dma_start3A_1591 = tpu.memref_squeeze %dma_start3A_1590 : memref<1x16x768xf32, #tpu.memory_space<hbm>> -> memref<16x768xf32, #tpu.memory_space<hbm>>
      tpu.enqueue_dma source(%arg5 : memref<16x768xf32, #tpu.memory_space<vmem>>) target(%dma_start3A_1591 : memref<16x768xf32, #tpu.memory_space<hbm>>) target_semaphore(%arg12 : memref<!tpu.dma_semaphore, #tpu.memory_space<semaphore_mem>>)
      %dma_start3A_1592 = arith.constant 112 : i32
      %dma_start3A_1593 = arith.constant 0 : i32
      %dma_start3A_1594 = tpu.memref_slice %arg4[%select_n3A_430, %dma_start3A_1592, %dma_start3A_1593] : memref<128x576x768xf32, #tpu.memory_space<hbm>> -> memref<1x16x768xf32, #tpu.memory_space<hbm>>
      %dma_start3A_1595 = tpu.memref_squeeze %dma_start3A_1594 : memref<1x16x768xf32, #tpu.memory_space<hbm>> -> memref<16x768xf32, #tpu.memory_space<hbm>>
      %dma_start3A_1596 = arith.constant 112 : i32
      %dma_start3A_1597 = arith.constant 0 : i32
      %dma_start3A_1598 = tpu.memref_slice %arg4[%select_n3A_430, %dma_start3A_1596, %dma_start3A_1597] : memref<128x576x768xf32, #tpu.memory_space<hbm>> -> memref<1x16x768xf32, #tpu.memory_space<hbm>>
      %dma_start3A_1599 = tpu.memref_squeeze %dma_start3A_1598 : memref<1x16x768xf32, #tpu.memory_space<hbm>> -> memref<16x768xf32, #tpu.memory_space<hbm>>
      tpu.enqueue_dma source(%arg5 : memref<16x768xf32, #tpu.memory_space<vmem>>) target(%dma_start3A_1599 : memref<16x768xf32, #tpu.memory_space<hbm>>) target_semaphore(%arg12 : memref<!tpu.dma_semaphore, #tpu.memory_space<semaphore_mem>>)
      %dma_start3A_1600 = arith.constant 128 : i32
      %dma_start3A_1601 = arith.constant 0 : i32
      %dma_start3A_1602 = tpu.memref_slice %arg4[%select_n3A_430, %dma_start3A_1600, %dma_start3A_1601] : memref<128x576x768xf32, #tpu.memory_space<hbm>> -> memref<1x16x768xf32, #tpu.memory_space<hbm>>
      %dma_start3A_1603 = tpu.memref_squeeze %dma_start3A_1602 : memref<1x16x768xf32, #tpu.memory_space<hbm>> -> memref<16x768xf32, #tpu.memory_space<hbm>>
      %dma_start3A_1604 = arith.constant 128 : i32
      %dma_start3A_1605 = arith.constant 0 : i32
      %dma_start3A_1606 = tpu.memref_slice %arg4[%select_n3A_430, %dma_start3A_1604, %dma_start3A_1605] : memref<128x576x768xf32, #tpu.memory_space<hbm>> -> memref<1x16x768xf32, #tpu.memory_space<hbm>>
      %dma_start3A_1607 = tpu.memref_squeeze %dma_start3A_1606 : memref<1x16x768xf32, #tpu.memory_space<hbm>> -> memref<16x768xf32, #tpu.memory_space<hbm>>
      tpu.enqueue_dma source(%arg5 : memref<16x768xf32, #tpu.memory_space<vmem>>) target(%dma_start3A_1607 : memref<16x768xf32, #tpu.memory_space<hbm>>) target_semaphore(%arg12 : memref<!tpu.dma_semaphore, #tpu.memory_space<semaphore_mem>>)
      %dma_start3A_1608 = arith.constant 144 : i32
      %dma_start3A_1609 = arith.constant 0 : i32
      %dma_start3A_1610 = tpu.memref_slice %arg4[%select_n3A_430, %dma_start3A_1608, %dma_start3A_1609] : memref<128x576x768xf32, #tpu.memory_space<hbm>> -> memref<1x16x768xf32, #tpu.memory_space<hbm>>
      %dma_start3A_1611 = tpu.memref_squeeze %dma_start3A_1610 : memref<1x16x768xf32, #tpu.memory_space<hbm>> -> memref<16x768xf32, #tpu.memory_space<hbm>>
      %dma_start3A_1612 = arith.constant 144 : i32
      %dma_start3A_1613 = arith.constant 0 : i32
      %dma_start3A_1614 = tpu.memref_slice %arg4[%select_n3A_430, %dma_start3A_1612, %dma_start3A_1613] : memref<128x576x768xf32, #tpu.memory_space<hbm>> -> memref<1x16x768xf32, #tpu.memory_space<hbm>>
      %dma_start3A_1615 = tpu.memref_squeeze %dma_start3A_1614 : memref<1x16x768xf32, #tpu.memory_space<hbm>> -> memref<16x768xf32, #tpu.memory_space<hbm>>
      tpu.enqueue_dma source(%arg5 : memref<16x768xf32, #tpu.memory_space<vmem>>) target(%dma_start3A_1615 : memref<16x768xf32, #tpu.memory_space<hbm>>) target_semaphore(%arg12 : memref<!tpu.dma_semaphore, #tpu.memory_space<semaphore_mem>>)
      %dma_start3A_1616 = arith.constant 160 : i32
      %dma_start3A_1617 = arith.constant 0 : i32
      %dma_start3A_1618 = tpu.memref_slice %arg4[%select_n3A_430, %dma_start3A_1616, %dma_start3A_1617] : memref<128x576x768xf32, #tpu.memory_space<hbm>> -> memref<1x16x768xf32, #tpu.memory_space<hbm>>
      %dma_start3A_1619 = tpu.memref_squeeze %dma_start3A_1618 : memref<1x16x768xf32, #tpu.memory_space<hbm>> -> memref<16x768xf32, #tpu.memory_space<hbm>>
      %dma_start3A_1620 = arith.constant 160 : i32
      %dma_start3A_1621 = arith.constant 0 : i32
      %dma_start3A_1622 = tpu.memref_slice %arg4[%select_n3A_430, %dma_start3A_1620, %dma_start3A_1621] : memref<128x576x768xf32, #tpu.memory_space<hbm>> -> memref<1x16x768xf32, #tpu.memory_space<hbm>>
      %dma_start3A_1623 = tpu.memref_squeeze %dma_start3A_1622 : memref<1x16x768xf32, #tpu.memory_space<hbm>> -> memref<16x768xf32, #tpu.memory_space<hbm>>
      tpu.enqueue_dma source(%arg5 : memref<16x768xf32, #tpu.memory_space<vmem>>) target(%dma_start3A_1623 : memref<16x768xf32, #tpu.memory_space<hbm>>) target_semaphore(%arg12 : memref<!tpu.dma_semaphore, #tpu.memory_space<semaphore_mem>>)
      %dma_start3A_1624 = arith.constant 176 : i32
      %dma_start3A_1625 = arith.constant 0 : i32
      %dma_start3A_1626 = tpu.memref_slice %arg4[%select_n3A_430, %dma_start3A_1624, %dma_start3A_1625] : memref<128x576x768xf32, #tpu.memory_space<hbm>> -> memref<1x16x768xf32, #tpu.memory_space<hbm>>
      %dma_start3A_1627 = tpu.memref_squeeze %dma_start3A_1626 : memref<1x16x768xf32, #tpu.memory_space<hbm>> -> memref<16x768xf32, #tpu.memory_space<hbm>>
      %dma_start3A_1628 = arith.constant 176 : i32
      %dma_start3A_1629 = arith.constant 0 : i32
      %dma_start3A_1630 = tpu.memref_slice %arg4[%select_n3A_430, %dma_start3A_1628, %dma_start3A_1629] : memref<128x576x768xf32, #tpu.memory_space<hbm>> -> memref<1x16x768xf32, #tpu.memory_space<hbm>>
      %dma_start3A_1631 = tpu.memref_squeeze %dma_start3A_1630 : memref<1x16x768xf32, #tpu.memory_space<hbm>> -> memref<16x768xf32, #tpu.memory_space<hbm>>
      tpu.enqueue_dma source(%arg5 : memref<16x768xf32, #tpu.memory_space<vmem>>) target(%dma_start3A_1631 : memref<16x768xf32, #tpu.memory_space<hbm>>) target_semaphore(%arg12 : memref<!tpu.dma_semaphore, #tpu.memory_space<semaphore_mem>>)
      %dma_start3A_1632 = arith.constant 192 : i32
      %dma_start3A_1633 = arith.constant 0 : i32
      %dma_start3A_1634 = tpu.memref_slice %arg4[%select_n3A_430, %dma_start3A_1632, %dma_start3A_1633] : memref<128x576x768xf32, #tpu.memory_space<hbm>> -> memref<1x16x768xf32, #tpu.memory_space<hbm>>
      %dma_start3A_1635 = tpu.memref_squeeze %dma_start3A_1634 : memref<1x16x768xf32, #tpu.memory_space<hbm>> -> memref<16x768xf32, #tpu.memory_space<hbm>>
      %dma_start3A_1636 = arith.constant 192 : i32
      %dma_start3A_1637 = arith.constant 0 : i32
      %dma_start3A_1638 = tpu.memref_slice %arg4[%select_n3A_430, %dma_start3A_1636, %dma_start3A_1637] : memref<128x576x768xf32, #tpu.memory_space<hbm>> -> memref<1x16x768xf32, #tpu.memory_space<hbm>>
      %dma_start3A_1639 = tpu.memref_squeeze %dma_start3A_1638 : memref<1x16x768xf32, #tpu.memory_space<hbm>> -> memref<16x768xf32, #tpu.memory_space<hbm>>
      tpu.enqueue_dma source(%arg5 : memref<16x768xf32, #tpu.memory_space<vmem>>) target(%dma_start3A_1639 : memref<16x768xf32, #tpu.memory_space<hbm>>) target_semaphore(%arg12 : memref<!tpu.dma_semaphore, #tpu.memory_space<semaphore_mem>>)
      %dma_start3A_1640 = arith.constant 208 : i32
      %dma_start3A_1641 = arith.constant 0 : i32
      %dma_start3A_1642 = tpu.memref_slice %arg4[%select_n3A_430, %dma_start3A_1640, %dma_start3A_1641] : memref<128x576x768xf32, #tpu.memory_space<hbm>> -> memref<1x16x768xf32, #tpu.memory_space<hbm>>
      %dma_start3A_1643 = tpu.memref_squeeze %dma_start3A_1642 : memref<1x16x768xf32, #tpu.memory_space<hbm>> -> memref<16x768xf32, #tpu.memory_space<hbm>>
      %dma_start3A_1644 = arith.constant 208 : i32
      %dma_start3A_1645 = arith.constant 0 : i32
      %dma_start3A_1646 = tpu.memref_slice %arg4[%select_n3A_430, %dma_start3A_1644, %dma_start3A_1645] : memref<128x576x768xf32, #tpu.memory_space<hbm>> -> memref<1x16x768xf32, #tpu.memory_space<hbm>>
      %dma_start3A_1647 = tpu.memref_squeeze %dma_start3A_1646 : memref<1x16x768xf32, #tpu.memory_space<hbm>> -> memref<16x768xf32, #tpu.memory_space<hbm>>
      tpu.enqueue_dma source(%arg5 : memref<16x768xf32, #tpu.memory_space<vmem>>) target(%dma_start3A_1647 : memref<16x768xf32, #tpu.memory_space<hbm>>) target_semaphore(%arg12 : memref<!tpu.dma_semaphore, #tpu.memory_space<semaphore_mem>>)
      %dma_start3A_1648 = arith.constant 224 : i32
      %dma_start3A_1649 = arith.constant 0 : i32
      %dma_start3A_1650 = tpu.memref_slice %arg4[%select_n3A_430, %dma_start3A_1648, %dma_start3A_1649] : memref<128x576x768xf32, #tpu.memory_space<hbm>> -> memref<1x16x768xf32, #tpu.memory_space<hbm>>
      %dma_start3A_1651 = tpu.memref_squeeze %dma_start3A_1650 : memref<1x16x768xf32, #tpu.memory_space<hbm>> -> memref<16x768xf32, #tpu.memory_space<hbm>>
      %dma_start3A_1652 = arith.constant 224 : i32
      %dma_start3A_1653 = arith.constant 0 : i32
      %dma_start3A_1654 = tpu.memref_slice %arg4[%select_n3A_430, %dma_start3A_1652, %dma_start3A_1653] : memref<128x576x768xf32, #tpu.memory_space<hbm>> -> memref<1x16x768xf32, #tpu.memory_space<hbm>>
      %dma_start3A_1655 = tpu.memref_squeeze %dma_start3A_1654 : memref<1x16x768xf32, #tpu.memory_space<hbm>> -> memref<16x768xf32, #tpu.memory_space<hbm>>
      tpu.enqueue_dma source(%arg5 : memref<16x768xf32, #tpu.memory_space<vmem>>) target(%dma_start3A_1655 : memref<16x768xf32, #tpu.memory_space<hbm>>) target_semaphore(%arg12 : memref<!tpu.dma_semaphore, #tpu.memory_space<semaphore_mem>>)
      %dma_start3A_1656 = arith.constant 240 : i32
      %dma_start3A_1657 = arith.constant 0 : i32
      %dma_start3A_1658 = tpu.memref_slice %arg4[%select_n3A_430, %dma_start3A_1656, %dma_start3A_1657] : memref<128x576x768xf32, #tpu.memory_space<hbm>> -> memref<1x16x768xf32, #tpu.memory_space<hbm>>
      %dma_start3A_1659 = tpu.memref_squeeze %dma_start3A_1658 : memref<1x16x768xf32, #tpu.memory_space<hbm>> -> memref<16x768xf32, #tpu.memory_space<hbm>>
      %dma_start3A_1660 = arith.constant 240 : i32
      %dma_start3A_1661 = arith.constant 0 : i32
      %dma_start3A_1662 = tpu.memref_slice %arg4[%select_n3A_430, %dma_start3A_1660, %dma_start3A_1661] : memref<128x576x768xf32, #tpu.memory_space<hbm>> -> memref<1x16x768xf32, #tpu.memory_space<hbm>>
      %dma_start3A_1663 = tpu.memref_squeeze %dma_start3A_1662 : memref<1x16x768xf32, #tpu.memory_space<hbm>> -> memref<16x768xf32, #tpu.memory_space<hbm>>
      tpu.enqueue_dma source(%arg5 : memref<16x768xf32, #tpu.memory_space<vmem>>) target(%dma_start3A_1663 : memref<16x768xf32, #tpu.memory_space<hbm>>) target_semaphore(%arg12 : memref<!tpu.dma_semaphore, #tpu.memory_space<semaphore_mem>>)
      %dma_start3A_1664 = arith.constant 256 : i32
      %dma_start3A_1665 = arith.constant 0 : i32
      %dma_start3A_1666 = tpu.memref_slice %arg4[%select_n3A_430, %dma_start3A_1664, %dma_start3A_1665] : memref<128x576x768xf32, #tpu.memory_space<hbm>> -> memref<1x16x768xf32, #tpu.memory_space<hbm>>
      %dma_start3A_1667 = tpu.memref_squeeze %dma_start3A_1666 : memref<1x16x768xf32, #tpu.memory_space<hbm>> -> memref<16x768xf32, #tpu.memory_space<hbm>>
      %dma_start3A_1668 = arith.constant 256 : i32
      %dma_start3A_1669 = arith.constant 0 : i32
      %dma_start3A_1670 = tpu.memref_slice %arg4[%select_n3A_430, %dma_start3A_1668, %dma_start3A_1669] : memref<128x576x768xf32, #tpu.memory_space<hbm>> -> memref<1x16x768xf32, #tpu.memory_space<hbm>>
      %dma_start3A_1671 = tpu.memref_squeeze %dma_start3A_1670 : memref<1x16x768xf32, #tpu.memory_space<hbm>> -> memref<16x768xf32, #tpu.memory_space<hbm>>
      tpu.enqueue_dma source(%arg5 : memref<16x768xf32, #tpu.memory_space<vmem>>) target(%dma_start3A_1671 : memref<16x768xf32, #tpu.memory_space<hbm>>) target_semaphore(%arg12 : memref<!tpu.dma_semaphore, #tpu.memory_space<semaphore_mem>>)
      %dma_start3A_1672 = arith.constant 272 : i32
      %dma_start3A_1673 = arith.constant 0 : i32
      %dma_start3A_1674 = tpu.memref_slice %arg4[%select_n3A_430, %dma_start3A_1672, %dma_start3A_1673] : memref<128x576x768xf32, #tpu.memory_space<hbm>> -> memref<1x16x768xf32, #tpu.memory_space<hbm>>
      %dma_start3A_1675 = tpu.memref_squeeze %dma_start3A_1674 : memref<1x16x768xf32, #tpu.memory_space<hbm>> -> memref<16x768xf32, #tpu.memory_space<hbm>>
      %dma_start3A_1676 = arith.constant 272 : i32
      %dma_start3A_1677 = arith.constant 0 : i32
      %dma_start3A_1678 = tpu.memref_slice %arg4[%select_n3A_430, %dma_start3A_1676, %dma_start3A_1677] : memref<128x576x768xf32, #tpu.memory_space<hbm>> -> memref<1x16x768xf32, #tpu.memory_space<hbm>>
      %dma_start3A_1679 = tpu.memref_squeeze %dma_start3A_1678 : memref<1x16x768xf32, #tpu.memory_space<hbm>> -> memref<16x768xf32, #tpu.memory_space<hbm>>
      tpu.enqueue_dma source(%arg5 : memref<16x768xf32, #tpu.memory_space<vmem>>) target(%dma_start3A_1679 : memref<16x768xf32, #tpu.memory_space<hbm>>) target_semaphore(%arg12 : memref<!tpu.dma_semaphore, #tpu.memory_space<semaphore_mem>>)
      %dma_start3A_1680 = arith.constant 288 : i32
      %dma_start3A_1681 = arith.constant 0 : i32
      %dma_start3A_1682 = tpu.memref_slice %arg4[%select_n3A_430, %dma_start3A_1680, %dma_start3A_1681] : memref<128x576x768xf32, #tpu.memory_space<hbm>> -> memref<1x16x768xf32, #tpu.memory_space<hbm>>
      %dma_start3A_1683 = tpu.memref_squeeze %dma_start3A_1682 : memref<1x16x768xf32, #tpu.memory_space<hbm>> -> memref<16x768xf32, #tpu.memory_space<hbm>>
      %dma_start3A_1684 = arith.constant 288 : i32
      %dma_start3A_1685 = arith.constant 0 : i32
      %dma_start3A_1686 = tpu.memref_slice %arg4[%select_n3A_430, %dma_start3A_1684, %dma_start3A_1685] : memref<128x576x768xf32, #tpu.memory_space<hbm>> -> memref<1x16x768xf32, #tpu.memory_space<hbm>>
      %dma_start3A_1687 = tpu.memref_squeeze %dma_start3A_1686 : memref<1x16x768xf32, #tpu.memory_space<hbm>> -> memref<16x768xf32, #tpu.memory_space<hbm>>
      tpu.enqueue_dma source(%arg5 : memref<16x768xf32, #tpu.memory_space<vmem>>) target(%dma_start3A_1687 : memref<16x768xf32, #tpu.memory_space<hbm>>) target_semaphore(%arg12 : memref<!tpu.dma_semaphore, #tpu.memory_space<semaphore_mem>>)
      %dma_start3A_1688 = arith.constant 304 : i32
      %dma_start3A_1689 = arith.constant 0 : i32
      %dma_start3A_1690 = tpu.memref_slice %arg4[%select_n3A_430, %dma_start3A_1688, %dma_start3A_1689] : memref<128x576x768xf32, #tpu.memory_space<hbm>> -> memref<1x16x768xf32, #tpu.memory_space<hbm>>
      %dma_start3A_1691 = tpu.memref_squeeze %dma_start3A_1690 : memref<1x16x768xf32, #tpu.memory_space<hbm>> -> memref<16x768xf32, #tpu.memory_space<hbm>>
      %dma_start3A_1692 = arith.constant 304 : i32
      %dma_start3A_1693 = arith.constant 0 : i32
      %dma_start3A_1694 = tpu.memref_slice %arg4[%select_n3A_430, %dma_start3A_1692, %dma_start3A_1693] : memref<128x576x768xf32, #tpu.memory_space<hbm>> -> memref<1x16x768xf32, #tpu.memory_space<hbm>>
      %dma_start3A_1695 = tpu.memref_squeeze %dma_start3A_1694 : memref<1x16x768xf32, #tpu.memory_space<hbm>> -> memref<16x768xf32, #tpu.memory_space<hbm>>
      tpu.enqueue_dma source(%arg5 : memref<16x768xf32, #tpu.memory_space<vmem>>) target(%dma_start3A_1695 : memref<16x768xf32, #tpu.memory_space<hbm>>) target_semaphore(%arg12 : memref<!tpu.dma_semaphore, #tpu.memory_space<semaphore_mem>>)
      %dma_start3A_1696 = arith.constant 320 : i32
      %dma_start3A_1697 = arith.constant 0 : i32
      %dma_start3A_1698 = tpu.memref_slice %arg4[%select_n3A_430, %dma_start3A_1696, %dma_start3A_1697] : memref<128x576x768xf32, #tpu.memory_space<hbm>> -> memref<1x16x768xf32, #tpu.memory_space<hbm>>
      %dma_start3A_1699 = tpu.memref_squeeze %dma_start3A_1698 : memref<1x16x768xf32, #tpu.memory_space<hbm>> -> memref<16x768xf32, #tpu.memory_space<hbm>>
      %dma_start3A_1700 = arith.constant 320 : i32
      %dma_start3A_1701 = arith.constant 0 : i32
      %dma_start3A_1702 = tpu.memref_slice %arg4[%select_n3A_430, %dma_start3A_1700, %dma_start3A_1701] : memref<128x576x768xf32, #tpu.memory_space<hbm>> -> memref<1x16x768xf32, #tpu.memory_space<hbm>>
      %dma_start3A_1703 = tpu.memref_squeeze %dma_start3A_1702 : memref<1x16x768xf32, #tpu.memory_space<hbm>> -> memref<16x768xf32, #tpu.memory_space<hbm>>
      tpu.enqueue_dma source(%arg5 : memref<16x768xf32, #tpu.memory_space<vmem>>) target(%dma_start3A_1703 : memref<16x768xf32, #tpu.memory_space<hbm>>) target_semaphore(%arg12 : memref<!tpu.dma_semaphore, #tpu.memory_space<semaphore_mem>>)
      %dma_start3A_1704 = arith.constant 336 : i32
      %dma_start3A_1705 = arith.constant 0 : i32
      %dma_start3A_1706 = tpu.memref_slice %arg4[%select_n3A_430, %dma_start3A_1704, %dma_start3A_1705] : memref<128x576x768xf32, #tpu.memory_space<hbm>> -> memref<1x16x768xf32, #tpu.memory_space<hbm>>
      %dma_start3A_1707 = tpu.memref_squeeze %dma_start3A_1706 : memref<1x16x768xf32, #tpu.memory_space<hbm>> -> memref<16x768xf32, #tpu.memory_space<hbm>>
      %dma_start3A_1708 = arith.constant 336 : i32
      %dma_start3A_1709 = arith.constant 0 : i32
      %dma_start3A_1710 = tpu.memref_slice %arg4[%select_n3A_430, %dma_start3A_1708, %dma_start3A_1709] : memref<128x576x768xf32, #tpu.memory_space<hbm>> -> memref<1x16x768xf32, #tpu.memory_space<hbm>>
      %dma_start3A_1711 = tpu.memref_squeeze %dma_start3A_1710 : memref<1x16x768xf32, #tpu.memory_space<hbm>> -> memref<16x768xf32, #tpu.memory_space<hbm>>
      tpu.enqueue_dma source(%arg5 : memref<16x768xf32, #tpu.memory_space<vmem>>) target(%dma_start3A_1711 : memref<16x768xf32, #tpu.memory_space<hbm>>) target_semaphore(%arg12 : memref<!tpu.dma_semaphore, #tpu.memory_space<semaphore_mem>>)
      %dma_start3A_1712 = arith.constant 352 : i32
      %dma_start3A_1713 = arith.constant 0 : i32
      %dma_start3A_1714 = tpu.memref_slice %arg4[%select_n3A_430, %dma_start3A_1712, %dma_start3A_1713] : memref<128x576x768xf32, #tpu.memory_space<hbm>> -> memref<1x16x768xf32, #tpu.memory_space<hbm>>
      %dma_start3A_1715 = tpu.memref_squeeze %dma_start3A_1714 : memref<1x16x768xf32, #tpu.memory_space<hbm>> -> memref<16x768xf32, #tpu.memory_space<hbm>>
      %dma_start3A_1716 = arith.constant 352 : i32
      %dma_start3A_1717 = arith.constant 0 : i32
      %dma_start3A_1718 = tpu.memref_slice %arg4[%select_n3A_430, %dma_start3A_1716, %dma_start3A_1717] : memref<128x576x768xf32, #tpu.memory_space<hbm>> -> memref<1x16x768xf32, #tpu.memory_space<hbm>>
      %dma_start3A_1719 = tpu.memref_squeeze %dma_start3A_1718 : memref<1x16x768xf32, #tpu.memory_space<hbm>> -> memref<16x768xf32, #tpu.memory_space<hbm>>
      tpu.enqueue_dma source(%arg5 : memref<16x768xf32, #tpu.memory_space<vmem>>) target(%dma_start3A_1719 : memref<16x768xf32, #tpu.memory_space<hbm>>) target_semaphore(%arg12 : memref<!tpu.dma_semaphore, #tpu.memory_space<semaphore_mem>>)
      %dma_start3A_1720 = arith.constant 368 : i32
      %dma_start3A_1721 = arith.constant 0 : i32
      %dma_start3A_1722 = tpu.memref_slice %arg4[%select_n3A_430, %dma_start3A_1720, %dma_start3A_1721] : memref<128x576x768xf32, #tpu.memory_space<hbm>> -> memref<1x16x768xf32, #tpu.memory_space<hbm>>
      %dma_start3A_1723 = tpu.memref_squeeze %dma_start3A_1722 : memref<1x16x768xf32, #tpu.memory_space<hbm>> -> memref<16x768xf32, #tpu.memory_space<hbm>>
      %dma_start3A_1724 = arith.constant 368 : i32
      %dma_start3A_1725 = arith.constant 0 : i32
      %dma_start3A_1726 = tpu.memref_slice %arg4[%select_n3A_430, %dma_start3A_1724, %dma_start3A_1725] : memref<128x576x768xf32, #tpu.memory_space<hbm>> -> memref<1x16x768xf32, #tpu.memory_space<hbm>>
      %dma_start3A_1727 = tpu.memref_squeeze %dma_start3A_1726 : memref<1x16x768xf32, #tpu.memory_space<hbm>> -> memref<16x768xf32, #tpu.memory_space<hbm>>
      tpu.enqueue_dma source(%arg5 : memref<16x768xf32, #tpu.memory_space<vmem>>) target(%dma_start3A_1727 : memref<16x768xf32, #tpu.memory_space<hbm>>) target_semaphore(%arg12 : memref<!tpu.dma_semaphore, #tpu.memory_space<semaphore_mem>>)
      %dma_start3A_1728 = arith.constant 384 : i32
      %dma_start3A_1729 = arith.constant 0 : i32
      %dma_start3A_1730 = tpu.memref_slice %arg4[%select_n3A_430, %dma_start3A_1728, %dma_start3A_1729] : memref<128x576x768xf32, #tpu.memory_space<hbm>> -> memref<1x16x768xf32, #tpu.memory_space<hbm>>
      %dma_start3A_1731 = tpu.memref_squeeze %dma_start3A_1730 : memref<1x16x768xf32, #tpu.memory_space<hbm>> -> memref<16x768xf32, #tpu.memory_space<hbm>>
      %dma_start3A_1732 = arith.constant 384 : i32
      %dma_start3A_1733 = arith.constant 0 : i32
      %dma_start3A_1734 = tpu.memref_slice %arg4[%select_n3A_430, %dma_start3A_1732, %dma_start3A_1733] : memref<128x576x768xf32, #tpu.memory_space<hbm>> -> memref<1x16x768xf32, #tpu.memory_space<hbm>>
      %dma_start3A_1735 = tpu.memref_squeeze %dma_start3A_1734 : memref<1x16x768xf32, #tpu.memory_space<hbm>> -> memref<16x768xf32, #tpu.memory_space<hbm>>
      tpu.enqueue_dma source(%arg5 : memref<16x768xf32, #tpu.memory_space<vmem>>) target(%dma_start3A_1735 : memref<16x768xf32, #tpu.memory_space<hbm>>) target_semaphore(%arg12 : memref<!tpu.dma_semaphore, #tpu.memory_space<semaphore_mem>>)
      %dma_start3A_1736 = arith.constant 400 : i32
      %dma_start3A_1737 = arith.constant 0 : i32
      %dma_start3A_1738 = tpu.memref_slice %arg4[%select_n3A_430, %dma_start3A_1736, %dma_start3A_1737] : memref<128x576x768xf32, #tpu.memory_space<hbm>> -> memref<1x16x768xf32, #tpu.memory_space<hbm>>
      %dma_start3A_1739 = tpu.memref_squeeze %dma_start3A_1738 : memref<1x16x768xf32, #tpu.memory_space<hbm>> -> memref<16x768xf32, #tpu.memory_space<hbm>>
      %dma_start3A_1740 = arith.constant 400 : i32
      %dma_start3A_1741 = arith.constant 0 : i32
      %dma_start3A_1742 = tpu.memref_slice %arg4[%select_n3A_430, %dma_start3A_1740, %dma_start3A_1741] : memref<128x576x768xf32, #tpu.memory_space<hbm>> -> memref<1x16x768xf32, #tpu.memory_space<hbm>>
      %dma_start3A_1743 = tpu.memref_squeeze %dma_start3A_1742 : memref<1x16x768xf32, #tpu.memory_space<hbm>> -> memref<16x768xf32, #tpu.memory_space<hbm>>
      tpu.enqueue_dma source(%arg5 : memref<16x768xf32, #tpu.memory_space<vmem>>) target(%dma_start3A_1743 : memref<16x768xf32, #tpu.memory_space<hbm>>) target_semaphore(%arg12 : memref<!tpu.dma_semaphore, #tpu.memory_space<semaphore_mem>>)
      %dma_start3A_1744 = arith.constant 416 : i32
      %dma_start3A_1745 = arith.constant 0 : i32
      %dma_start3A_1746 = tpu.memref_slice %arg4[%select_n3A_430, %dma_start3A_1744, %dma_start3A_1745] : memref<128x576x768xf32, #tpu.memory_space<hbm>> -> memref<1x16x768xf32, #tpu.memory_space<hbm>>
      %dma_start3A_1747 = tpu.memref_squeeze %dma_start3A_1746 : memref<1x16x768xf32, #tpu.memory_space<hbm>> -> memref<16x768xf32, #tpu.memory_space<hbm>>
      %dma_start3A_1748 = arith.constant 416 : i32
      %dma_start3A_1749 = arith.constant 0 : i32
      %dma_start3A_1750 = tpu.memref_slice %arg4[%select_n3A_430, %dma_start3A_1748, %dma_start3A_1749] : memref<128x576x768xf32, #tpu.memory_space<hbm>> -> memref<1x16x768xf32, #tpu.memory_space<hbm>>
      %dma_start3A_1751 = tpu.memref_squeeze %dma_start3A_1750 : memref<1x16x768xf32, #tpu.memory_space<hbm>> -> memref<16x768xf32, #tpu.memory_space<hbm>>
      tpu.enqueue_dma source(%arg5 : memref<16x768xf32, #tpu.memory_space<vmem>>) target(%dma_start3A_1751 : memref<16x768xf32, #tpu.memory_space<hbm>>) target_semaphore(%arg12 : memref<!tpu.dma_semaphore, #tpu.memory_space<semaphore_mem>>)
      %dma_start3A_1752 = arith.constant 432 : i32
      %dma_start3A_1753 = arith.constant 0 : i32
      %dma_start3A_1754 = tpu.memref_slice %arg4[%select_n3A_430, %dma_start3A_1752, %dma_start3A_1753] : memref<128x576x768xf32, #tpu.memory_space<hbm>> -> memref<1x16x768xf32, #tpu.memory_space<hbm>>
      %dma_start3A_1755 = tpu.memref_squeeze %dma_start3A_1754 : memref<1x16x768xf32, #tpu.memory_space<hbm>> -> memref<16x768xf32, #tpu.memory_space<hbm>>
      %dma_start3A_1756 = arith.constant 432 : i32
      %dma_start3A_1757 = arith.constant 0 : i32
      %dma_start3A_1758 = tpu.memref_slice %arg4[%select_n3A_430, %dma_start3A_1756, %dma_start3A_1757] : memref<128x576x768xf32, #tpu.memory_space<hbm>> -> memref<1x16x768xf32, #tpu.memory_space<hbm>>
      %dma_start3A_1759 = tpu.memref_squeeze %dma_start3A_1758 : memref<1x16x768xf32, #tpu.memory_space<hbm>> -> memref<16x768xf32, #tpu.memory_space<hbm>>
      tpu.enqueue_dma source(%arg5 : memref<16x768xf32, #tpu.memory_space<vmem>>) target(%dma_start3A_1759 : memref<16x768xf32, #tpu.memory_space<hbm>>) target_semaphore(%arg12 : memref<!tpu.dma_semaphore, #tpu.memory_space<semaphore_mem>>)
      %dma_start3A_1760 = arith.constant 448 : i32
      %dma_start3A_1761 = arith.constant 0 : i32
      %dma_start3A_1762 = tpu.memref_slice %arg4[%select_n3A_430, %dma_start3A_1760, %dma_start3A_1761] : memref<128x576x768xf32, #tpu.memory_space<hbm>> -> memref<1x16x768xf32, #tpu.memory_space<hbm>>
      %dma_start3A_1763 = tpu.memref_squeeze %dma_start3A_1762 : memref<1x16x768xf32, #tpu.memory_space<hbm>> -> memref<16x768xf32, #tpu.memory_space<hbm>>
      %dma_start3A_1764 = arith.constant 448 : i32
      %dma_start3A_1765 = arith.constant 0 : i32
      %dma_start3A_1766 = tpu.memref_slice %arg4[%select_n3A_430, %dma_start3A_1764, %dma_start3A_1765] : memref<128x576x768xf32, #tpu.memory_space<hbm>> -> memref<1x16x768xf32, #tpu.memory_space<hbm>>
      %dma_start3A_1767 = tpu.memref_squeeze %dma_start3A_1766 : memref<1x16x768xf32, #tpu.memory_space<hbm>> -> memref<16x768xf32, #tpu.memory_space<hbm>>
      tpu.enqueue_dma source(%arg5 : memref<16x768xf32, #tpu.memory_space<vmem>>) target(%dma_start3A_1767 : memref<16x768xf32, #tpu.memory_space<hbm>>) target_semaphore(%arg12 : memref<!tpu.dma_semaphore, #tpu.memory_space<semaphore_mem>>)
      %dma_start3A_1768 = arith.constant 464 : i32
      %dma_start3A_1769 = arith.constant 0 : i32
      %dma_start3A_1770 = tpu.memref_slice %arg4[%select_n3A_430, %dma_start3A_1768, %dma_start3A_1769] : memref<128x576x768xf32, #tpu.memory_space<hbm>> -> memref<1x16x768xf32, #tpu.memory_space<hbm>>
      %dma_start3A_1771 = tpu.memref_squeeze %dma_start3A_1770 : memref<1x16x768xf32, #tpu.memory_space<hbm>> -> memref<16x768xf32, #tpu.memory_space<hbm>>
      %dma_start3A_1772 = arith.constant 464 : i32
      %dma_start3A_1773 = arith.constant 0 : i32
      %dma_start3A_1774 = tpu.memref_slice %arg4[%select_n3A_430, %dma_start3A_1772, %dma_start3A_1773] : memref<128x576x768xf32, #tpu.memory_space<hbm>> -> memref<1x16x768xf32, #tpu.memory_space<hbm>>
      %dma_start3A_1775 = tpu.memref_squeeze %dma_start3A_1774 : memref<1x16x768xf32, #tpu.memory_space<hbm>> -> memref<16x768xf32, #tpu.memory_space<hbm>>
      tpu.enqueue_dma source(%arg5 : memref<16x768xf32, #tpu.memory_space<vmem>>) target(%dma_start3A_1775 : memref<16x768xf32, #tpu.memory_space<hbm>>) target_semaphore(%arg12 : memref<!tpu.dma_semaphore, #tpu.memory_space<semaphore_mem>>)
      %dma_start3A_1776 = arith.constant 480 : i32
      %dma_start3A_1777 = arith.constant 0 : i32
      %dma_start3A_1778 = tpu.memref_slice %arg4[%select_n3A_430, %dma_start3A_1776, %dma_start3A_1777] : memref<128x576x768xf32, #tpu.memory_space<hbm>> -> memref<1x16x768xf32, #tpu.memory_space<hbm>>
      %dma_start3A_1779 = tpu.memref_squeeze %dma_start3A_1778 : memref<1x16x768xf32, #tpu.memory_space<hbm>> -> memref<16x768xf32, #tpu.memory_space<hbm>>
      %dma_start3A_1780 = arith.constant 480 : i32
      %dma_start3A_1781 = arith.constant 0 : i32
      %dma_start3A_1782 = tpu.memref_slice %arg4[%select_n3A_430, %dma_start3A_1780, %dma_start3A_1781] : memref<128x576x768xf32, #tpu.memory_space<hbm>> -> memref<1x16x768xf32, #tpu.memory_space<hbm>>
      %dma_start3A_1783 = tpu.memref_squeeze %dma_start3A_1782 : memref<1x16x768xf32, #tpu.memory_space<hbm>> -> memref<16x768xf32, #tpu.memory_space<hbm>>
      tpu.enqueue_dma source(%arg5 : memref<16x768xf32, #tpu.memory_space<vmem>>) target(%dma_start3A_1783 : memref<16x768xf32, #tpu.memory_space<hbm>>) target_semaphore(%arg12 : memref<!tpu.dma_semaphore, #tpu.memory_space<semaphore_mem>>)
      %dma_start3A_1784 = arith.constant 496 : i32
      %dma_start3A_1785 = arith.constant 0 : i32
      %dma_start3A_1786 = tpu.memref_slice %arg4[%select_n3A_430, %dma_start3A_1784, %dma_start3A_1785] : memref<128x576x768xf32, #tpu.memory_space<hbm>> -> memref<1x16x768xf32, #tpu.memory_space<hbm>>
      %dma_start3A_1787 = tpu.memref_squeeze %dma_start3A_1786 : memref<1x16x768xf32, #tpu.memory_space<hbm>> -> memref<16x768xf32, #tpu.memory_space<hbm>>
      %dma_start3A_1788 = arith.constant 496 : i32
      %dma_start3A_1789 = arith.constant 0 : i32
      %dma_start3A_1790 = tpu.memref_slice %arg4[%select_n3A_430, %dma_start3A_1788, %dma_start3A_1789] : memref<128x576x768xf32, #tpu.memory_space<hbm>> -> memref<1x16x768xf32, #tpu.memory_space<hbm>>
      %dma_start3A_1791 = tpu.memref_squeeze %dma_start3A_1790 : memref<1x16x768xf32, #tpu.memory_space<hbm>> -> memref<16x768xf32, #tpu.memory_space<hbm>>
      tpu.enqueue_dma source(%arg5 : memref<16x768xf32, #tpu.memory_space<vmem>>) target(%dma_start3A_1791 : memref<16x768xf32, #tpu.memory_space<hbm>>) target_semaphore(%arg12 : memref<!tpu.dma_semaphore, #tpu.memory_space<semaphore_mem>>)
      %dma_start3A_1792 = arith.constant 512 : i32
      %dma_start3A_1793 = arith.constant 0 : i32
      %dma_start3A_1794 = tpu.memref_slice %arg4[%select_n3A_430, %dma_start3A_1792, %dma_start3A_1793] : memref<128x576x768xf32, #tpu.memory_space<hbm>> -> memref<1x16x768xf32, #tpu.memory_space<hbm>>
      %dma_start3A_1795 = tpu.memref_squeeze %dma_start3A_1794 : memref<1x16x768xf32, #tpu.memory_space<hbm>> -> memref<16x768xf32, #tpu.memory_space<hbm>>
      %dma_start3A_1796 = arith.constant 512 : i32
      %dma_start3A_1797 = arith.constant 0 : i32
      %dma_start3A_1798 = tpu.memref_slice %arg4[%select_n3A_430, %dma_start3A_1796, %dma_start3A_1797] : memref<128x576x768xf32, #tpu.memory_space<hbm>> -> memref<1x16x768xf32, #tpu.memory_space<hbm>>
      %dma_start3A_1799 = tpu.memref_squeeze %dma_start3A_1798 : memref<1x16x768xf32, #tpu.memory_space<hbm>> -> memref<16x768xf32, #tpu.memory_space<hbm>>
      tpu.enqueue_dma source(%arg5 : memref<16x768xf32, #tpu.memory_space<vmem>>) target(%dma_start3A_1799 : memref<16x768xf32, #tpu.memory_space<hbm>>) target_semaphore(%arg12 : memref<!tpu.dma_semaphore, #tpu.memory_space<semaphore_mem>>)
      %dma_start3A_1800 = arith.constant 528 : i32
      %dma_start3A_1801 = arith.constant 0 : i32
      %dma_start3A_1802 = tpu.memref_slice %arg4[%select_n3A_430, %dma_start3A_1800, %dma_start3A_1801] : memref<128x576x768xf32, #tpu.memory_space<hbm>> -> memref<1x16x768xf32, #tpu.memory_space<hbm>>
      %dma_start3A_1803 = tpu.memref_squeeze %dma_start3A_1802 : memref<1x16x768xf32, #tpu.memory_space<hbm>> -> memref<16x768xf32, #tpu.memory_space<hbm>>
      %dma_start3A_1804 = arith.constant 528 : i32
      %dma_start3A_1805 = arith.constant 0 : i32
      %dma_start3A_1806 = tpu.memref_slice %arg4[%select_n3A_430, %dma_start3A_1804, %dma_start3A_1805] : memref<128x576x768xf32, #tpu.memory_space<hbm>> -> memref<1x16x768xf32, #tpu.memory_space<hbm>>
      %dma_start3A_1807 = tpu.memref_squeeze %dma_start3A_1806 : memref<1x16x768xf32, #tpu.memory_space<hbm>> -> memref<16x768xf32, #tpu.memory_space<hbm>>
      tpu.enqueue_dma source(%arg5 : memref<16x768xf32, #tpu.memory_space<vmem>>) target(%dma_start3A_1807 : memref<16x768xf32, #tpu.memory_space<hbm>>) target_semaphore(%arg12 : memref<!tpu.dma_semaphore, #tpu.memory_space<semaphore_mem>>)
      %dma_start3A_1808 = arith.constant 544 : i32
      %dma_start3A_1809 = arith.constant 0 : i32
      %dma_start3A_1810 = tpu.memref_slice %arg4[%select_n3A_430, %dma_start3A_1808, %dma_start3A_1809] : memref<128x576x768xf32, #tpu.memory_space<hbm>> -> memref<1x16x768xf32, #tpu.memory_space<hbm>>
      %dma_start3A_1811 = tpu.memref_squeeze %dma_start3A_1810 : memref<1x16x768xf32, #tpu.memory_space<hbm>> -> memref<16x768xf32, #tpu.memory_space<hbm>>
      %dma_start3A_1812 = arith.constant 544 : i32
      %dma_start3A_1813 = arith.constant 0 : i32
      %dma_start3A_1814 = tpu.memref_slice %arg4[%select_n3A_430, %dma_start3A_1812, %dma_start3A_1813] : memref<128x576x768xf32, #tpu.memory_space<hbm>> -> memref<1x16x768xf32, #tpu.memory_space<hbm>>
      %dma_start3A_1815 = tpu.memref_squeeze %dma_start3A_1814 : memref<1x16x768xf32, #tpu.memory_space<hbm>> -> memref<16x768xf32, #tpu.memory_space<hbm>>
      tpu.enqueue_dma source(%arg5 : memref<16x768xf32, #tpu.memory_space<vmem>>) target(%dma_start3A_1815 : memref<16x768xf32, #tpu.memory_space<hbm>>) target_semaphore(%arg12 : memref<!tpu.dma_semaphore, #tpu.memory_space<semaphore_mem>>)
      %dma_start3A_1816 = arith.constant 560 : i32
      %dma_start3A_1817 = arith.constant 0 : i32
      %dma_start3A_1818 = tpu.memref_slice %arg4[%select_n3A_430, %dma_start3A_1816, %dma_start3A_1817] : memref<128x576x768xf32, #tpu.memory_space<hbm>> -> memref<1x16x768xf32, #tpu.memory_space<hbm>>
      %dma_start3A_1819 = tpu.memref_squeeze %dma_start3A_1818 : memref<1x16x768xf32, #tpu.memory_space<hbm>> -> memref<16x768xf32, #tpu.memory_space<hbm>>
      %dma_start3A_1820 = arith.constant 560 : i32
      %dma_start3A_1821 = arith.constant 0 : i32
      %dma_start3A_1822 = tpu.memref_slice %arg4[%select_n3A_430, %dma_start3A_1820, %dma_start3A_1821] : memref<128x576x768xf32, #tpu.memory_space<hbm>> -> memref<1x16x768xf32, #tpu.memory_space<hbm>>
      %dma_start3A_1823 = tpu.memref_squeeze %dma_start3A_1822 : memref<1x16x768xf32, #tpu.memory_space<hbm>> -> memref<16x768xf32, #tpu.memory_space<hbm>>
      tpu.enqueue_dma source(%arg5 : memref<16x768xf32, #tpu.memory_space<vmem>>) target(%dma_start3A_1823 : memref<16x768xf32, #tpu.memory_space<hbm>>) target_semaphore(%arg12 : memref<!tpu.dma_semaphore, #tpu.memory_space<semaphore_mem>>)
    } else {
    }
    %dma_start3A_1202 = arith.constant 0 : i32
    %dma_start3A_1203 = arith.constant 0 : i32
    %dma_start3A_1204 = tpu.memref_slice %arg4[%select_n3A_140, %dma_start3A_1202, %dma_start3A_1203] : memref<128x576x768xf32, #tpu.memory_space<hbm>> -> memref<1x576x768xf32, #tpu.memory_space<hbm>>
    %dma_start3A_1205 = tpu.memref_squeeze %dma_start3A_1204 : memref<1x576x768xf32, #tpu.memory_space<hbm>> -> memref<576x768xf32, #tpu.memory_space<hbm>>
    %dma_start3A_1206 = arith.constant 0 : i32
    %dma_start3A_1207 = arith.constant 0 : i32
    %dma_start3A_1208 = tpu.memref_slice %arg2[%select_n3A_140, %dma_start3A_1206, %dma_start3A_1207] : memref<128x576x768xf32, #tpu.memory_space<hbm>> -> memref<1x576x768xf32, #tpu.memory_space<hbm>>
    %dma_start3A_1209 = tpu.memref_squeeze %dma_start3A_1208 : memref<1x576x768xf32, #tpu.memory_space<hbm>> -> memref<576x768xf32, #tpu.memory_space<hbm>>
    tpu.enqueue_dma source(%dma_start3A_1209 : memref<576x768xf32, #tpu.memory_space<hbm>>) target(%dma_start3A_1205 : memref<576x768xf32, #tpu.memory_space<hbm>>) target_semaphore(%arg10 : memref<!tpu.dma_semaphore, #tpu.memory_space<semaphore_mem>>)
    %dma_start3A_1210 = arith.constant 0 : i32
    %dma_start3A_1211 = arith.constant 0 : i32
    %dma_start3A_1212 = tpu.memref_slice %arg4[%select_n3A_285, %dma_start3A_1210, %dma_start3A_1211] : memref<128x576x768xf32, #tpu.memory_space<hbm>> -> memref<1x576x768xf32, #tpu.memory_space<hbm>>
    %dma_start3A_1213 = tpu.memref_squeeze %dma_start3A_1212 : memref<1x576x768xf32, #tpu.memory_space<hbm>> -> memref<576x768xf32, #tpu.memory_space<hbm>>
    %dma_start3A_1214 = arith.constant 0 : i32
    %dma_start3A_1215 = arith.constant 0 : i32
    %dma_start3A_1216 = tpu.memref_slice %arg2[%select_n3A_285, %dma_start3A_1214, %dma_start3A_1215] : memref<128x576x768xf32, #tpu.memory_space<hbm>> -> memref<1x576x768xf32, #tpu.memory_space<hbm>>
    %dma_start3A_1217 = tpu.memref_squeeze %dma_start3A_1216 : memref<1x576x768xf32, #tpu.memory_space<hbm>> -> memref<576x768xf32, #tpu.memory_space<hbm>>
    tpu.enqueue_dma source(%dma_start3A_1217 : memref<576x768xf32, #tpu.memory_space<hbm>>) target(%dma_start3A_1213 : memref<576x768xf32, #tpu.memory_space<hbm>>) target_semaphore(%arg10 : memref<!tpu.dma_semaphore, #tpu.memory_space<semaphore_mem>>)
    %ne3A = arith.constant 0 : i32
    %ne3A_1218 = arith.cmpi ne, %select_n3A_720, %ne3A : i32
    %convert_element_type3A_1219 = arith.extui %ne3A_1218 : i1 to i32
    %cond3A_1220 = arith.constant 0 : i32
    %cond3A_1221 = arith.cmpi ne, %convert_element_type3A_1219, %cond3A_1220 : i32
    scf.if %cond3A_1221 {
      %dma_start3A_1536 = arith.constant 0 : i32
      %dma_start3A_1537 = arith.constant 0 : i32
      %dma_start3A_1538 = tpu.memref_slice %arg4[%select_n3A_430, %dma_start3A_1536, %dma_start3A_1537] : memref<128x576x768xf32, #tpu.memory_space<hbm>> -> memref<1x576x768xf32, #tpu.memory_space<hbm>>
      %dma_start3A_1539 = tpu.memref_squeeze %dma_start3A_1538 : memref<1x576x768xf32, #tpu.memory_space<hbm>> -> memref<576x768xf32, #tpu.memory_space<hbm>>
      %dma_start3A_1540 = arith.constant 0 : i32
      %dma_start3A_1541 = arith.constant 0 : i32
      %dma_start3A_1542 = tpu.memref_slice %arg2[%select_n3A_430, %dma_start3A_1540, %dma_start3A_1541] : memref<128x576x768xf32, #tpu.memory_space<hbm>> -> memref<1x576x768xf32, #tpu.memory_space<hbm>>
      %dma_start3A_1543 = tpu.memref_squeeze %dma_start3A_1542 : memref<1x576x768xf32, #tpu.memory_space<hbm>> -> memref<576x768xf32, #tpu.memory_space<hbm>>
      tpu.enqueue_dma source(%dma_start3A_1543 : memref<576x768xf32, #tpu.memory_space<hbm>>) target(%dma_start3A_1539 : memref<576x768xf32, #tpu.memory_space<hbm>>) target_semaphore(%arg10 : memref<!tpu.dma_semaphore, #tpu.memory_space<semaphore_mem>>)
    } else {
    }
    %dma_wait3A_1222 = arith.constant 0 : i32
    %dma_wait3A_1223 = arith.constant 0 : i32
    %dma_wait3A_1224 = tpu.memref_slice %arg4[%select_n3A_140, %dma_wait3A_1222, %dma_wait3A_1223] : memref<128x576x768xf32, #tpu.memory_space<hbm>> -> memref<1x576x768xf32, #tpu.memory_space<hbm>>
    %dma_wait3A_1225 = tpu.memref_squeeze %dma_wait3A_1224 : memref<1x576x768xf32, #tpu.memory_space<hbm>> -> memref<576x768xf32, #tpu.memory_space<hbm>>
    %dma_wait3A_1226 = arith.constant 0 : i32
    %dma_wait3A_1227 = arith.constant 0 : i32
    %dma_wait3A_1228 = tpu.memref_slice %arg2[%select_n3A_140, %dma_wait3A_1226, %dma_wait3A_1227] : memref<128x576x768xf32, #tpu.memory_space<hbm>> -> memref<1x576x768xf32, #tpu.memory_space<hbm>>
    %dma_wait3A_1229 = tpu.memref_squeeze %dma_wait3A_1228 : memref<1x576x768xf32, #tpu.memory_space<hbm>> -> memref<576x768xf32, #tpu.memory_space<hbm>>
    tpu.wait_dma2 semaphore(%arg10 : memref<!tpu.dma_semaphore, #tpu.memory_space<semaphore_mem>>) src(%dma_wait3A_1229 : memref<576x768xf32, #tpu.memory_space<hbm>>) dst(%dma_wait3A_1225 : memref<576x768xf32, #tpu.memory_space<hbm>>)
    %dma_wait3A_1230 = arith.constant 0 : i32
    %dma_wait3A_1231 = arith.constant 0 : i32
    %dma_wait3A_1232 = tpu.memref_slice %arg4[%select_n3A_285, %dma_wait3A_1230, %dma_wait3A_1231] : memref<128x576x768xf32, #tpu.memory_space<hbm>> -> memref<1x576x768xf32, #tpu.memory_space<hbm>>
    %dma_wait3A_1233 = tpu.memref_squeeze %dma_wait3A_1232 : memref<1x576x768xf32, #tpu.memory_space<hbm>> -> memref<576x768xf32, #tpu.memory_space<hbm>>
    %dma_wait3A_1234 = arith.constant 0 : i32
    %dma_wait3A_1235 = arith.constant 0 : i32
    %dma_wait3A_1236 = tpu.memref_slice %arg2[%select_n3A_285, %dma_wait3A_1234, %dma_wait3A_1235] : memref<128x576x768xf32, #tpu.memory_space<hbm>> -> memref<1x576x768xf32, #tpu.memory_space<hbm>>
    %dma_wait3A_1237 = tpu.memref_squeeze %dma_wait3A_1236 : memref<1x576x768xf32, #tpu.memory_space<hbm>> -> memref<576x768xf32, #tpu.memory_space<hbm>>
    tpu.wait_dma2 semaphore(%arg10 : memref<!tpu.dma_semaphore, #tpu.memory_space<semaphore_mem>>) src(%dma_wait3A_1237 : memref<576x768xf32, #tpu.memory_space<hbm>>) dst(%dma_wait3A_1233 : memref<576x768xf32, #tpu.memory_space<hbm>>)
    %ne3A_1238 = arith.constant 0 : i32
    %ne3A_1239 = arith.cmpi ne, %select_n3A_720, %ne3A_1238 : i32
    %convert_element_type3A_1240 = arith.extui %ne3A_1239 : i1 to i32
    %cond3A_1241 = arith.constant 0 : i32
    %cond3A_1242 = arith.cmpi ne, %convert_element_type3A_1240, %cond3A_1241 : i32
    scf.if %cond3A_1242 {
      %dma_wait3A_1536 = arith.constant 0 : i32
      %dma_wait3A_1537 = arith.constant 0 : i32
      %dma_wait3A_1538 = tpu.memref_slice %arg4[%select_n3A_430, %dma_wait3A_1536, %dma_wait3A_1537] : memref<128x576x768xf32, #tpu.memory_space<hbm>> -> memref<1x576x768xf32, #tpu.memory_space<hbm>>
      %dma_wait3A_1539 = tpu.memref_squeeze %dma_wait3A_1538 : memref<1x576x768xf32, #tpu.memory_space<hbm>> -> memref<576x768xf32, #tpu.memory_space<hbm>>
      %dma_wait3A_1540 = arith.constant 0 : i32
      %dma_wait3A_1541 = arith.constant 0 : i32
      %dma_wait3A_1542 = tpu.memref_slice %arg2[%select_n3A_430, %dma_wait3A_1540, %dma_wait3A_1541] : memref<128x576x768xf32, #tpu.memory_space<hbm>> -> memref<1x576x768xf32, #tpu.memory_space<hbm>>
      %dma_wait3A_1543 = tpu.memref_squeeze %dma_wait3A_1542 : memref<1x576x768xf32, #tpu.memory_space<hbm>> -> memref<576x768xf32, #tpu.memory_space<hbm>>
      tpu.wait_dma2 semaphore(%arg10 : memref<!tpu.dma_semaphore, #tpu.memory_space<semaphore_mem>>) src(%dma_wait3A_1543 : memref<576x768xf32, #tpu.memory_space<hbm>>) dst(%dma_wait3A_1539 : memref<576x768xf32, #tpu.memory_space<hbm>>)
    } else {
    }
    %dma_wait3A_1243 = arith.constant 0 : i32
    %dma_wait3A_1244 = arith.constant 0 : i32
    %dma_wait3A_1245 = tpu.memref_slice %arg4[%select_n3A_575, %dma_wait3A_1243, %dma_wait3A_1244] : memref<128x576x768xf32, #tpu.memory_space<hbm>> -> memref<1x16x768xf32, #tpu.memory_space<hbm>>
    %dma_wait3A_1246 = tpu.memref_squeeze %dma_wait3A_1245 : memref<1x16x768xf32, #tpu.memory_space<hbm>> -> memref<16x768xf32, #tpu.memory_space<hbm>>
    %dma_wait3A_1247 = arith.constant 0 : i32
    %dma_wait3A_1248 = arith.constant 0 : i32
    %dma_wait3A_1249 = tpu.memref_slice %arg4[%select_n3A_575, %dma_wait3A_1247, %dma_wait3A_1248] : memref<128x576x768xf32, #tpu.memory_space<hbm>> -> memref<1x16x768xf32, #tpu.memory_space<hbm>>
    %dma_wait3A_1250 = tpu.memref_squeeze %dma_wait3A_1249 : memref<1x16x768xf32, #tpu.memory_space<hbm>> -> memref<16x768xf32, #tpu.memory_space<hbm>>
    tpu.wait_dma2 semaphore(%arg12 : memref<!tpu.dma_semaphore, #tpu.memory_space<semaphore_mem>>) src(%arg5 : memref<16x768xf32, #tpu.memory_space<vmem>>) dst(%dma_wait3A_1250 : memref<16x768xf32, #tpu.memory_space<hbm>>)
    %dma_wait3A_1251 = arith.constant 16 : i32
    %dma_wait3A_1252 = arith.constant 0 : i32
    %dma_wait3A_1253 = tpu.memref_slice %arg4[%select_n3A_575, %dma_wait3A_1251, %dma_wait3A_1252] : memref<128x576x768xf32, #tpu.memory_space<hbm>> -> memref<1x16x768xf32, #tpu.memory_space<hbm>>
    %dma_wait3A_1254 = tpu.memref_squeeze %dma_wait3A_1253 : memref<1x16x768xf32, #tpu.memory_space<hbm>> -> memref<16x768xf32, #tpu.memory_space<hbm>>
    %dma_wait3A_1255 = arith.constant 16 : i32
    %dma_wait3A_1256 = arith.constant 0 : i32
    %dma_wait3A_1257 = tpu.memref_slice %arg4[%select_n3A_575, %dma_wait3A_1255, %dma_wait3A_1256] : memref<128x576x768xf32, #tpu.memory_space<hbm>> -> memref<1x16x768xf32, #tpu.memory_space<hbm>>
    %dma_wait3A_1258 = tpu.memref_squeeze %dma_wait3A_1257 : memref<1x16x768xf32, #tpu.memory_space<hbm>> -> memref<16x768xf32, #tpu.memory_space<hbm>>
    tpu.wait_dma2 semaphore(%arg12 : memref<!tpu.dma_semaphore, #tpu.memory_space<semaphore_mem>>) src(%arg5 : memref<16x768xf32, #tpu.memory_space<vmem>>) dst(%dma_wait3A_1258 : memref<16x768xf32, #tpu.memory_space<hbm>>)
    %dma_wait3A_1259 = arith.constant 32 : i32
    %dma_wait3A_1260 = arith.constant 0 : i32
    %dma_wait3A_1261 = tpu.memref_slice %arg4[%select_n3A_575, %dma_wait3A_1259, %dma_wait3A_1260] : memref<128x576x768xf32, #tpu.memory_space<hbm>> -> memref<1x16x768xf32, #tpu.memory_space<hbm>>
    %dma_wait3A_1262 = tpu.memref_squeeze %dma_wait3A_1261 : memref<1x16x768xf32, #tpu.memory_space<hbm>> -> memref<16x768xf32, #tpu.memory_space<hbm>>
    %dma_wait3A_1263 = arith.constant 32 : i32
    %dma_wait3A_1264 = arith.constant 0 : i32
    %dma_wait3A_1265 = tpu.memref_slice %arg4[%select_n3A_575, %dma_wait3A_1263, %dma_wait3A_1264] : memref<128x576x768xf32, #tpu.memory_space<hbm>> -> memref<1x16x768xf32, #tpu.memory_space<hbm>>
    %dma_wait3A_1266 = tpu.memref_squeeze %dma_wait3A_1265 : memref<1x16x768xf32, #tpu.memory_space<hbm>> -> memref<16x768xf32, #tpu.memory_space<hbm>>
    tpu.wait_dma2 semaphore(%arg12 : memref<!tpu.dma_semaphore, #tpu.memory_space<semaphore_mem>>) src(%arg5 : memref<16x768xf32, #tpu.memory_space<vmem>>) dst(%dma_wait3A_1266 : memref<16x768xf32, #tpu.memory_space<hbm>>)
    %dma_wait3A_1267 = arith.constant 48 : i32
    %dma_wait3A_1268 = arith.constant 0 : i32
    %dma_wait3A_1269 = tpu.memref_slice %arg4[%select_n3A_575, %dma_wait3A_1267, %dma_wait3A_1268] : memref<128x576x768xf32, #tpu.memory_space<hbm>> -> memref<1x16x768xf32, #tpu.memory_space<hbm>>
    %dma_wait3A_1270 = tpu.memref_squeeze %dma_wait3A_1269 : memref<1x16x768xf32, #tpu.memory_space<hbm>> -> memref<16x768xf32, #tpu.memory_space<hbm>>
    %dma_wait3A_1271 = arith.constant 48 : i32
    %dma_wait3A_1272 = arith.constant 0 : i32
    %dma_wait3A_1273 = tpu.memref_slice %arg4[%select_n3A_575, %dma_wait3A_1271, %dma_wait3A_1272] : memref<128x576x768xf32, #tpu.memory_space<hbm>> -> memref<1x16x768xf32, #tpu.memory_space<hbm>>
    %dma_wait3A_1274 = tpu.memref_squeeze %dma_wait3A_1273 : memref<1x16x768xf32, #tpu.memory_space<hbm>> -> memref<16x768xf32, #tpu.memory_space<hbm>>
    tpu.wait_dma2 semaphore(%arg12 : memref<!tpu.dma_semaphore, #tpu.memory_space<semaphore_mem>>) src(%arg5 : memref<16x768xf32, #tpu.memory_space<vmem>>) dst(%dma_wait3A_1274 : memref<16x768xf32, #tpu.memory_space<hbm>>)
    %dma_wait3A_1275 = arith.constant 64 : i32
    %dma_wait3A_1276 = arith.constant 0 : i32
    %dma_wait3A_1277 = tpu.memref_slice %arg4[%select_n3A_575, %dma_wait3A_1275, %dma_wait3A_1276] : memref<128x576x768xf32, #tpu.memory_space<hbm>> -> memref<1x16x768xf32, #tpu.memory_space<hbm>>
    %dma_wait3A_1278 = tpu.memref_squeeze %dma_wait3A_1277 : memref<1x16x768xf32, #tpu.memory_space<hbm>> -> memref<16x768xf32, #tpu.memory_space<hbm>>
    %dma_wait3A_1279 = arith.constant 64 : i32
    %dma_wait3A_1280 = arith.constant 0 : i32
    %dma_wait3A_1281 = tpu.memref_slice %arg4[%select_n3A_575, %dma_wait3A_1279, %dma_wait3A_1280] : memref<128x576x768xf32, #tpu.memory_space<hbm>> -> memref<1x16x768xf32, #tpu.memory_space<hbm>>
    %dma_wait3A_1282 = tpu.memref_squeeze %dma_wait3A_1281 : memref<1x16x768xf32, #tpu.memory_space<hbm>> -> memref<16x768xf32, #tpu.memory_space<hbm>>
    tpu.wait_dma2 semaphore(%arg12 : memref<!tpu.dma_semaphore, #tpu.memory_space<semaphore_mem>>) src(%arg5 : memref<16x768xf32, #tpu.memory_space<vmem>>) dst(%dma_wait3A_1282 : memref<16x768xf32, #tpu.memory_space<hbm>>)
    %dma_wait3A_1283 = arith.constant 80 : i32
    %dma_wait3A_1284 = arith.constant 0 : i32
    %dma_wait3A_1285 = tpu.memref_slice %arg4[%select_n3A_575, %dma_wait3A_1283, %dma_wait3A_1284] : memref<128x576x768xf32, #tpu.memory_space<hbm>> -> memref<1x16x768xf32, #tpu.memory_space<hbm>>
    %dma_wait3A_1286 = tpu.memref_squeeze %dma_wait3A_1285 : memref<1x16x768xf32, #tpu.memory_space<hbm>> -> memref<16x768xf32, #tpu.memory_space<hbm>>
    %dma_wait3A_1287 = arith.constant 80 : i32
    %dma_wait3A_1288 = arith.constant 0 : i32
    %dma_wait3A_1289 = tpu.memref_slice %arg4[%select_n3A_575, %dma_wait3A_1287, %dma_wait3A_1288] : memref<128x576x768xf32, #tpu.memory_space<hbm>> -> memref<1x16x768xf32, #tpu.memory_space<hbm>>
    %dma_wait3A_1290 = tpu.memref_squeeze %dma_wait3A_1289 : memref<1x16x768xf32, #tpu.memory_space<hbm>> -> memref<16x768xf32, #tpu.memory_space<hbm>>
    tpu.wait_dma2 semaphore(%arg12 : memref<!tpu.dma_semaphore, #tpu.memory_space<semaphore_mem>>) src(%arg5 : memref<16x768xf32, #tpu.memory_space<vmem>>) dst(%dma_wait3A_1290 : memref<16x768xf32, #tpu.memory_space<hbm>>)
    %dma_wait3A_1291 = arith.constant 96 : i32
    %dma_wait3A_1292 = arith.constant 0 : i32
    %dma_wait3A_1293 = tpu.memref_slice %arg4[%select_n3A_575, %dma_wait3A_1291, %dma_wait3A_1292] : memref<128x576x768xf32, #tpu.memory_space<hbm>> -> memref<1x16x768xf32, #tpu.memory_space<hbm>>
    %dma_wait3A_1294 = tpu.memref_squeeze %dma_wait3A_1293 : memref<1x16x768xf32, #tpu.memory_space<hbm>> -> memref<16x768xf32, #tpu.memory_space<hbm>>
    %dma_wait3A_1295 = arith.constant 96 : i32
    %dma_wait3A_1296 = arith.constant 0 : i32
    %dma_wait3A_1297 = tpu.memref_slice %arg4[%select_n3A_575, %dma_wait3A_1295, %dma_wait3A_1296] : memref<128x576x768xf32, #tpu.memory_space<hbm>> -> memref<1x16x768xf32, #tpu.memory_space<hbm>>
    %dma_wait3A_1298 = tpu.memref_squeeze %dma_wait3A_1297 : memref<1x16x768xf32, #tpu.memory_space<hbm>> -> memref<16x768xf32, #tpu.memory_space<hbm>>
    tpu.wait_dma2 semaphore(%arg12 : memref<!tpu.dma_semaphore, #tpu.memory_space<semaphore_mem>>) src(%arg5 : memref<16x768xf32, #tpu.memory_space<vmem>>) dst(%dma_wait3A_1298 : memref<16x768xf32, #tpu.memory_space<hbm>>)
    %dma_wait3A_1299 = arith.constant 112 : i32
    %dma_wait3A_1300 = arith.constant 0 : i32
    %dma_wait3A_1301 = tpu.memref_slice %arg4[%select_n3A_575, %dma_wait3A_1299, %dma_wait3A_1300] : memref<128x576x768xf32, #tpu.memory_space<hbm>> -> memref<1x16x768xf32, #tpu.memory_space<hbm>>
    %dma_wait3A_1302 = tpu.memref_squeeze %dma_wait3A_1301 : memref<1x16x768xf32, #tpu.memory_space<hbm>> -> memref<16x768xf32, #tpu.memory_space<hbm>>
    %dma_wait3A_1303 = arith.constant 112 : i32
    %dma_wait3A_1304 = arith.constant 0 : i32
    %dma_wait3A_1305 = tpu.memref_slice %arg4[%select_n3A_575, %dma_wait3A_1303, %dma_wait3A_1304] : memref<128x576x768xf32, #tpu.memory_space<hbm>> -> memref<1x16x768xf32, #tpu.memory_space<hbm>>
    %dma_wait3A_1306 = tpu.memref_squeeze %dma_wait3A_1305 : memref<1x16x768xf32, #tpu.memory_space<hbm>> -> memref<16x768xf32, #tpu.memory_space<hbm>>
    tpu.wait_dma2 semaphore(%arg12 : memref<!tpu.dma_semaphore, #tpu.memory_space<semaphore_mem>>) src(%arg5 : memref<16x768xf32, #tpu.memory_space<vmem>>) dst(%dma_wait3A_1306 : memref<16x768xf32, #tpu.memory_space<hbm>>)
    %dma_wait3A_1307 = arith.constant 128 : i32
    %dma_wait3A_1308 = arith.constant 0 : i32
    %dma_wait3A_1309 = tpu.memref_slice %arg4[%select_n3A_575, %dma_wait3A_1307, %dma_wait3A_1308] : memref<128x576x768xf32, #tpu.memory_space<hbm>> -> memref<1x16x768xf32, #tpu.memory_space<hbm>>
    %dma_wait3A_1310 = tpu.memref_squeeze %dma_wait3A_1309 : memref<1x16x768xf32, #tpu.memory_space<hbm>> -> memref<16x768xf32, #tpu.memory_space<hbm>>
    %dma_wait3A_1311 = arith.constant 128 : i32
    %dma_wait3A_1312 = arith.constant 0 : i32
    %dma_wait3A_1313 = tpu.memref_slice %arg4[%select_n3A_575, %dma_wait3A_1311, %dma_wait3A_1312] : memref<128x576x768xf32, #tpu.memory_space<hbm>> -> memref<1x16x768xf32, #tpu.memory_space<hbm>>
    %dma_wait3A_1314 = tpu.memref_squeeze %dma_wait3A_1313 : memref<1x16x768xf32, #tpu.memory_space<hbm>> -> memref<16x768xf32, #tpu.memory_space<hbm>>
    tpu.wait_dma2 semaphore(%arg12 : memref<!tpu.dma_semaphore, #tpu.memory_space<semaphore_mem>>) src(%arg5 : memref<16x768xf32, #tpu.memory_space<vmem>>) dst(%dma_wait3A_1314 : memref<16x768xf32, #tpu.memory_space<hbm>>)
    %dma_wait3A_1315 = arith.constant 144 : i32
    %dma_wait3A_1316 = arith.constant 0 : i32
    %dma_wait3A_1317 = tpu.memref_slice %arg4[%select_n3A_575, %dma_wait3A_1315, %dma_wait3A_1316] : memref<128x576x768xf32, #tpu.memory_space<hbm>> -> memref<1x16x768xf32, #tpu.memory_space<hbm>>
    %dma_wait3A_1318 = tpu.memref_squeeze %dma_wait3A_1317 : memref<1x16x768xf32, #tpu.memory_space<hbm>> -> memref<16x768xf32, #tpu.memory_space<hbm>>
    %dma_wait3A_1319 = arith.constant 144 : i32
    %dma_wait3A_1320 = arith.constant 0 : i32
    %dma_wait3A_1321 = tpu.memref_slice %arg4[%select_n3A_575, %dma_wait3A_1319, %dma_wait3A_1320] : memref<128x576x768xf32, #tpu.memory_space<hbm>> -> memref<1x16x768xf32, #tpu.memory_space<hbm>>
    %dma_wait3A_1322 = tpu.memref_squeeze %dma_wait3A_1321 : memref<1x16x768xf32, #tpu.memory_space<hbm>> -> memref<16x768xf32, #tpu.memory_space<hbm>>
    tpu.wait_dma2 semaphore(%arg12 : memref<!tpu.dma_semaphore, #tpu.memory_space<semaphore_mem>>) src(%arg5 : memref<16x768xf32, #tpu.memory_space<vmem>>) dst(%dma_wait3A_1322 : memref<16x768xf32, #tpu.memory_space<hbm>>)
    %dma_wait3A_1323 = arith.constant 160 : i32
    %dma_wait3A_1324 = arith.constant 0 : i32
    %dma_wait3A_1325 = tpu.memref_slice %arg4[%select_n3A_575, %dma_wait3A_1323, %dma_wait3A_1324] : memref<128x576x768xf32, #tpu.memory_space<hbm>> -> memref<1x16x768xf32, #tpu.memory_space<hbm>>
    %dma_wait3A_1326 = tpu.memref_squeeze %dma_wait3A_1325 : memref<1x16x768xf32, #tpu.memory_space<hbm>> -> memref<16x768xf32, #tpu.memory_space<hbm>>
    %dma_wait3A_1327 = arith.constant 160 : i32
    %dma_wait3A_1328 = arith.constant 0 : i32
    %dma_wait3A_1329 = tpu.memref_slice %arg4[%select_n3A_575, %dma_wait3A_1327, %dma_wait3A_1328] : memref<128x576x768xf32, #tpu.memory_space<hbm>> -> memref<1x16x768xf32, #tpu.memory_space<hbm>>
    %dma_wait3A_1330 = tpu.memref_squeeze %dma_wait3A_1329 : memref<1x16x768xf32, #tpu.memory_space<hbm>> -> memref<16x768xf32, #tpu.memory_space<hbm>>
    tpu.wait_dma2 semaphore(%arg12 : memref<!tpu.dma_semaphore, #tpu.memory_space<semaphore_mem>>) src(%arg5 : memref<16x768xf32, #tpu.memory_space<vmem>>) dst(%dma_wait3A_1330 : memref<16x768xf32, #tpu.memory_space<hbm>>)
    %dma_wait3A_1331 = arith.constant 176 : i32
    %dma_wait3A_1332 = arith.constant 0 : i32
    %dma_wait3A_1333 = tpu.memref_slice %arg4[%select_n3A_575, %dma_wait3A_1331, %dma_wait3A_1332] : memref<128x576x768xf32, #tpu.memory_space<hbm>> -> memref<1x16x768xf32, #tpu.memory_space<hbm>>
    %dma_wait3A_1334 = tpu.memref_squeeze %dma_wait3A_1333 : memref<1x16x768xf32, #tpu.memory_space<hbm>> -> memref<16x768xf32, #tpu.memory_space<hbm>>
    %dma_wait3A_1335 = arith.constant 176 : i32
    %dma_wait3A_1336 = arith.constant 0 : i32
    %dma_wait3A_1337 = tpu.memref_slice %arg4[%select_n3A_575, %dma_wait3A_1335, %dma_wait3A_1336] : memref<128x576x768xf32, #tpu.memory_space<hbm>> -> memref<1x16x768xf32, #tpu.memory_space<hbm>>
    %dma_wait3A_1338 = tpu.memref_squeeze %dma_wait3A_1337 : memref<1x16x768xf32, #tpu.memory_space<hbm>> -> memref<16x768xf32, #tpu.memory_space<hbm>>
    tpu.wait_dma2 semaphore(%arg12 : memref<!tpu.dma_semaphore, #tpu.memory_space<semaphore_mem>>) src(%arg5 : memref<16x768xf32, #tpu.memory_space<vmem>>) dst(%dma_wait3A_1338 : memref<16x768xf32, #tpu.memory_space<hbm>>)
    %dma_wait3A_1339 = arith.constant 192 : i32
    %dma_wait3A_1340 = arith.constant 0 : i32
    %dma_wait3A_1341 = tpu.memref_slice %arg4[%select_n3A_575, %dma_wait3A_1339, %dma_wait3A_1340] : memref<128x576x768xf32, #tpu.memory_space<hbm>> -> memref<1x16x768xf32, #tpu.memory_space<hbm>>
    %dma_wait3A_1342 = tpu.memref_squeeze %dma_wait3A_1341 : memref<1x16x768xf32, #tpu.memory_space<hbm>> -> memref<16x768xf32, #tpu.memory_space<hbm>>
    %dma_wait3A_1343 = arith.constant 192 : i32
    %dma_wait3A_1344 = arith.constant 0 : i32
    %dma_wait3A_1345 = tpu.memref_slice %arg4[%select_n3A_575, %dma_wait3A_1343, %dma_wait3A_1344] : memref<128x576x768xf32, #tpu.memory_space<hbm>> -> memref<1x16x768xf32, #tpu.memory_space<hbm>>
    %dma_wait3A_1346 = tpu.memref_squeeze %dma_wait3A_1345 : memref<1x16x768xf32, #tpu.memory_space<hbm>> -> memref<16x768xf32, #tpu.memory_space<hbm>>
    tpu.wait_dma2 semaphore(%arg12 : memref<!tpu.dma_semaphore, #tpu.memory_space<semaphore_mem>>) src(%arg5 : memref<16x768xf32, #tpu.memory_space<vmem>>) dst(%dma_wait3A_1346 : memref<16x768xf32, #tpu.memory_space<hbm>>)
    %dma_wait3A_1347 = arith.constant 208 : i32
    %dma_wait3A_1348 = arith.constant 0 : i32
    %dma_wait3A_1349 = tpu.memref_slice %arg4[%select_n3A_575, %dma_wait3A_1347, %dma_wait3A_1348] : memref<128x576x768xf32, #tpu.memory_space<hbm>> -> memref<1x16x768xf32, #tpu.memory_space<hbm>>
    %dma_wait3A_1350 = tpu.memref_squeeze %dma_wait3A_1349 : memref<1x16x768xf32, #tpu.memory_space<hbm>> -> memref<16x768xf32, #tpu.memory_space<hbm>>
    %dma_wait3A_1351 = arith.constant 208 : i32
    %dma_wait3A_1352 = arith.constant 0 : i32
    %dma_wait3A_1353 = tpu.memref_slice %arg4[%select_n3A_575, %dma_wait3A_1351, %dma_wait3A_1352] : memref<128x576x768xf32, #tpu.memory_space<hbm>> -> memref<1x16x768xf32, #tpu.memory_space<hbm>>
    %dma_wait3A_1354 = tpu.memref_squeeze %dma_wait3A_1353 : memref<1x16x768xf32, #tpu.memory_space<hbm>> -> memref<16x768xf32, #tpu.memory_space<hbm>>
    tpu.wait_dma2 semaphore(%arg12 : memref<!tpu.dma_semaphore, #tpu.memory_space<semaphore_mem>>) src(%arg5 : memref<16x768xf32, #tpu.memory_space<vmem>>) dst(%dma_wait3A_1354 : memref<16x768xf32, #tpu.memory_space<hbm>>)
    %dma_wait3A_1355 = arith.constant 224 : i32
    %dma_wait3A_1356 = arith.constant 0 : i32
    %dma_wait3A_1357 = tpu.memref_slice %arg4[%select_n3A_575, %dma_wait3A_1355, %dma_wait3A_1356] : memref<128x576x768xf32, #tpu.memory_space<hbm>> -> memref<1x16x768xf32, #tpu.memory_space<hbm>>
    %dma_wait3A_1358 = tpu.memref_squeeze %dma_wait3A_1357 : memref<1x16x768xf32, #tpu.memory_space<hbm>> -> memref<16x768xf32, #tpu.memory_space<hbm>>
    %dma_wait3A_1359 = arith.constant 224 : i32
    %dma_wait3A_1360 = arith.constant 0 : i32
    %dma_wait3A_1361 = tpu.memref_slice %arg4[%select_n3A_575, %dma_wait3A_1359, %dma_wait3A_1360] : memref<128x576x768xf32, #tpu.memory_space<hbm>> -> memref<1x16x768xf32, #tpu.memory_space<hbm>>
    %dma_wait3A_1362 = tpu.memref_squeeze %dma_wait3A_1361 : memref<1x16x768xf32, #tpu.memory_space<hbm>> -> memref<16x768xf32, #tpu.memory_space<hbm>>
    tpu.wait_dma2 semaphore(%arg12 : memref<!tpu.dma_semaphore, #tpu.memory_space<semaphore_mem>>) src(%arg5 : memref<16x768xf32, #tpu.memory_space<vmem>>) dst(%dma_wait3A_1362 : memref<16x768xf32, #tpu.memory_space<hbm>>)
    %dma_wait3A_1363 = arith.constant 240 : i32
    %dma_wait3A_1364 = arith.constant 0 : i32
    %dma_wait3A_1365 = tpu.memref_slice %arg4[%select_n3A_575, %dma_wait3A_1363, %dma_wait3A_1364] : memref<128x576x768xf32, #tpu.memory_space<hbm>> -> memref<1x16x768xf32, #tpu.memory_space<hbm>>
    %dma_wait3A_1366 = tpu.memref_squeeze %dma_wait3A_1365 : memref<1x16x768xf32, #tpu.memory_space<hbm>> -> memref<16x768xf32, #tpu.memory_space<hbm>>
    %dma_wait3A_1367 = arith.constant 240 : i32
    %dma_wait3A_1368 = arith.constant 0 : i32
    %dma_wait3A_1369 = tpu.memref_slice %arg4[%select_n3A_575, %dma_wait3A_1367, %dma_wait3A_1368] : memref<128x576x768xf32, #tpu.memory_space<hbm>> -> memref<1x16x768xf32, #tpu.memory_space<hbm>>
    %dma_wait3A_1370 = tpu.memref_squeeze %dma_wait3A_1369 : memref<1x16x768xf32, #tpu.memory_space<hbm>> -> memref<16x768xf32, #tpu.memory_space<hbm>>
    tpu.wait_dma2 semaphore(%arg12 : memref<!tpu.dma_semaphore, #tpu.memory_space<semaphore_mem>>) src(%arg5 : memref<16x768xf32, #tpu.memory_space<vmem>>) dst(%dma_wait3A_1370 : memref<16x768xf32, #tpu.memory_space<hbm>>)
    %dma_wait3A_1371 = arith.constant 256 : i32
    %dma_wait3A_1372 = arith.constant 0 : i32
    %dma_wait3A_1373 = tpu.memref_slice %arg4[%select_n3A_575, %dma_wait3A_1371, %dma_wait3A_1372] : memref<128x576x768xf32, #tpu.memory_space<hbm>> -> memref<1x16x768xf32, #tpu.memory_space<hbm>>
    %dma_wait3A_1374 = tpu.memref_squeeze %dma_wait3A_1373 : memref<1x16x768xf32, #tpu.memory_space<hbm>> -> memref<16x768xf32, #tpu.memory_space<hbm>>
    %dma_wait3A_1375 = arith.constant 256 : i32
    %dma_wait3A_1376 = arith.constant 0 : i32
    %dma_wait3A_1377 = tpu.memref_slice %arg4[%select_n3A_575, %dma_wait3A_1375, %dma_wait3A_1376] : memref<128x576x768xf32, #tpu.memory_space<hbm>> -> memref<1x16x768xf32, #tpu.memory_space<hbm>>
    %dma_wait3A_1378 = tpu.memref_squeeze %dma_wait3A_1377 : memref<1x16x768xf32, #tpu.memory_space<hbm>> -> memref<16x768xf32, #tpu.memory_space<hbm>>
    tpu.wait_dma2 semaphore(%arg12 : memref<!tpu.dma_semaphore, #tpu.memory_space<semaphore_mem>>) src(%arg5 : memref<16x768xf32, #tpu.memory_space<vmem>>) dst(%dma_wait3A_1378 : memref<16x768xf32, #tpu.memory_space<hbm>>)
    %dma_wait3A_1379 = arith.constant 272 : i32
    %dma_wait3A_1380 = arith.constant 0 : i32
    %dma_wait3A_1381 = tpu.memref_slice %arg4[%select_n3A_575, %dma_wait3A_1379, %dma_wait3A_1380] : memref<128x576x768xf32, #tpu.memory_space<hbm>> -> memref<1x16x768xf32, #tpu.memory_space<hbm>>
    %dma_wait3A_1382 = tpu.memref_squeeze %dma_wait3A_1381 : memref<1x16x768xf32, #tpu.memory_space<hbm>> -> memref<16x768xf32, #tpu.memory_space<hbm>>
    %dma_wait3A_1383 = arith.constant 272 : i32
    %dma_wait3A_1384 = arith.constant 0 : i32
    %dma_wait3A_1385 = tpu.memref_slice %arg4[%select_n3A_575, %dma_wait3A_1383, %dma_wait3A_1384] : memref<128x576x768xf32, #tpu.memory_space<hbm>> -> memref<1x16x768xf32, #tpu.memory_space<hbm>>
    %dma_wait3A_1386 = tpu.memref_squeeze %dma_wait3A_1385 : memref<1x16x768xf32, #tpu.memory_space<hbm>> -> memref<16x768xf32, #tpu.memory_space<hbm>>
    tpu.wait_dma2 semaphore(%arg12 : memref<!tpu.dma_semaphore, #tpu.memory_space<semaphore_mem>>) src(%arg5 : memref<16x768xf32, #tpu.memory_space<vmem>>) dst(%dma_wait3A_1386 : memref<16x768xf32, #tpu.memory_space<hbm>>)
    %dma_wait3A_1387 = arith.constant 288 : i32
    %dma_wait3A_1388 = arith.constant 0 : i32
    %dma_wait3A_1389 = tpu.memref_slice %arg4[%select_n3A_575, %dma_wait3A_1387, %dma_wait3A_1388] : memref<128x576x768xf32, #tpu.memory_space<hbm>> -> memref<1x16x768xf32, #tpu.memory_space<hbm>>
    %dma_wait3A_1390 = tpu.memref_squeeze %dma_wait3A_1389 : memref<1x16x768xf32, #tpu.memory_space<hbm>> -> memref<16x768xf32, #tpu.memory_space<hbm>>
    %dma_wait3A_1391 = arith.constant 288 : i32
    %dma_wait3A_1392 = arith.constant 0 : i32
    %dma_wait3A_1393 = tpu.memref_slice %arg4[%select_n3A_575, %dma_wait3A_1391, %dma_wait3A_1392] : memref<128x576x768xf32, #tpu.memory_space<hbm>> -> memref<1x16x768xf32, #tpu.memory_space<hbm>>
    %dma_wait3A_1394 = tpu.memref_squeeze %dma_wait3A_1393 : memref<1x16x768xf32, #tpu.memory_space<hbm>> -> memref<16x768xf32, #tpu.memory_space<hbm>>
    tpu.wait_dma2 semaphore(%arg12 : memref<!tpu.dma_semaphore, #tpu.memory_space<semaphore_mem>>) src(%arg5 : memref<16x768xf32, #tpu.memory_space<vmem>>) dst(%dma_wait3A_1394 : memref<16x768xf32, #tpu.memory_space<hbm>>)
    %dma_wait3A_1395 = arith.constant 304 : i32
    %dma_wait3A_1396 = arith.constant 0 : i32
    %dma_wait3A_1397 = tpu.memref_slice %arg4[%select_n3A_575, %dma_wait3A_1395, %dma_wait3A_1396] : memref<128x576x768xf32, #tpu.memory_space<hbm>> -> memref<1x16x768xf32, #tpu.memory_space<hbm>>
    %dma_wait3A_1398 = tpu.memref_squeeze %dma_wait3A_1397 : memref<1x16x768xf32, #tpu.memory_space<hbm>> -> memref<16x768xf32, #tpu.memory_space<hbm>>
    %dma_wait3A_1399 = arith.constant 304 : i32
    %dma_wait3A_1400 = arith.constant 0 : i32
    %dma_wait3A_1401 = tpu.memref_slice %arg4[%select_n3A_575, %dma_wait3A_1399, %dma_wait3A_1400] : memref<128x576x768xf32, #tpu.memory_space<hbm>> -> memref<1x16x768xf32, #tpu.memory_space<hbm>>
    %dma_wait3A_1402 = tpu.memref_squeeze %dma_wait3A_1401 : memref<1x16x768xf32, #tpu.memory_space<hbm>> -> memref<16x768xf32, #tpu.memory_space<hbm>>
    tpu.wait_dma2 semaphore(%arg12 : memref<!tpu.dma_semaphore, #tpu.memory_space<semaphore_mem>>) src(%arg5 : memref<16x768xf32, #tpu.memory_space<vmem>>) dst(%dma_wait3A_1402 : memref<16x768xf32, #tpu.memory_space<hbm>>)
    %dma_wait3A_1403 = arith.constant 320 : i32
    %dma_wait3A_1404 = arith.constant 0 : i32
    %dma_wait3A_1405 = tpu.memref_slice %arg4[%select_n3A_575, %dma_wait3A_1403, %dma_wait3A_1404] : memref<128x576x768xf32, #tpu.memory_space<hbm>> -> memref<1x16x768xf32, #tpu.memory_space<hbm>>
    %dma_wait3A_1406 = tpu.memref_squeeze %dma_wait3A_1405 : memref<1x16x768xf32, #tpu.memory_space<hbm>> -> memref<16x768xf32, #tpu.memory_space<hbm>>
    %dma_wait3A_1407 = arith.constant 320 : i32
    %dma_wait3A_1408 = arith.constant 0 : i32
    %dma_wait3A_1409 = tpu.memref_slice %arg4[%select_n3A_575, %dma_wait3A_1407, %dma_wait3A_1408] : memref<128x576x768xf32, #tpu.memory_space<hbm>> -> memref<1x16x768xf32, #tpu.memory_space<hbm>>
    %dma_wait3A_1410 = tpu.memref_squeeze %dma_wait3A_1409 : memref<1x16x768xf32, #tpu.memory_space<hbm>> -> memref<16x768xf32, #tpu.memory_space<hbm>>
    tpu.wait_dma2 semaphore(%arg12 : memref<!tpu.dma_semaphore, #tpu.memory_space<semaphore_mem>>) src(%arg5 : memref<16x768xf32, #tpu.memory_space<vmem>>) dst(%dma_wait3A_1410 : memref<16x768xf32, #tpu.memory_space<hbm>>)
    %dma_wait3A_1411 = arith.constant 336 : i32
    %dma_wait3A_1412 = arith.constant 0 : i32
    %dma_wait3A_1413 = tpu.memref_slice %arg4[%select_n3A_575, %dma_wait3A_1411, %dma_wait3A_1412] : memref<128x576x768xf32, #tpu.memory_space<hbm>> -> memref<1x16x768xf32, #tpu.memory_space<hbm>>
    %dma_wait3A_1414 = tpu.memref_squeeze %dma_wait3A_1413 : memref<1x16x768xf32, #tpu.memory_space<hbm>> -> memref<16x768xf32, #tpu.memory_space<hbm>>
    %dma_wait3A_1415 = arith.constant 336 : i32
    %dma_wait3A_1416 = arith.constant 0 : i32
    %dma_wait3A_1417 = tpu.memref_slice %arg4[%select_n3A_575, %dma_wait3A_1415, %dma_wait3A_1416] : memref<128x576x768xf32, #tpu.memory_space<hbm>> -> memref<1x16x768xf32, #tpu.memory_space<hbm>>
    %dma_wait3A_1418 = tpu.memref_squeeze %dma_wait3A_1417 : memref<1x16x768xf32, #tpu.memory_space<hbm>> -> memref<16x768xf32, #tpu.memory_space<hbm>>
    tpu.wait_dma2 semaphore(%arg12 : memref<!tpu.dma_semaphore, #tpu.memory_space<semaphore_mem>>) src(%arg5 : memref<16x768xf32, #tpu.memory_space<vmem>>) dst(%dma_wait3A_1418 : memref<16x768xf32, #tpu.memory_space<hbm>>)
    %dma_wait3A_1419 = arith.constant 352 : i32
    %dma_wait3A_1420 = arith.constant 0 : i32
    %dma_wait3A_1421 = tpu.memref_slice %arg4[%select_n3A_575, %dma_wait3A_1419, %dma_wait3A_1420] : memref<128x576x768xf32, #tpu.memory_space<hbm>> -> memref<1x16x768xf32, #tpu.memory_space<hbm>>
    %dma_wait3A_1422 = tpu.memref_squeeze %dma_wait3A_1421 : memref<1x16x768xf32, #tpu.memory_space<hbm>> -> memref<16x768xf32, #tpu.memory_space<hbm>>
    %dma_wait3A_1423 = arith.constant 352 : i32
    %dma_wait3A_1424 = arith.constant 0 : i32
    %dma_wait3A_1425 = tpu.memref_slice %arg4[%select_n3A_575, %dma_wait3A_1423, %dma_wait3A_1424] : memref<128x576x768xf32, #tpu.memory_space<hbm>> -> memref<1x16x768xf32, #tpu.memory_space<hbm>>
    %dma_wait3A_1426 = tpu.memref_squeeze %dma_wait3A_1425 : memref<1x16x768xf32, #tpu.memory_space<hbm>> -> memref<16x768xf32, #tpu.memory_space<hbm>>
    tpu.wait_dma2 semaphore(%arg12 : memref<!tpu.dma_semaphore, #tpu.memory_space<semaphore_mem>>) src(%arg5 : memref<16x768xf32, #tpu.memory_space<vmem>>) dst(%dma_wait3A_1426 : memref<16x768xf32, #tpu.memory_space<hbm>>)
    %dma_wait3A_1427 = arith.constant 368 : i32
    %dma_wait3A_1428 = arith.constant 0 : i32
    %dma_wait3A_1429 = tpu.memref_slice %arg4[%select_n3A_575, %dma_wait3A_1427, %dma_wait3A_1428] : memref<128x576x768xf32, #tpu.memory_space<hbm>> -> memref<1x16x768xf32, #tpu.memory_space<hbm>>
    %dma_wait3A_1430 = tpu.memref_squeeze %dma_wait3A_1429 : memref<1x16x768xf32, #tpu.memory_space<hbm>> -> memref<16x768xf32, #tpu.memory_space<hbm>>
    %dma_wait3A_1431 = arith.constant 368 : i32
    %dma_wait3A_1432 = arith.constant 0 : i32
    %dma_wait3A_1433 = tpu.memref_slice %arg4[%select_n3A_575, %dma_wait3A_1431, %dma_wait3A_1432] : memref<128x576x768xf32, #tpu.memory_space<hbm>> -> memref<1x16x768xf32, #tpu.memory_space<hbm>>
    %dma_wait3A_1434 = tpu.memref_squeeze %dma_wait3A_1433 : memref<1x16x768xf32, #tpu.memory_space<hbm>> -> memref<16x768xf32, #tpu.memory_space<hbm>>
    tpu.wait_dma2 semaphore(%arg12 : memref<!tpu.dma_semaphore, #tpu.memory_space<semaphore_mem>>) src(%arg5 : memref<16x768xf32, #tpu.memory_space<vmem>>) dst(%dma_wait3A_1434 : memref<16x768xf32, #tpu.memory_space<hbm>>)
    %dma_wait3A_1435 = arith.constant 384 : i32
    %dma_wait3A_1436 = arith.constant 0 : i32
    %dma_wait3A_1437 = tpu.memref_slice %arg4[%select_n3A_575, %dma_wait3A_1435, %dma_wait3A_1436] : memref<128x576x768xf32, #tpu.memory_space<hbm>> -> memref<1x16x768xf32, #tpu.memory_space<hbm>>
    %dma_wait3A_1438 = tpu.memref_squeeze %dma_wait3A_1437 : memref<1x16x768xf32, #tpu.memory_space<hbm>> -> memref<16x768xf32, #tpu.memory_space<hbm>>
    %dma_wait3A_1439 = arith.constant 384 : i32
    %dma_wait3A_1440 = arith.constant 0 : i32
    %dma_wait3A_1441 = tpu.memref_slice %arg4[%select_n3A_575, %dma_wait3A_1439, %dma_wait3A_1440] : memref<128x576x768xf32, #tpu.memory_space<hbm>> -> memref<1x16x768xf32, #tpu.memory_space<hbm>>
    %dma_wait3A_1442 = tpu.memref_squeeze %dma_wait3A_1441 : memref<1x16x768xf32, #tpu.memory_space<hbm>> -> memref<16x768xf32, #tpu.memory_space<hbm>>
    tpu.wait_dma2 semaphore(%arg12 : memref<!tpu.dma_semaphore, #tpu.memory_space<semaphore_mem>>) src(%arg5 : memref<16x768xf32, #tpu.memory_space<vmem>>) dst(%dma_wait3A_1442 : memref<16x768xf32, #tpu.memory_space<hbm>>)
    %dma_wait3A_1443 = arith.constant 400 : i32
    %dma_wait3A_1444 = arith.constant 0 : i32
    %dma_wait3A_1445 = tpu.memref_slice %arg4[%select_n3A_575, %dma_wait3A_1443, %dma_wait3A_1444] : memref<128x576x768xf32, #tpu.memory_space<hbm>> -> memref<1x16x768xf32, #tpu.memory_space<hbm>>
    %dma_wait3A_1446 = tpu.memref_squeeze %dma_wait3A_1445 : memref<1x16x768xf32, #tpu.memory_space<hbm>> -> memref<16x768xf32, #tpu.memory_space<hbm>>
    %dma_wait3A_1447 = arith.constant 400 : i32
    %dma_wait3A_1448 = arith.constant 0 : i32
    %dma_wait3A_1449 = tpu.memref_slice %arg4[%select_n3A_575, %dma_wait3A_1447, %dma_wait3A_1448] : memref<128x576x768xf32, #tpu.memory_space<hbm>> -> memref<1x16x768xf32, #tpu.memory_space<hbm>>
    %dma_wait3A_1450 = tpu.memref_squeeze %dma_wait3A_1449 : memref<1x16x768xf32, #tpu.memory_space<hbm>> -> memref<16x768xf32, #tpu.memory_space<hbm>>
    tpu.wait_dma2 semaphore(%arg12 : memref<!tpu.dma_semaphore, #tpu.memory_space<semaphore_mem>>) src(%arg5 : memref<16x768xf32, #tpu.memory_space<vmem>>) dst(%dma_wait3A_1450 : memref<16x768xf32, #tpu.memory_space<hbm>>)
    %dma_wait3A_1451 = arith.constant 416 : i32
    %dma_wait3A_1452 = arith.constant 0 : i32
    %dma_wait3A_1453 = tpu.memref_slice %arg4[%select_n3A_575, %dma_wait3A_1451, %dma_wait3A_1452] : memref<128x576x768xf32, #tpu.memory_space<hbm>> -> memref<1x16x768xf32, #tpu.memory_space<hbm>>
    %dma_wait3A_1454 = tpu.memref_squeeze %dma_wait3A_1453 : memref<1x16x768xf32, #tpu.memory_space<hbm>> -> memref<16x768xf32, #tpu.memory_space<hbm>>
    %dma_wait3A_1455 = arith.constant 416 : i32
    %dma_wait3A_1456 = arith.constant 0 : i32
    %dma_wait3A_1457 = tpu.memref_slice %arg4[%select_n3A_575, %dma_wait3A_1455, %dma_wait3A_1456] : memref<128x576x768xf32, #tpu.memory_space<hbm>> -> memref<1x16x768xf32, #tpu.memory_space<hbm>>
    %dma_wait3A_1458 = tpu.memref_squeeze %dma_wait3A_1457 : memref<1x16x768xf32, #tpu.memory_space<hbm>> -> memref<16x768xf32, #tpu.memory_space<hbm>>
    tpu.wait_dma2 semaphore(%arg12 : memref<!tpu.dma_semaphore, #tpu.memory_space<semaphore_mem>>) src(%arg5 : memref<16x768xf32, #tpu.memory_space<vmem>>) dst(%dma_wait3A_1458 : memref<16x768xf32, #tpu.memory_space<hbm>>)
    %dma_wait3A_1459 = arith.constant 432 : i32
    %dma_wait3A_1460 = arith.constant 0 : i32
    %dma_wait3A_1461 = tpu.memref_slice %arg4[%select_n3A_575, %dma_wait3A_1459, %dma_wait3A_1460] : memref<128x576x768xf32, #tpu.memory_space<hbm>> -> memref<1x16x768xf32, #tpu.memory_space<hbm>>
    %dma_wait3A_1462 = tpu.memref_squeeze %dma_wait3A_1461 : memref<1x16x768xf32, #tpu.memory_space<hbm>> -> memref<16x768xf32, #tpu.memory_space<hbm>>
    %dma_wait3A_1463 = arith.constant 432 : i32
    %dma_wait3A_1464 = arith.constant 0 : i32
    %dma_wait3A_1465 = tpu.memref_slice %arg4[%select_n3A_575, %dma_wait3A_1463, %dma_wait3A_1464] : memref<128x576x768xf32, #tpu.memory_space<hbm>> -> memref<1x16x768xf32, #tpu.memory_space<hbm>>
    %dma_wait3A_1466 = tpu.memref_squeeze %dma_wait3A_1465 : memref<1x16x768xf32, #tpu.memory_space<hbm>> -> memref<16x768xf32, #tpu.memory_space<hbm>>
    tpu.wait_dma2 semaphore(%arg12 : memref<!tpu.dma_semaphore, #tpu.memory_space<semaphore_mem>>) src(%arg5 : memref<16x768xf32, #tpu.memory_space<vmem>>) dst(%dma_wait3A_1466 : memref<16x768xf32, #tpu.memory_space<hbm>>)
    %dma_wait3A_1467 = arith.constant 448 : i32
    %dma_wait3A_1468 = arith.constant 0 : i32
    %dma_wait3A_1469 = tpu.memref_slice %arg4[%select_n3A_575, %dma_wait3A_1467, %dma_wait3A_1468] : memref<128x576x768xf32, #tpu.memory_space<hbm>> -> memref<1x16x768xf32, #tpu.memory_space<hbm>>
    %dma_wait3A_1470 = tpu.memref_squeeze %dma_wait3A_1469 : memref<1x16x768xf32, #tpu.memory_space<hbm>> -> memref<16x768xf32, #tpu.memory_space<hbm>>
    %dma_wait3A_1471 = arith.constant 448 : i32
    %dma_wait3A_1472 = arith.constant 0 : i32
    %dma_wait3A_1473 = tpu.memref_slice %arg4[%select_n3A_575, %dma_wait3A_1471, %dma_wait3A_1472] : memref<128x576x768xf32, #tpu.memory_space<hbm>> -> memref<1x16x768xf32, #tpu.memory_space<hbm>>
    %dma_wait3A_1474 = tpu.memref_squeeze %dma_wait3A_1473 : memref<1x16x768xf32, #tpu.memory_space<hbm>> -> memref<16x768xf32, #tpu.memory_space<hbm>>
    tpu.wait_dma2 semaphore(%arg12 : memref<!tpu.dma_semaphore, #tpu.memory_space<semaphore_mem>>) src(%arg5 : memref<16x768xf32, #tpu.memory_space<vmem>>) dst(%dma_wait3A_1474 : memref<16x768xf32, #tpu.memory_space<hbm>>)
    %dma_wait3A_1475 = arith.constant 464 : i32
    %dma_wait3A_1476 = arith.constant 0 : i32
    %dma_wait3A_1477 = tpu.memref_slice %arg4[%select_n3A_575, %dma_wait3A_1475, %dma_wait3A_1476] : memref<128x576x768xf32, #tpu.memory_space<hbm>> -> memref<1x16x768xf32, #tpu.memory_space<hbm>>
    %dma_wait3A_1478 = tpu.memref_squeeze %dma_wait3A_1477 : memref<1x16x768xf32, #tpu.memory_space<hbm>> -> memref<16x768xf32, #tpu.memory_space<hbm>>
    %dma_wait3A_1479 = arith.constant 464 : i32
    %dma_wait3A_1480 = arith.constant 0 : i32
    %dma_wait3A_1481 = tpu.memref_slice %arg4[%select_n3A_575, %dma_wait3A_1479, %dma_wait3A_1480] : memref<128x576x768xf32, #tpu.memory_space<hbm>> -> memref<1x16x768xf32, #tpu.memory_space<hbm>>
    %dma_wait3A_1482 = tpu.memref_squeeze %dma_wait3A_1481 : memref<1x16x768xf32, #tpu.memory_space<hbm>> -> memref<16x768xf32, #tpu.memory_space<hbm>>
    tpu.wait_dma2 semaphore(%arg12 : memref<!tpu.dma_semaphore, #tpu.memory_space<semaphore_mem>>) src(%arg5 : memref<16x768xf32, #tpu.memory_space<vmem>>) dst(%dma_wait3A_1482 : memref<16x768xf32, #tpu.memory_space<hbm>>)
    %dma_wait3A_1483 = arith.constant 480 : i32
    %dma_wait3A_1484 = arith.constant 0 : i32
    %dma_wait3A_1485 = tpu.memref_slice %arg4[%select_n3A_575, %dma_wait3A_1483, %dma_wait3A_1484] : memref<128x576x768xf32, #tpu.memory_space<hbm>> -> memref<1x16x768xf32, #tpu.memory_space<hbm>>
    %dma_wait3A_1486 = tpu.memref_squeeze %dma_wait3A_1485 : memref<1x16x768xf32, #tpu.memory_space<hbm>> -> memref<16x768xf32, #tpu.memory_space<hbm>>
    %dma_wait3A_1487 = arith.constant 480 : i32
    %dma_wait3A_1488 = arith.constant 0 : i32
    %dma_wait3A_1489 = tpu.memref_slice %arg4[%select_n3A_575, %dma_wait3A_1487, %dma_wait3A_1488] : memref<128x576x768xf32, #tpu.memory_space<hbm>> -> memref<1x16x768xf32, #tpu.memory_space<hbm>>
    %dma_wait3A_1490 = tpu.memref_squeeze %dma_wait3A_1489 : memref<1x16x768xf32, #tpu.memory_space<hbm>> -> memref<16x768xf32, #tpu.memory_space<hbm>>
    tpu.wait_dma2 semaphore(%arg12 : memref<!tpu.dma_semaphore, #tpu.memory_space<semaphore_mem>>) src(%arg5 : memref<16x768xf32, #tpu.memory_space<vmem>>) dst(%dma_wait3A_1490 : memref<16x768xf32, #tpu.memory_space<hbm>>)
    %dma_wait3A_1491 = arith.constant 496 : i32
    %dma_wait3A_1492 = arith.constant 0 : i32
    %dma_wait3A_1493 = tpu.memref_slice %arg4[%select_n3A_575, %dma_wait3A_1491, %dma_wait3A_1492] : memref<128x576x768xf32, #tpu.memory_space<hbm>> -> memref<1x16x768xf32, #tpu.memory_space<hbm>>
    %dma_wait3A_1494 = tpu.memref_squeeze %dma_wait3A_1493 : memref<1x16x768xf32, #tpu.memory_space<hbm>> -> memref<16x768xf32, #tpu.memory_space<hbm>>
    %dma_wait3A_1495 = arith.constant 496 : i32
    %dma_wait3A_1496 = arith.constant 0 : i32
    %dma_wait3A_1497 = tpu.memref_slice %arg4[%select_n3A_575, %dma_wait3A_1495, %dma_wait3A_1496] : memref<128x576x768xf32, #tpu.memory_space<hbm>> -> memref<1x16x768xf32, #tpu.memory_space<hbm>>
    %dma_wait3A_1498 = tpu.memref_squeeze %dma_wait3A_1497 : memref<1x16x768xf32, #tpu.memory_space<hbm>> -> memref<16x768xf32, #tpu.memory_space<hbm>>
    tpu.wait_dma2 semaphore(%arg12 : memref<!tpu.dma_semaphore, #tpu.memory_space<semaphore_mem>>) src(%arg5 : memref<16x768xf32, #tpu.memory_space<vmem>>) dst(%dma_wait3A_1498 : memref<16x768xf32, #tpu.memory_space<hbm>>)
    %dma_wait3A_1499 = arith.constant 512 : i32
    %dma_wait3A_1500 = arith.constant 0 : i32
    %dma_wait3A_1501 = tpu.memref_slice %arg4[%select_n3A_575, %dma_wait3A_1499, %dma_wait3A_1500] : memref<128x576x768xf32, #tpu.memory_space<hbm>> -> memref<1x16x768xf32, #tpu.memory_space<hbm>>
    %dma_wait3A_1502 = tpu.memref_squeeze %dma_wait3A_1501 : memref<1x16x768xf32, #tpu.memory_space<hbm>> -> memref<16x768xf32, #tpu.memory_space<hbm>>
    %dma_wait3A_1503 = arith.constant 512 : i32
    %dma_wait3A_1504 = arith.constant 0 : i32
    %dma_wait3A_1505 = tpu.memref_slice %arg4[%select_n3A_575, %dma_wait3A_1503, %dma_wait3A_1504] : memref<128x576x768xf32, #tpu.memory_space<hbm>> -> memref<1x16x768xf32, #tpu.memory_space<hbm>>
    %dma_wait3A_1506 = tpu.memref_squeeze %dma_wait3A_1505 : memref<1x16x768xf32, #tpu.memory_space<hbm>> -> memref<16x768xf32, #tpu.memory_space<hbm>>
    tpu.wait_dma2 semaphore(%arg12 : memref<!tpu.dma_semaphore, #tpu.memory_space<semaphore_mem>>) src(%arg5 : memref<16x768xf32, #tpu.memory_space<vmem>>) dst(%dma_wait3A_1506 : memref<16x768xf32, #tpu.memory_space<hbm>>)
    %dma_wait3A_1507 = arith.constant 528 : i32
    %dma_wait3A_1508 = arith.constant 0 : i32
    %dma_wait3A_1509 = tpu.memref_slice %arg4[%select_n3A_575, %dma_wait3A_1507, %dma_wait3A_1508] : memref<128x576x768xf32, #tpu.memory_space<hbm>> -> memref<1x16x768xf32, #tpu.memory_space<hbm>>
    %dma_wait3A_1510 = tpu.memref_squeeze %dma_wait3A_1509 : memref<1x16x768xf32, #tpu.memory_space<hbm>> -> memref<16x768xf32, #tpu.memory_space<hbm>>
    %dma_wait3A_1511 = arith.constant 528 : i32
    %dma_wait3A_1512 = arith.constant 0 : i32
    %dma_wait3A_1513 = tpu.memref_slice %arg4[%select_n3A_575, %dma_wait3A_1511, %dma_wait3A_1512] : memref<128x576x768xf32, #tpu.memory_space<hbm>> -> memref<1x16x768xf32, #tpu.memory_space<hbm>>
    %dma_wait3A_1514 = tpu.memref_squeeze %dma_wait3A_1513 : memref<1x16x768xf32, #tpu.memory_space<hbm>> -> memref<16x768xf32, #tpu.memory_space<hbm>>
    tpu.wait_dma2 semaphore(%arg12 : memref<!tpu.dma_semaphore, #tpu.memory_space<semaphore_mem>>) src(%arg5 : memref<16x768xf32, #tpu.memory_space<vmem>>) dst(%dma_wait3A_1514 : memref<16x768xf32, #tpu.memory_space<hbm>>)
    %dma_wait3A_1515 = arith.constant 544 : i32
    %dma_wait3A_1516 = arith.constant 0 : i32
    %dma_wait3A_1517 = tpu.memref_slice %arg4[%select_n3A_575, %dma_wait3A_1515, %dma_wait3A_1516] : memref<128x576x768xf32, #tpu.memory_space<hbm>> -> memref<1x16x768xf32, #tpu.memory_space<hbm>>
    %dma_wait3A_1518 = tpu.memref_squeeze %dma_wait3A_1517 : memref<1x16x768xf32, #tpu.memory_space<hbm>> -> memref<16x768xf32, #tpu.memory_space<hbm>>
    %dma_wait3A_1519 = arith.constant 544 : i32
    %dma_wait3A_1520 = arith.constant 0 : i32
    %dma_wait3A_1521 = tpu.memref_slice %arg4[%select_n3A_575, %dma_wait3A_1519, %dma_wait3A_1520] : memref<128x576x768xf32, #tpu.memory_space<hbm>> -> memref<1x16x768xf32, #tpu.memory_space<hbm>>
    %dma_wait3A_1522 = tpu.memref_squeeze %dma_wait3A_1521 : memref<1x16x768xf32, #tpu.memory_space<hbm>> -> memref<16x768xf32, #tpu.memory_space<hbm>>
    tpu.wait_dma2 semaphore(%arg12 : memref<!tpu.dma_semaphore, #tpu.memory_space<semaphore_mem>>) src(%arg5 : memref<16x768xf32, #tpu.memory_space<vmem>>) dst(%dma_wait3A_1522 : memref<16x768xf32, #tpu.memory_space<hbm>>)
    %dma_wait3A_1523 = arith.constant 560 : i32
    %dma_wait3A_1524 = arith.constant 0 : i32
    %dma_wait3A_1525 = tpu.memref_slice %arg4[%select_n3A_575, %dma_wait3A_1523, %dma_wait3A_1524] : memref<128x576x768xf32, #tpu.memory_space<hbm>> -> memref<1x16x768xf32, #tpu.memory_space<hbm>>
    %dma_wait3A_1526 = tpu.memref_squeeze %dma_wait3A_1525 : memref<1x16x768xf32, #tpu.memory_space<hbm>> -> memref<16x768xf32, #tpu.memory_space<hbm>>
    %dma_wait3A_1527 = arith.constant 560 : i32
    %dma_wait3A_1528 = arith.constant 0 : i32
    %dma_wait3A_1529 = tpu.memref_slice %arg4[%select_n3A_575, %dma_wait3A_1527, %dma_wait3A_1528] : memref<128x576x768xf32, #tpu.memory_space<hbm>> -> memref<1x16x768xf32, #tpu.memory_space<hbm>>
    %dma_wait3A_1530 = tpu.memref_squeeze %dma_wait3A_1529 : memref<1x16x768xf32, #tpu.memory_space<hbm>> -> memref<16x768xf32, #tpu.memory_space<hbm>>
    tpu.wait_dma2 semaphore(%arg12 : memref<!tpu.dma_semaphore, #tpu.memory_space<semaphore_mem>>) src(%arg5 : memref<16x768xf32, #tpu.memory_space<vmem>>) dst(%dma_wait3A_1530 : memref<16x768xf32, #tpu.memory_space<hbm>>)
    %eq3A_1531 = arith.constant 0 : i32
    %eq3A_1532 = arith.cmpi eq, %select_n3A_720, %eq3A_1531 : i32
    %convert_element_type3A_1533 = arith.extui %eq3A_1532 : i1 to i32
    %cond3A_1534 = arith.constant 0 : i32
    %cond3A_1535 = arith.cmpi ne, %convert_element_type3A_1533, %cond3A_1534 : i32
    scf.if %cond3A_1535 {
      %dma_wait3A_1536 = arith.constant 0 : i32
      %dma_wait3A_1537 = arith.constant 0 : i32
      %dma_wait3A_1538 = tpu.memref_slice %arg4[%select_n3A_430, %dma_wait3A_1536, %dma_wait3A_1537] : memref<128x576x768xf32, #tpu.memory_space<hbm>> -> memref<1x16x768xf32, #tpu.memory_space<hbm>>
      %dma_wait3A_1539 = tpu.memref_squeeze %dma_wait3A_1538 : memref<1x16x768xf32, #tpu.memory_space<hbm>> -> memref<16x768xf32, #tpu.memory_space<hbm>>
      %dma_wait3A_1540 = arith.constant 0 : i32
      %dma_wait3A_1541 = arith.constant 0 : i32
      %dma_wait3A_1542 = tpu.memref_slice %arg4[%select_n3A_430, %dma_wait3A_1540, %dma_wait3A_1541] : memref<128x576x768xf32, #tpu.memory_space<hbm>> -> memref<1x16x768xf32, #tpu.memory_space<hbm>>
      %dma_wait3A_1543 = tpu.memref_squeeze %dma_wait3A_1542 : memref<1x16x768xf32, #tpu.memory_space<hbm>> -> memref<16x768xf32, #tpu.memory_space<hbm>>
      tpu.wait_dma2 semaphore(%arg12 : memref<!tpu.dma_semaphore, #tpu.memory_space<semaphore_mem>>) src(%arg5 : memref<16x768xf32, #tpu.memory_space<vmem>>) dst(%dma_wait3A_1543 : memref<16x768xf32, #tpu.memory_space<hbm>>)
      %dma_wait3A_1544 = arith.constant 16 : i32
      %dma_wait3A_1545 = arith.constant 0 : i32
      %dma_wait3A_1546 = tpu.memref_slice %arg4[%select_n3A_430, %dma_wait3A_1544, %dma_wait3A_1545] : memref<128x576x768xf32, #tpu.memory_space<hbm>> -> memref<1x16x768xf32, #tpu.memory_space<hbm>>
      %dma_wait3A_1547 = tpu.memref_squeeze %dma_wait3A_1546 : memref<1x16x768xf32, #tpu.memory_space<hbm>> -> memref<16x768xf32, #tpu.memory_space<hbm>>
      %dma_wait3A_1548 = arith.constant 16 : i32
      %dma_wait3A_1549 = arith.constant 0 : i32
      %dma_wait3A_1550 = tpu.memref_slice %arg4[%select_n3A_430, %dma_wait3A_1548, %dma_wait3A_1549] : memref<128x576x768xf32, #tpu.memory_space<hbm>> -> memref<1x16x768xf32, #tpu.memory_space<hbm>>
      %dma_wait3A_1551 = tpu.memref_squeeze %dma_wait3A_1550 : memref<1x16x768xf32, #tpu.memory_space<hbm>> -> memref<16x768xf32, #tpu.memory_space<hbm>>
      tpu.wait_dma2 semaphore(%arg12 : memref<!tpu.dma_semaphore, #tpu.memory_space<semaphore_mem>>) src(%arg5 : memref<16x768xf32, #tpu.memory_space<vmem>>) dst(%dma_wait3A_1551 : memref<16x768xf32, #tpu.memory_space<hbm>>)
      %dma_wait3A_1552 = arith.constant 32 : i32
      %dma_wait3A_1553 = arith.constant 0 : i32
      %dma_wait3A_1554 = tpu.memref_slice %arg4[%select_n3A_430, %dma_wait3A_1552, %dma_wait3A_1553] : memref<128x576x768xf32, #tpu.memory_space<hbm>> -> memref<1x16x768xf32, #tpu.memory_space<hbm>>
      %dma_wait3A_1555 = tpu.memref_squeeze %dma_wait3A_1554 : memref<1x16x768xf32, #tpu.memory_space<hbm>> -> memref<16x768xf32, #tpu.memory_space<hbm>>
      %dma_wait3A_1556 = arith.constant 32 : i32
      %dma_wait3A_1557 = arith.constant 0 : i32
      %dma_wait3A_1558 = tpu.memref_slice %arg4[%select_n3A_430, %dma_wait3A_1556, %dma_wait3A_1557] : memref<128x576x768xf32, #tpu.memory_space<hbm>> -> memref<1x16x768xf32, #tpu.memory_space<hbm>>
      %dma_wait3A_1559 = tpu.memref_squeeze %dma_wait3A_1558 : memref<1x16x768xf32, #tpu.memory_space<hbm>> -> memref<16x768xf32, #tpu.memory_space<hbm>>
      tpu.wait_dma2 semaphore(%arg12 : memref<!tpu.dma_semaphore, #tpu.memory_space<semaphore_mem>>) src(%arg5 : memref<16x768xf32, #tpu.memory_space<vmem>>) dst(%dma_wait3A_1559 : memref<16x768xf32, #tpu.memory_space<hbm>>)
      %dma_wait3A_1560 = arith.constant 48 : i32
      %dma_wait3A_1561 = arith.constant 0 : i32
      %dma_wait3A_1562 = tpu.memref_slice %arg4[%select_n3A_430, %dma_wait3A_1560, %dma_wait3A_1561] : memref<128x576x768xf32, #tpu.memory_space<hbm>> -> memref<1x16x768xf32, #tpu.memory_space<hbm>>
      %dma_wait3A_1563 = tpu.memref_squeeze %dma_wait3A_1562 : memref<1x16x768xf32, #tpu.memory_space<hbm>> -> memref<16x768xf32, #tpu.memory_space<hbm>>
      %dma_wait3A_1564 = arith.constant 48 : i32
      %dma_wait3A_1565 = arith.constant 0 : i32
      %dma_wait3A_1566 = tpu.memref_slice %arg4[%select_n3A_430, %dma_wait3A_1564, %dma_wait3A_1565] : memref<128x576x768xf32, #tpu.memory_space<hbm>> -> memref<1x16x768xf32, #tpu.memory_space<hbm>>
      %dma_wait3A_1567 = tpu.memref_squeeze %dma_wait3A_1566 : memref<1x16x768xf32, #tpu.memory_space<hbm>> -> memref<16x768xf32, #tpu.memory_space<hbm>>
      tpu.wait_dma2 semaphore(%arg12 : memref<!tpu.dma_semaphore, #tpu.memory_space<semaphore_mem>>) src(%arg5 : memref<16x768xf32, #tpu.memory_space<vmem>>) dst(%dma_wait3A_1567 : memref<16x768xf32, #tpu.memory_space<hbm>>)
      %dma_wait3A_1568 = arith.constant 64 : i32
      %dma_wait3A_1569 = arith.constant 0 : i32
      %dma_wait3A_1570 = tpu.memref_slice %arg4[%select_n3A_430, %dma_wait3A_1568, %dma_wait3A_1569] : memref<128x576x768xf32, #tpu.memory_space<hbm>> -> memref<1x16x768xf32, #tpu.memory_space<hbm>>
      %dma_wait3A_1571 = tpu.memref_squeeze %dma_wait3A_1570 : memref<1x16x768xf32, #tpu.memory_space<hbm>> -> memref<16x768xf32, #tpu.memory_space<hbm>>
      %dma_wait3A_1572 = arith.constant 64 : i32
      %dma_wait3A_1573 = arith.constant 0 : i32
      %dma_wait3A_1574 = tpu.memref_slice %arg4[%select_n3A_430, %dma_wait3A_1572, %dma_wait3A_1573] : memref<128x576x768xf32, #tpu.memory_space<hbm>> -> memref<1x16x768xf32, #tpu.memory_space<hbm>>
      %dma_wait3A_1575 = tpu.memref_squeeze %dma_wait3A_1574 : memref<1x16x768xf32, #tpu.memory_space<hbm>> -> memref<16x768xf32, #tpu.memory_space<hbm>>
      tpu.wait_dma2 semaphore(%arg12 : memref<!tpu.dma_semaphore, #tpu.memory_space<semaphore_mem>>) src(%arg5 : memref<16x768xf32, #tpu.memory_space<vmem>>) dst(%dma_wait3A_1575 : memref<16x768xf32, #tpu.memory_space<hbm>>)
      %dma_wait3A_1576 = arith.constant 80 : i32
      %dma_wait3A_1577 = arith.constant 0 : i32
      %dma_wait3A_1578 = tpu.memref_slice %arg4[%select_n3A_430, %dma_wait3A_1576, %dma_wait3A_1577] : memref<128x576x768xf32, #tpu.memory_space<hbm>> -> memref<1x16x768xf32, #tpu.memory_space<hbm>>
      %dma_wait3A_1579 = tpu.memref_squeeze %dma_wait3A_1578 : memref<1x16x768xf32, #tpu.memory_space<hbm>> -> memref<16x768xf32, #tpu.memory_space<hbm>>
      %dma_wait3A_1580 = arith.constant 80 : i32
      %dma_wait3A_1581 = arith.constant 0 : i32
      %dma_wait3A_1582 = tpu.memref_slice %arg4[%select_n3A_430, %dma_wait3A_1580, %dma_wait3A_1581] : memref<128x576x768xf32, #tpu.memory_space<hbm>> -> memref<1x16x768xf32, #tpu.memory_space<hbm>>
      %dma_wait3A_1583 = tpu.memref_squeeze %dma_wait3A_1582 : memref<1x16x768xf32, #tpu.memory_space<hbm>> -> memref<16x768xf32, #tpu.memory_space<hbm>>
      tpu.wait_dma2 semaphore(%arg12 : memref<!tpu.dma_semaphore, #tpu.memory_space<semaphore_mem>>) src(%arg5 : memref<16x768xf32, #tpu.memory_space<vmem>>) dst(%dma_wait3A_1583 : memref<16x768xf32, #tpu.memory_space<hbm>>)
      %dma_wait3A_1584 = arith.constant 96 : i32
      %dma_wait3A_1585 = arith.constant 0 : i32
      %dma_wait3A_1586 = tpu.memref_slice %arg4[%select_n3A_430, %dma_wait3A_1584, %dma_wait3A_1585] : memref<128x576x768xf32, #tpu.memory_space<hbm>> -> memref<1x16x768xf32, #tpu.memory_space<hbm>>
      %dma_wait3A_1587 = tpu.memref_squeeze %dma_wait3A_1586 : memref<1x16x768xf32, #tpu.memory_space<hbm>> -> memref<16x768xf32, #tpu.memory_space<hbm>>
      %dma_wait3A_1588 = arith.constant 96 : i32
      %dma_wait3A_1589 = arith.constant 0 : i32
      %dma_wait3A_1590 = tpu.memref_slice %arg4[%select_n3A_430, %dma_wait3A_1588, %dma_wait3A_1589] : memref<128x576x768xf32, #tpu.memory_space<hbm>> -> memref<1x16x768xf32, #tpu.memory_space<hbm>>
      %dma_wait3A_1591 = tpu.memref_squeeze %dma_wait3A_1590 : memref<1x16x768xf32, #tpu.memory_space<hbm>> -> memref<16x768xf32, #tpu.memory_space<hbm>>
      tpu.wait_dma2 semaphore(%arg12 : memref<!tpu.dma_semaphore, #tpu.memory_space<semaphore_mem>>) src(%arg5 : memref<16x768xf32, #tpu.memory_space<vmem>>) dst(%dma_wait3A_1591 : memref<16x768xf32, #tpu.memory_space<hbm>>)
      %dma_wait3A_1592 = arith.constant 112 : i32
      %dma_wait3A_1593 = arith.constant 0 : i32
      %dma_wait3A_1594 = tpu.memref_slice %arg4[%select_n3A_430, %dma_wait3A_1592, %dma_wait3A_1593] : memref<128x576x768xf32, #tpu.memory_space<hbm>> -> memref<1x16x768xf32, #tpu.memory_space<hbm>>
      %dma_wait3A_1595 = tpu.memref_squeeze %dma_wait3A_1594 : memref<1x16x768xf32, #tpu.memory_space<hbm>> -> memref<16x768xf32, #tpu.memory_space<hbm>>
      %dma_wait3A_1596 = arith.constant 112 : i32
      %dma_wait3A_1597 = arith.constant 0 : i32
      %dma_wait3A_1598 = tpu.memref_slice %arg4[%select_n3A_430, %dma_wait3A_1596, %dma_wait3A_1597] : memref<128x576x768xf32, #tpu.memory_space<hbm>> -> memref<1x16x768xf32, #tpu.memory_space<hbm>>
      %dma_wait3A_1599 = tpu.memref_squeeze %dma_wait3A_1598 : memref<1x16x768xf32, #tpu.memory_space<hbm>> -> memref<16x768xf32, #tpu.memory_space<hbm>>
      tpu.wait_dma2 semaphore(%arg12 : memref<!tpu.dma_semaphore, #tpu.memory_space<semaphore_mem>>) src(%arg5 : memref<16x768xf32, #tpu.memory_space<vmem>>) dst(%dma_wait3A_1599 : memref<16x768xf32, #tpu.memory_space<hbm>>)
      %dma_wait3A_1600 = arith.constant 128 : i32
      %dma_wait3A_1601 = arith.constant 0 : i32
      %dma_wait3A_1602 = tpu.memref_slice %arg4[%select_n3A_430, %dma_wait3A_1600, %dma_wait3A_1601] : memref<128x576x768xf32, #tpu.memory_space<hbm>> -> memref<1x16x768xf32, #tpu.memory_space<hbm>>
      %dma_wait3A_1603 = tpu.memref_squeeze %dma_wait3A_1602 : memref<1x16x768xf32, #tpu.memory_space<hbm>> -> memref<16x768xf32, #tpu.memory_space<hbm>>
      %dma_wait3A_1604 = arith.constant 128 : i32
      %dma_wait3A_1605 = arith.constant 0 : i32
      %dma_wait3A_1606 = tpu.memref_slice %arg4[%select_n3A_430, %dma_wait3A_1604, %dma_wait3A_1605] : memref<128x576x768xf32, #tpu.memory_space<hbm>> -> memref<1x16x768xf32, #tpu.memory_space<hbm>>
      %dma_wait3A_1607 = tpu.memref_squeeze %dma_wait3A_1606 : memref<1x16x768xf32, #tpu.memory_space<hbm>> -> memref<16x768xf32, #tpu.memory_space<hbm>>
      tpu.wait_dma2 semaphore(%arg12 : memref<!tpu.dma_semaphore, #tpu.memory_space<semaphore_mem>>) src(%arg5 : memref<16x768xf32, #tpu.memory_space<vmem>>) dst(%dma_wait3A_1607 : memref<16x768xf32, #tpu.memory_space<hbm>>)
      %dma_wait3A_1608 = arith.constant 144 : i32
      %dma_wait3A_1609 = arith.constant 0 : i32
      %dma_wait3A_1610 = tpu.memref_slice %arg4[%select_n3A_430, %dma_wait3A_1608, %dma_wait3A_1609] : memref<128x576x768xf32, #tpu.memory_space<hbm>> -> memref<1x16x768xf32, #tpu.memory_space<hbm>>
      %dma_wait3A_1611 = tpu.memref_squeeze %dma_wait3A_1610 : memref<1x16x768xf32, #tpu.memory_space<hbm>> -> memref<16x768xf32, #tpu.memory_space<hbm>>
      %dma_wait3A_1612 = arith.constant 144 : i32
      %dma_wait3A_1613 = arith.constant 0 : i32
      %dma_wait3A_1614 = tpu.memref_slice %arg4[%select_n3A_430, %dma_wait3A_1612, %dma_wait3A_1613] : memref<128x576x768xf32, #tpu.memory_space<hbm>> -> memref<1x16x768xf32, #tpu.memory_space<hbm>>
      %dma_wait3A_1615 = tpu.memref_squeeze %dma_wait3A_1614 : memref<1x16x768xf32, #tpu.memory_space<hbm>> -> memref<16x768xf32, #tpu.memory_space<hbm>>
      tpu.wait_dma2 semaphore(%arg12 : memref<!tpu.dma_semaphore, #tpu.memory_space<semaphore_mem>>) src(%arg5 : memref<16x768xf32, #tpu.memory_space<vmem>>) dst(%dma_wait3A_1615 : memref<16x768xf32, #tpu.memory_space<hbm>>)
      %dma_wait3A_1616 = arith.constant 160 : i32
      %dma_wait3A_1617 = arith.constant 0 : i32
      %dma_wait3A_1618 = tpu.memref_slice %arg4[%select_n3A_430, %dma_wait3A_1616, %dma_wait3A_1617] : memref<128x576x768xf32, #tpu.memory_space<hbm>> -> memref<1x16x768xf32, #tpu.memory_space<hbm>>
      %dma_wait3A_1619 = tpu.memref_squeeze %dma_wait3A_1618 : memref<1x16x768xf32, #tpu.memory_space<hbm>> -> memref<16x768xf32, #tpu.memory_space<hbm>>
      %dma_wait3A_1620 = arith.constant 160 : i32
      %dma_wait3A_1621 = arith.constant 0 : i32
      %dma_wait3A_1622 = tpu.memref_slice %arg4[%select_n3A_430, %dma_wait3A_1620, %dma_wait3A_1621] : memref<128x576x768xf32, #tpu.memory_space<hbm>> -> memref<1x16x768xf32, #tpu.memory_space<hbm>>
      %dma_wait3A_1623 = tpu.memref_squeeze %dma_wait3A_1622 : memref<1x16x768xf32, #tpu.memory_space<hbm>> -> memref<16x768xf32, #tpu.memory_space<hbm>>
      tpu.wait_dma2 semaphore(%arg12 : memref<!tpu.dma_semaphore, #tpu.memory_space<semaphore_mem>>) src(%arg5 : memref<16x768xf32, #tpu.memory_space<vmem>>) dst(%dma_wait3A_1623 : memref<16x768xf32, #tpu.memory_space<hbm>>)
      %dma_wait3A_1624 = arith.constant 176 : i32
      %dma_wait3A_1625 = arith.constant 0 : i32
      %dma_wait3A_1626 = tpu.memref_slice %arg4[%select_n3A_430, %dma_wait3A_1624, %dma_wait3A_1625] : memref<128x576x768xf32, #tpu.memory_space<hbm>> -> memref<1x16x768xf32, #tpu.memory_space<hbm>>
      %dma_wait3A_1627 = tpu.memref_squeeze %dma_wait3A_1626 : memref<1x16x768xf32, #tpu.memory_space<hbm>> -> memref<16x768xf32, #tpu.memory_space<hbm>>
      %dma_wait3A_1628 = arith.constant 176 : i32
      %dma_wait3A_1629 = arith.constant 0 : i32
      %dma_wait3A_1630 = tpu.memref_slice %arg4[%select_n3A_430, %dma_wait3A_1628, %dma_wait3A_1629] : memref<128x576x768xf32, #tpu.memory_space<hbm>> -> memref<1x16x768xf32, #tpu.memory_space<hbm>>
      %dma_wait3A_1631 = tpu.memref_squeeze %dma_wait3A_1630 : memref<1x16x768xf32, #tpu.memory_space<hbm>> -> memref<16x768xf32, #tpu.memory_space<hbm>>
      tpu.wait_dma2 semaphore(%arg12 : memref<!tpu.dma_semaphore, #tpu.memory_space<semaphore_mem>>) src(%arg5 : memref<16x768xf32, #tpu.memory_space<vmem>>) dst(%dma_wait3A_1631 : memref<16x768xf32, #tpu.memory_space<hbm>>)
      %dma_wait3A_1632 = arith.constant 192 : i32
      %dma_wait3A_1633 = arith.constant 0 : i32
      %dma_wait3A_1634 = tpu.memref_slice %arg4[%select_n3A_430, %dma_wait3A_1632, %dma_wait3A_1633] : memref<128x576x768xf32, #tpu.memory_space<hbm>> -> memref<1x16x768xf32, #tpu.memory_space<hbm>>
      %dma_wait3A_1635 = tpu.memref_squeeze %dma_wait3A_1634 : memref<1x16x768xf32, #tpu.memory_space<hbm>> -> memref<16x768xf32, #tpu.memory_space<hbm>>
      %dma_wait3A_1636 = arith.constant 192 : i32
      %dma_wait3A_1637 = arith.constant 0 : i32
      %dma_wait3A_1638 = tpu.memref_slice %arg4[%select_n3A_430, %dma_wait3A_1636, %dma_wait3A_1637] : memref<128x576x768xf32, #tpu.memory_space<hbm>> -> memref<1x16x768xf32, #tpu.memory_space<hbm>>
      %dma_wait3A_1639 = tpu.memref_squeeze %dma_wait3A_1638 : memref<1x16x768xf32, #tpu.memory_space<hbm>> -> memref<16x768xf32, #tpu.memory_space<hbm>>
      tpu.wait_dma2 semaphore(%arg12 : memref<!tpu.dma_semaphore, #tpu.memory_space<semaphore_mem>>) src(%arg5 : memref<16x768xf32, #tpu.memory_space<vmem>>) dst(%dma_wait3A_1639 : memref<16x768xf32, #tpu.memory_space<hbm>>)
      %dma_wait3A_1640 = arith.constant 208 : i32
      %dma_wait3A_1641 = arith.constant 0 : i32
      %dma_wait3A_1642 = tpu.memref_slice %arg4[%select_n3A_430, %dma_wait3A_1640, %dma_wait3A_1641] : memref<128x576x768xf32, #tpu.memory_space<hbm>> -> memref<1x16x768xf32, #tpu.memory_space<hbm>>
      %dma_wait3A_1643 = tpu.memref_squeeze %dma_wait3A_1642 : memref<1x16x768xf32, #tpu.memory_space<hbm>> -> memref<16x768xf32, #tpu.memory_space<hbm>>
      %dma_wait3A_1644 = arith.constant 208 : i32
      %dma_wait3A_1645 = arith.constant 0 : i32
      %dma_wait3A_1646 = tpu.memref_slice %arg4[%select_n3A_430, %dma_wait3A_1644, %dma_wait3A_1645] : memref<128x576x768xf32, #tpu.memory_space<hbm>> -> memref<1x16x768xf32, #tpu.memory_space<hbm>>
      %dma_wait3A_1647 = tpu.memref_squeeze %dma_wait3A_1646 : memref<1x16x768xf32, #tpu.memory_space<hbm>> -> memref<16x768xf32, #tpu.memory_space<hbm>>
      tpu.wait_dma2 semaphore(%arg12 : memref<!tpu.dma_semaphore, #tpu.memory_space<semaphore_mem>>) src(%arg5 : memref<16x768xf32, #tpu.memory_space<vmem>>) dst(%dma_wait3A_1647 : memref<16x768xf32, #tpu.memory_space<hbm>>)
      %dma_wait3A_1648 = arith.constant 224 : i32
      %dma_wait3A_1649 = arith.constant 0 : i32
      %dma_wait3A_1650 = tpu.memref_slice %arg4[%select_n3A_430, %dma_wait3A_1648, %dma_wait3A_1649] : memref<128x576x768xf32, #tpu.memory_space<hbm>> -> memref<1x16x768xf32, #tpu.memory_space<hbm>>
      %dma_wait3A_1651 = tpu.memref_squeeze %dma_wait3A_1650 : memref<1x16x768xf32, #tpu.memory_space<hbm>> -> memref<16x768xf32, #tpu.memory_space<hbm>>
      %dma_wait3A_1652 = arith.constant 224 : i32
      %dma_wait3A_1653 = arith.constant 0 : i32
      %dma_wait3A_1654 = tpu.memref_slice %arg4[%select_n3A_430, %dma_wait3A_1652, %dma_wait3A_1653] : memref<128x576x768xf32, #tpu.memory_space<hbm>> -> memref<1x16x768xf32, #tpu.memory_space<hbm>>
      %dma_wait3A_1655 = tpu.memref_squeeze %dma_wait3A_1654 : memref<1x16x768xf32, #tpu.memory_space<hbm>> -> memref<16x768xf32, #tpu.memory_space<hbm>>
      tpu.wait_dma2 semaphore(%arg12 : memref<!tpu.dma_semaphore, #tpu.memory_space<semaphore_mem>>) src(%arg5 : memref<16x768xf32, #tpu.memory_space<vmem>>) dst(%dma_wait3A_1655 : memref<16x768xf32, #tpu.memory_space<hbm>>)
      %dma_wait3A_1656 = arith.constant 240 : i32
      %dma_wait3A_1657 = arith.constant 0 : i32
      %dma_wait3A_1658 = tpu.memref_slice %arg4[%select_n3A_430, %dma_wait3A_1656, %dma_wait3A_1657] : memref<128x576x768xf32, #tpu.memory_space<hbm>> -> memref<1x16x768xf32, #tpu.memory_space<hbm>>
      %dma_wait3A_1659 = tpu.memref_squeeze %dma_wait3A_1658 : memref<1x16x768xf32, #tpu.memory_space<hbm>> -> memref<16x768xf32, #tpu.memory_space<hbm>>
      %dma_wait3A_1660 = arith.constant 240 : i32
      %dma_wait3A_1661 = arith.constant 0 : i32
      %dma_wait3A_1662 = tpu.memref_slice %arg4[%select_n3A_430, %dma_wait3A_1660, %dma_wait3A_1661] : memref<128x576x768xf32, #tpu.memory_space<hbm>> -> memref<1x16x768xf32, #tpu.memory_space<hbm>>
      %dma_wait3A_1663 = tpu.memref_squeeze %dma_wait3A_1662 : memref<1x16x768xf32, #tpu.memory_space<hbm>> -> memref<16x768xf32, #tpu.memory_space<hbm>>
      tpu.wait_dma2 semaphore(%arg12 : memref<!tpu.dma_semaphore, #tpu.memory_space<semaphore_mem>>) src(%arg5 : memref<16x768xf32, #tpu.memory_space<vmem>>) dst(%dma_wait3A_1663 : memref<16x768xf32, #tpu.memory_space<hbm>>)
      %dma_wait3A_1664 = arith.constant 256 : i32
      %dma_wait3A_1665 = arith.constant 0 : i32
      %dma_wait3A_1666 = tpu.memref_slice %arg4[%select_n3A_430, %dma_wait3A_1664, %dma_wait3A_1665] : memref<128x576x768xf32, #tpu.memory_space<hbm>> -> memref<1x16x768xf32, #tpu.memory_space<hbm>>
      %dma_wait3A_1667 = tpu.memref_squeeze %dma_wait3A_1666 : memref<1x16x768xf32, #tpu.memory_space<hbm>> -> memref<16x768xf32, #tpu.memory_space<hbm>>
      %dma_wait3A_1668 = arith.constant 256 : i32
      %dma_wait3A_1669 = arith.constant 0 : i32
      %dma_wait3A_1670 = tpu.memref_slice %arg4[%select_n3A_430, %dma_wait3A_1668, %dma_wait3A_1669] : memref<128x576x768xf32, #tpu.memory_space<hbm>> -> memref<1x16x768xf32, #tpu.memory_space<hbm>>
      %dma_wait3A_1671 = tpu.memref_squeeze %dma_wait3A_1670 : memref<1x16x768xf32, #tpu.memory_space<hbm>> -> memref<16x768xf32, #tpu.memory_space<hbm>>
      tpu.wait_dma2 semaphore(%arg12 : memref<!tpu.dma_semaphore, #tpu.memory_space<semaphore_mem>>) src(%arg5 : memref<16x768xf32, #tpu.memory_space<vmem>>) dst(%dma_wait3A_1671 : memref<16x768xf32, #tpu.memory_space<hbm>>)
      %dma_wait3A_1672 = arith.constant 272 : i32
      %dma_wait3A_1673 = arith.constant 0 : i32
      %dma_wait3A_1674 = tpu.memref_slice %arg4[%select_n3A_430, %dma_wait3A_1672, %dma_wait3A_1673] : memref<128x576x768xf32, #tpu.memory_space<hbm>> -> memref<1x16x768xf32, #tpu.memory_space<hbm>>
      %dma_wait3A_1675 = tpu.memref_squeeze %dma_wait3A_1674 : memref<1x16x768xf32, #tpu.memory_space<hbm>> -> memref<16x768xf32, #tpu.memory_space<hbm>>
      %dma_wait3A_1676 = arith.constant 272 : i32
      %dma_wait3A_1677 = arith.constant 0 : i32
      %dma_wait3A_1678 = tpu.memref_slice %arg4[%select_n3A_430, %dma_wait3A_1676, %dma_wait3A_1677] : memref<128x576x768xf32, #tpu.memory_space<hbm>> -> memref<1x16x768xf32, #tpu.memory_space<hbm>>
      %dma_wait3A_1679 = tpu.memref_squeeze %dma_wait3A_1678 : memref<1x16x768xf32, #tpu.memory_space<hbm>> -> memref<16x768xf32, #tpu.memory_space<hbm>>
      tpu.wait_dma2 semaphore(%arg12 : memref<!tpu.dma_semaphore, #tpu.memory_space<semaphore_mem>>) src(%arg5 : memref<16x768xf32, #tpu.memory_space<vmem>>) dst(%dma_wait3A_1679 : memref<16x768xf32, #tpu.memory_space<hbm>>)
      %dma_wait3A_1680 = arith.constant 288 : i32
      %dma_wait3A_1681 = arith.constant 0 : i32
      %dma_wait3A_1682 = tpu.memref_slice %arg4[%select_n3A_430, %dma_wait3A_1680, %dma_wait3A_1681] : memref<128x576x768xf32, #tpu.memory_space<hbm>> -> memref<1x16x768xf32, #tpu.memory_space<hbm>>
      %dma_wait3A_1683 = tpu.memref_squeeze %dma_wait3A_1682 : memref<1x16x768xf32, #tpu.memory_space<hbm>> -> memref<16x768xf32, #tpu.memory_space<hbm>>
      %dma_wait3A_1684 = arith.constant 288 : i32
      %dma_wait3A_1685 = arith.constant 0 : i32
      %dma_wait3A_1686 = tpu.memref_slice %arg4[%select_n3A_430, %dma_wait3A_1684, %dma_wait3A_1685] : memref<128x576x768xf32, #tpu.memory_space<hbm>> -> memref<1x16x768xf32, #tpu.memory_space<hbm>>
      %dma_wait3A_1687 = tpu.memref_squeeze %dma_wait3A_1686 : memref<1x16x768xf32, #tpu.memory_space<hbm>> -> memref<16x768xf32, #tpu.memory_space<hbm>>
      tpu.wait_dma2 semaphore(%arg12 : memref<!tpu.dma_semaphore, #tpu.memory_space<semaphore_mem>>) src(%arg5 : memref<16x768xf32, #tpu.memory_space<vmem>>) dst(%dma_wait3A_1687 : memref<16x768xf32, #tpu.memory_space<hbm>>)
      %dma_wait3A_1688 = arith.constant 304 : i32
      %dma_wait3A_1689 = arith.constant 0 : i32
      %dma_wait3A_1690 = tpu.memref_slice %arg4[%select_n3A_430, %dma_wait3A_1688, %dma_wait3A_1689] : memref<128x576x768xf32, #tpu.memory_space<hbm>> -> memref<1x16x768xf32, #tpu.memory_space<hbm>>
      %dma_wait3A_1691 = tpu.memref_squeeze %dma_wait3A_1690 : memref<1x16x768xf32, #tpu.memory_space<hbm>> -> memref<16x768xf32, #tpu.memory_space<hbm>>
      %dma_wait3A_1692 = arith.constant 304 : i32
      %dma_wait3A_1693 = arith.constant 0 : i32
      %dma_wait3A_1694 = tpu.memref_slice %arg4[%select_n3A_430, %dma_wait3A_1692, %dma_wait3A_1693] : memref<128x576x768xf32, #tpu.memory_space<hbm>> -> memref<1x16x768xf32, #tpu.memory_space<hbm>>
      %dma_wait3A_1695 = tpu.memref_squeeze %dma_wait3A_1694 : memref<1x16x768xf32, #tpu.memory_space<hbm>> -> memref<16x768xf32, #tpu.memory_space<hbm>>
      tpu.wait_dma2 semaphore(%arg12 : memref<!tpu.dma_semaphore, #tpu.memory_space<semaphore_mem>>) src(%arg5 : memref<16x768xf32, #tpu.memory_space<vmem>>) dst(%dma_wait3A_1695 : memref<16x768xf32, #tpu.memory_space<hbm>>)
      %dma_wait3A_1696 = arith.constant 320 : i32
      %dma_wait3A_1697 = arith.constant 0 : i32
      %dma_wait3A_1698 = tpu.memref_slice %arg4[%select_n3A_430, %dma_wait3A_1696, %dma_wait3A_1697] : memref<128x576x768xf32, #tpu.memory_space<hbm>> -> memref<1x16x768xf32, #tpu.memory_space<hbm>>
      %dma_wait3A_1699 = tpu.memref_squeeze %dma_wait3A_1698 : memref<1x16x768xf32, #tpu.memory_space<hbm>> -> memref<16x768xf32, #tpu.memory_space<hbm>>
      %dma_wait3A_1700 = arith.constant 320 : i32
      %dma_wait3A_1701 = arith.constant 0 : i32
      %dma_wait3A_1702 = tpu.memref_slice %arg4[%select_n3A_430, %dma_wait3A_1700, %dma_wait3A_1701] : memref<128x576x768xf32, #tpu.memory_space<hbm>> -> memref<1x16x768xf32, #tpu.memory_space<hbm>>
      %dma_wait3A_1703 = tpu.memref_squeeze %dma_wait3A_1702 : memref<1x16x768xf32, #tpu.memory_space<hbm>> -> memref<16x768xf32, #tpu.memory_space<hbm>>
      tpu.wait_dma2 semaphore(%arg12 : memref<!tpu.dma_semaphore, #tpu.memory_space<semaphore_mem>>) src(%arg5 : memref<16x768xf32, #tpu.memory_space<vmem>>) dst(%dma_wait3A_1703 : memref<16x768xf32, #tpu.memory_space<hbm>>)
      %dma_wait3A_1704 = arith.constant 336 : i32
      %dma_wait3A_1705 = arith.constant 0 : i32
      %dma_wait3A_1706 = tpu.memref_slice %arg4[%select_n3A_430, %dma_wait3A_1704, %dma_wait3A_1705] : memref<128x576x768xf32, #tpu.memory_space<hbm>> -> memref<1x16x768xf32, #tpu.memory_space<hbm>>
      %dma_wait3A_1707 = tpu.memref_squeeze %dma_wait3A_1706 : memref<1x16x768xf32, #tpu.memory_space<hbm>> -> memref<16x768xf32, #tpu.memory_space<hbm>>
      %dma_wait3A_1708 = arith.constant 336 : i32
      %dma_wait3A_1709 = arith.constant 0 : i32
      %dma_wait3A_1710 = tpu.memref_slice %arg4[%select_n3A_430, %dma_wait3A_1708, %dma_wait3A_1709] : memref<128x576x768xf32, #tpu.memory_space<hbm>> -> memref<1x16x768xf32, #tpu.memory_space<hbm>>
      %dma_wait3A_1711 = tpu.memref_squeeze %dma_wait3A_1710 : memref<1x16x768xf32, #tpu.memory_space<hbm>> -> memref<16x768xf32, #tpu.memory_space<hbm>>
      tpu.wait_dma2 semaphore(%arg12 : memref<!tpu.dma_semaphore, #tpu.memory_space<semaphore_mem>>) src(%arg5 : memref<16x768xf32, #tpu.memory_space<vmem>>) dst(%dma_wait3A_1711 : memref<16x768xf32, #tpu.memory_space<hbm>>)
      %dma_wait3A_1712 = arith.constant 352 : i32
      %dma_wait3A_1713 = arith.constant 0 : i32
      %dma_wait3A_1714 = tpu.memref_slice %arg4[%select_n3A_430, %dma_wait3A_1712, %dma_wait3A_1713] : memref<128x576x768xf32, #tpu.memory_space<hbm>> -> memref<1x16x768xf32, #tpu.memory_space<hbm>>
      %dma_wait3A_1715 = tpu.memref_squeeze %dma_wait3A_1714 : memref<1x16x768xf32, #tpu.memory_space<hbm>> -> memref<16x768xf32, #tpu.memory_space<hbm>>
      %dma_wait3A_1716 = arith.constant 352 : i32
      %dma_wait3A_1717 = arith.constant 0 : i32
      %dma_wait3A_1718 = tpu.memref_slice %arg4[%select_n3A_430, %dma_wait3A_1716, %dma_wait3A_1717] : memref<128x576x768xf32, #tpu.memory_space<hbm>> -> memref<1x16x768xf32, #tpu.memory_space<hbm>>
      %dma_wait3A_1719 = tpu.memref_squeeze %dma_wait3A_1718 : memref<1x16x768xf32, #tpu.memory_space<hbm>> -> memref<16x768xf32, #tpu.memory_space<hbm>>
      tpu.wait_dma2 semaphore(%arg12 : memref<!tpu.dma_semaphore, #tpu.memory_space<semaphore_mem>>) src(%arg5 : memref<16x768xf32, #tpu.memory_space<vmem>>) dst(%dma_wait3A_1719 : memref<16x768xf32, #tpu.memory_space<hbm>>)
      %dma_wait3A_1720 = arith.constant 368 : i32
      %dma_wait3A_1721 = arith.constant 0 : i32
      %dma_wait3A_1722 = tpu.memref_slice %arg4[%select_n3A_430, %dma_wait3A_1720, %dma_wait3A_1721] : memref<128x576x768xf32, #tpu.memory_space<hbm>> -> memref<1x16x768xf32, #tpu.memory_space<hbm>>
      %dma_wait3A_1723 = tpu.memref_squeeze %dma_wait3A_1722 : memref<1x16x768xf32, #tpu.memory_space<hbm>> -> memref<16x768xf32, #tpu.memory_space<hbm>>
      %dma_wait3A_1724 = arith.constant 368 : i32
      %dma_wait3A_1725 = arith.constant 0 : i32
      %dma_wait3A_1726 = tpu.memref_slice %arg4[%select_n3A_430, %dma_wait3A_1724, %dma_wait3A_1725] : memref<128x576x768xf32, #tpu.memory_space<hbm>> -> memref<1x16x768xf32, #tpu.memory_space<hbm>>
      %dma_wait3A_1727 = tpu.memref_squeeze %dma_wait3A_1726 : memref<1x16x768xf32, #tpu.memory_space<hbm>> -> memref<16x768xf32, #tpu.memory_space<hbm>>
      tpu.wait_dma2 semaphore(%arg12 : memref<!tpu.dma_semaphore, #tpu.memory_space<semaphore_mem>>) src(%arg5 : memref<16x768xf32, #tpu.memory_space<vmem>>) dst(%dma_wait3A_1727 : memref<16x768xf32, #tpu.memory_space<hbm>>)
      %dma_wait3A_1728 = arith.constant 384 : i32
      %dma_wait3A_1729 = arith.constant 0 : i32
      %dma_wait3A_1730 = tpu.memref_slice %arg4[%select_n3A_430, %dma_wait3A_1728, %dma_wait3A_1729] : memref<128x576x768xf32, #tpu.memory_space<hbm>> -> memref<1x16x768xf32, #tpu.memory_space<hbm>>
      %dma_wait3A_1731 = tpu.memref_squeeze %dma_wait3A_1730 : memref<1x16x768xf32, #tpu.memory_space<hbm>> -> memref<16x768xf32, #tpu.memory_space<hbm>>
      %dma_wait3A_1732 = arith.constant 384 : i32
      %dma_wait3A_1733 = arith.constant 0 : i32
      %dma_wait3A_1734 = tpu.memref_slice %arg4[%select_n3A_430, %dma_wait3A_1732, %dma_wait3A_1733] : memref<128x576x768xf32, #tpu.memory_space<hbm>> -> memref<1x16x768xf32, #tpu.memory_space<hbm>>
      %dma_wait3A_1735 = tpu.memref_squeeze %dma_wait3A_1734 : memref<1x16x768xf32, #tpu.memory_space<hbm>> -> memref<16x768xf32, #tpu.memory_space<hbm>>
      tpu.wait_dma2 semaphore(%arg12 : memref<!tpu.dma_semaphore, #tpu.memory_space<semaphore_mem>>) src(%arg5 : memref<16x768xf32, #tpu.memory_space<vmem>>) dst(%dma_wait3A_1735 : memref<16x768xf32, #tpu.memory_space<hbm>>)
      %dma_wait3A_1736 = arith.constant 400 : i32
      %dma_wait3A_1737 = arith.constant 0 : i32
      %dma_wait3A_1738 = tpu.memref_slice %arg4[%select_n3A_430, %dma_wait3A_1736, %dma_wait3A_1737] : memref<128x576x768xf32, #tpu.memory_space<hbm>> -> memref<1x16x768xf32, #tpu.memory_space<hbm>>
      %dma_wait3A_1739 = tpu.memref_squeeze %dma_wait3A_1738 : memref<1x16x768xf32, #tpu.memory_space<hbm>> -> memref<16x768xf32, #tpu.memory_space<hbm>>
      %dma_wait3A_1740 = arith.constant 400 : i32
      %dma_wait3A_1741 = arith.constant 0 : i32
      %dma_wait3A_1742 = tpu.memref_slice %arg4[%select_n3A_430, %dma_wait3A_1740, %dma_wait3A_1741] : memref<128x576x768xf32, #tpu.memory_space<hbm>> -> memref<1x16x768xf32, #tpu.memory_space<hbm>>
      %dma_wait3A_1743 = tpu.memref_squeeze %dma_wait3A_1742 : memref<1x16x768xf32, #tpu.memory_space<hbm>> -> memref<16x768xf32, #tpu.memory_space<hbm>>
      tpu.wait_dma2 semaphore(%arg12 : memref<!tpu.dma_semaphore, #tpu.memory_space<semaphore_mem>>) src(%arg5 : memref<16x768xf32, #tpu.memory_space<vmem>>) dst(%dma_wait3A_1743 : memref<16x768xf32, #tpu.memory_space<hbm>>)
      %dma_wait3A_1744 = arith.constant 416 : i32
      %dma_wait3A_1745 = arith.constant 0 : i32
      %dma_wait3A_1746 = tpu.memref_slice %arg4[%select_n3A_430, %dma_wait3A_1744, %dma_wait3A_1745] : memref<128x576x768xf32, #tpu.memory_space<hbm>> -> memref<1x16x768xf32, #tpu.memory_space<hbm>>
      %dma_wait3A_1747 = tpu.memref_squeeze %dma_wait3A_1746 : memref<1x16x768xf32, #tpu.memory_space<hbm>> -> memref<16x768xf32, #tpu.memory_space<hbm>>
      %dma_wait3A_1748 = arith.constant 416 : i32
      %dma_wait3A_1749 = arith.constant 0 : i32
      %dma_wait3A_1750 = tpu.memref_slice %arg4[%select_n3A_430, %dma_wait3A_1748, %dma_wait3A_1749] : memref<128x576x768xf32, #tpu.memory_space<hbm>> -> memref<1x16x768xf32, #tpu.memory_space<hbm>>
      %dma_wait3A_1751 = tpu.memref_squeeze %dma_wait3A_1750 : memref<1x16x768xf32, #tpu.memory_space<hbm>> -> memref<16x768xf32, #tpu.memory_space<hbm>>
      tpu.wait_dma2 semaphore(%arg12 : memref<!tpu.dma_semaphore, #tpu.memory_space<semaphore_mem>>) src(%arg5 : memref<16x768xf32, #tpu.memory_space<vmem>>) dst(%dma_wait3A_1751 : memref<16x768xf32, #tpu.memory_space<hbm>>)
      %dma_wait3A_1752 = arith.constant 432 : i32
      %dma_wait3A_1753 = arith.constant 0 : i32
      %dma_wait3A_1754 = tpu.memref_slice %arg4[%select_n3A_430, %dma_wait3A_1752, %dma_wait3A_1753] : memref<128x576x768xf32, #tpu.memory_space<hbm>> -> memref<1x16x768xf32, #tpu.memory_space<hbm>>
      %dma_wait3A_1755 = tpu.memref_squeeze %dma_wait3A_1754 : memref<1x16x768xf32, #tpu.memory_space<hbm>> -> memref<16x768xf32, #tpu.memory_space<hbm>>
      %dma_wait3A_1756 = arith.constant 432 : i32
      %dma_wait3A_1757 = arith.constant 0 : i32
      %dma_wait3A_1758 = tpu.memref_slice %arg4[%select_n3A_430, %dma_wait3A_1756, %dma_wait3A_1757] : memref<128x576x768xf32, #tpu.memory_space<hbm>> -> memref<1x16x768xf32, #tpu.memory_space<hbm>>
      %dma_wait3A_1759 = tpu.memref_squeeze %dma_wait3A_1758 : memref<1x16x768xf32, #tpu.memory_space<hbm>> -> memref<16x768xf32, #tpu.memory_space<hbm>>
      tpu.wait_dma2 semaphore(%arg12 : memref<!tpu.dma_semaphore, #tpu.memory_space<semaphore_mem>>) src(%arg5 : memref<16x768xf32, #tpu.memory_space<vmem>>) dst(%dma_wait3A_1759 : memref<16x768xf32, #tpu.memory_space<hbm>>)
      %dma_wait3A_1760 = arith.constant 448 : i32
      %dma_wait3A_1761 = arith.constant 0 : i32
      %dma_wait3A_1762 = tpu.memref_slice %arg4[%select_n3A_430, %dma_wait3A_1760, %dma_wait3A_1761] : memref<128x576x768xf32, #tpu.memory_space<hbm>> -> memref<1x16x768xf32, #tpu.memory_space<hbm>>
      %dma_wait3A_1763 = tpu.memref_squeeze %dma_wait3A_1762 : memref<1x16x768xf32, #tpu.memory_space<hbm>> -> memref<16x768xf32, #tpu.memory_space<hbm>>
      %dma_wait3A_1764 = arith.constant 448 : i32
      %dma_wait3A_1765 = arith.constant 0 : i32
      %dma_wait3A_1766 = tpu.memref_slice %arg4[%select_n3A_430, %dma_wait3A_1764, %dma_wait3A_1765] : memref<128x576x768xf32, #tpu.memory_space<hbm>> -> memref<1x16x768xf32, #tpu.memory_space<hbm>>
      %dma_wait3A_1767 = tpu.memref_squeeze %dma_wait3A_1766 : memref<1x16x768xf32, #tpu.memory_space<hbm>> -> memref<16x768xf32, #tpu.memory_space<hbm>>
      tpu.wait_dma2 semaphore(%arg12 : memref<!tpu.dma_semaphore, #tpu.memory_space<semaphore_mem>>) src(%arg5 : memref<16x768xf32, #tpu.memory_space<vmem>>) dst(%dma_wait3A_1767 : memref<16x768xf32, #tpu.memory_space<hbm>>)
      %dma_wait3A_1768 = arith.constant 464 : i32
      %dma_wait3A_1769 = arith.constant 0 : i32
      %dma_wait3A_1770 = tpu.memref_slice %arg4[%select_n3A_430, %dma_wait3A_1768, %dma_wait3A_1769] : memref<128x576x768xf32, #tpu.memory_space<hbm>> -> memref<1x16x768xf32, #tpu.memory_space<hbm>>
      %dma_wait3A_1771 = tpu.memref_squeeze %dma_wait3A_1770 : memref<1x16x768xf32, #tpu.memory_space<hbm>> -> memref<16x768xf32, #tpu.memory_space<hbm>>
      %dma_wait3A_1772 = arith.constant 464 : i32
      %dma_wait3A_1773 = arith.constant 0 : i32
      %dma_wait3A_1774 = tpu.memref_slice %arg4[%select_n3A_430, %dma_wait3A_1772, %dma_wait3A_1773] : memref<128x576x768xf32, #tpu.memory_space<hbm>> -> memref<1x16x768xf32, #tpu.memory_space<hbm>>
      %dma_wait3A_1775 = tpu.memref_squeeze %dma_wait3A_1774 : memref<1x16x768xf32, #tpu.memory_space<hbm>> -> memref<16x768xf32, #tpu.memory_space<hbm>>
      tpu.wait_dma2 semaphore(%arg12 : memref<!tpu.dma_semaphore, #tpu.memory_space<semaphore_mem>>) src(%arg5 : memref<16x768xf32, #tpu.memory_space<vmem>>) dst(%dma_wait3A_1775 : memref<16x768xf32, #tpu.memory_space<hbm>>)
      %dma_wait3A_1776 = arith.constant 480 : i32
      %dma_wait3A_1777 = arith.constant 0 : i32
      %dma_wait3A_1778 = tpu.memref_slice %arg4[%select_n3A_430, %dma_wait3A_1776, %dma_wait3A_1777] : memref<128x576x768xf32, #tpu.memory_space<hbm>> -> memref<1x16x768xf32, #tpu.memory_space<hbm>>
      %dma_wait3A_1779 = tpu.memref_squeeze %dma_wait3A_1778 : memref<1x16x768xf32, #tpu.memory_space<hbm>> -> memref<16x768xf32, #tpu.memory_space<hbm>>
      %dma_wait3A_1780 = arith.constant 480 : i32
      %dma_wait3A_1781 = arith.constant 0 : i32
      %dma_wait3A_1782 = tpu.memref_slice %arg4[%select_n3A_430, %dma_wait3A_1780, %dma_wait3A_1781] : memref<128x576x768xf32, #tpu.memory_space<hbm>> -> memref<1x16x768xf32, #tpu.memory_space<hbm>>
      %dma_wait3A_1783 = tpu.memref_squeeze %dma_wait3A_1782 : memref<1x16x768xf32, #tpu.memory_space<hbm>> -> memref<16x768xf32, #tpu.memory_space<hbm>>
      tpu.wait_dma2 semaphore(%arg12 : memref<!tpu.dma_semaphore, #tpu.memory_space<semaphore_mem>>) src(%arg5 : memref<16x768xf32, #tpu.memory_space<vmem>>) dst(%dma_wait3A_1783 : memref<16x768xf32, #tpu.memory_space<hbm>>)
      %dma_wait3A_1784 = arith.constant 496 : i32
      %dma_wait3A_1785 = arith.constant 0 : i32
      %dma_wait3A_1786 = tpu.memref_slice %arg4[%select_n3A_430, %dma_wait3A_1784, %dma_wait3A_1785] : memref<128x576x768xf32, #tpu.memory_space<hbm>> -> memref<1x16x768xf32, #tpu.memory_space<hbm>>
      %dma_wait3A_1787 = tpu.memref_squeeze %dma_wait3A_1786 : memref<1x16x768xf32, #tpu.memory_space<hbm>> -> memref<16x768xf32, #tpu.memory_space<hbm>>
      %dma_wait3A_1788 = arith.constant 496 : i32
      %dma_wait3A_1789 = arith.constant 0 : i32
      %dma_wait3A_1790 = tpu.memref_slice %arg4[%select_n3A_430, %dma_wait3A_1788, %dma_wait3A_1789] : memref<128x576x768xf32, #tpu.memory_space<hbm>> -> memref<1x16x768xf32, #tpu.memory_space<hbm>>
      %dma_wait3A_1791 = tpu.memref_squeeze %dma_wait3A_1790 : memref<1x16x768xf32, #tpu.memory_space<hbm>> -> memref<16x768xf32, #tpu.memory_space<hbm>>
      tpu.wait_dma2 semaphore(%arg12 : memref<!tpu.dma_semaphore, #tpu.memory_space<semaphore_mem>>) src(%arg5 : memref<16x768xf32, #tpu.memory_space<vmem>>) dst(%dma_wait3A_1791 : memref<16x768xf32, #tpu.memory_space<hbm>>)
      %dma_wait3A_1792 = arith.constant 512 : i32
      %dma_wait3A_1793 = arith.constant 0 : i32
      %dma_wait3A_1794 = tpu.memref_slice %arg4[%select_n3A_430, %dma_wait3A_1792, %dma_wait3A_1793] : memref<128x576x768xf32, #tpu.memory_space<hbm>> -> memref<1x16x768xf32, #tpu.memory_space<hbm>>
      %dma_wait3A_1795 = tpu.memref_squeeze %dma_wait3A_1794 : memref<1x16x768xf32, #tpu.memory_space<hbm>> -> memref<16x768xf32, #tpu.memory_space<hbm>>
      %dma_wait3A_1796 = arith.constant 512 : i32
      %dma_wait3A_1797 = arith.constant 0 : i32
      %dma_wait3A_1798 = tpu.memref_slice %arg4[%select_n3A_430, %dma_wait3A_1796, %dma_wait3A_1797] : memref<128x576x768xf32, #tpu.memory_space<hbm>> -> memref<1x16x768xf32, #tpu.memory_space<hbm>>
      %dma_wait3A_1799 = tpu.memref_squeeze %dma_wait3A_1798 : memref<1x16x768xf32, #tpu.memory_space<hbm>> -> memref<16x768xf32, #tpu.memory_space<hbm>>
      tpu.wait_dma2 semaphore(%arg12 : memref<!tpu.dma_semaphore, #tpu.memory_space<semaphore_mem>>) src(%arg5 : memref<16x768xf32, #tpu.memory_space<vmem>>) dst(%dma_wait3A_1799 : memref<16x768xf32, #tpu.memory_space<hbm>>)
      %dma_wait3A_1800 = arith.constant 528 : i32
      %dma_wait3A_1801 = arith.constant 0 : i32
      %dma_wait3A_1802 = tpu.memref_slice %arg4[%select_n3A_430, %dma_wait3A_1800, %dma_wait3A_1801] : memref<128x576x768xf32, #tpu.memory_space<hbm>> -> memref<1x16x768xf32, #tpu.memory_space<hbm>>
      %dma_wait3A_1803 = tpu.memref_squeeze %dma_wait3A_1802 : memref<1x16x768xf32, #tpu.memory_space<hbm>> -> memref<16x768xf32, #tpu.memory_space<hbm>>
      %dma_wait3A_1804 = arith.constant 528 : i32
      %dma_wait3A_1805 = arith.constant 0 : i32
      %dma_wait3A_1806 = tpu.memref_slice %arg4[%select_n3A_430, %dma_wait3A_1804, %dma_wait3A_1805] : memref<128x576x768xf32, #tpu.memory_space<hbm>> -> memref<1x16x768xf32, #tpu.memory_space<hbm>>
      %dma_wait3A_1807 = tpu.memref_squeeze %dma_wait3A_1806 : memref<1x16x768xf32, #tpu.memory_space<hbm>> -> memref<16x768xf32, #tpu.memory_space<hbm>>
      tpu.wait_dma2 semaphore(%arg12 : memref<!tpu.dma_semaphore, #tpu.memory_space<semaphore_mem>>) src(%arg5 : memref<16x768xf32, #tpu.memory_space<vmem>>) dst(%dma_wait3A_1807 : memref<16x768xf32, #tpu.memory_space<hbm>>)
      %dma_wait3A_1808 = arith.constant 544 : i32
      %dma_wait3A_1809 = arith.constant 0 : i32
      %dma_wait3A_1810 = tpu.memref_slice %arg4[%select_n3A_430, %dma_wait3A_1808, %dma_wait3A_1809] : memref<128x576x768xf32, #tpu.memory_space<hbm>> -> memref<1x16x768xf32, #tpu.memory_space<hbm>>
      %dma_wait3A_1811 = tpu.memref_squeeze %dma_wait3A_1810 : memref<1x16x768xf32, #tpu.memory_space<hbm>> -> memref<16x768xf32, #tpu.memory_space<hbm>>
      %dma_wait3A_1812 = arith.constant 544 : i32
      %dma_wait3A_1813 = arith.constant 0 : i32
      %dma_wait3A_1814 = tpu.memref_slice %arg4[%select_n3A_430, %dma_wait3A_1812, %dma_wait3A_1813] : memref<128x576x768xf32, #tpu.memory_space<hbm>> -> memref<1x16x768xf32, #tpu.memory_space<hbm>>
      %dma_wait3A_1815 = tpu.memref_squeeze %dma_wait3A_1814 : memref<1x16x768xf32, #tpu.memory_space<hbm>> -> memref<16x768xf32, #tpu.memory_space<hbm>>
      tpu.wait_dma2 semaphore(%arg12 : memref<!tpu.dma_semaphore, #tpu.memory_space<semaphore_mem>>) src(%arg5 : memref<16x768xf32, #tpu.memory_space<vmem>>) dst(%dma_wait3A_1815 : memref<16x768xf32, #tpu.memory_space<hbm>>)
      %dma_wait3A_1816 = arith.constant 560 : i32
      %dma_wait3A_1817 = arith.constant 0 : i32
      %dma_wait3A_1818 = tpu.memref_slice %arg4[%select_n3A_430, %dma_wait3A_1816, %dma_wait3A_1817] : memref<128x576x768xf32, #tpu.memory_space<hbm>> -> memref<1x16x768xf32, #tpu.memory_space<hbm>>
      %dma_wait3A_1819 = tpu.memref_squeeze %dma_wait3A_1818 : memref<1x16x768xf32, #tpu.memory_space<hbm>> -> memref<16x768xf32, #tpu.memory_space<hbm>>
      %dma_wait3A_1820 = arith.constant 560 : i32
      %dma_wait3A_1821 = arith.constant 0 : i32
      %dma_wait3A_1822 = tpu.memref_slice %arg4[%select_n3A_430, %dma_wait3A_1820, %dma_wait3A_1821] : memref<128x576x768xf32, #tpu.memory_space<hbm>> -> memref<1x16x768xf32, #tpu.memory_space<hbm>>
      %dma_wait3A_1823 = tpu.memref_squeeze %dma_wait3A_1822 : memref<1x16x768xf32, #tpu.memory_space<hbm>> -> memref<16x768xf32, #tpu.memory_space<hbm>>
      tpu.wait_dma2 semaphore(%arg12 : memref<!tpu.dma_semaphore, #tpu.memory_space<semaphore_mem>>) src(%arg5 : memref<16x768xf32, #tpu.memory_space<vmem>>) dst(%dma_wait3A_1823 : memref<16x768xf32, #tpu.memory_space<hbm>>)
    } else {
    }
    return
  }
}

</mosaic_0001>

<sc_bundles>
// kernel: kernel.3.cloned.1.call-start
scs
__scs_entry_jumppad:
0x0: {  	(pc) =	sbr.rel $0x88, $3  }
0x1: {  	(tag) =	ssettag $0x0;
	lr =	simm.s32 $0x1  }
0x2: {  	[smem:$0x3F9F] =	sst lr;
	_ =	strace $0xD0000000  }
0x3: {  	_ = 	snop  }
0x4: {  	_ = 	snop  }
0x5: {  	_ = 	snop  }
0x6: {  	_ = 	snop  }
0x7: {  	_ = 	snop  }
__scs_overlays_trampoline_lowered:
0x8: {  	[smem:$0x3FAE] =	sst s0  }
0x9: {  	[smem:$0x3FAF] =	sst s1  }
0xa: {  	[smem:$0x3FB0] =	sst s2  }
0xb: {  	[smem:$0x3FB1] =	sst s3  }
0xc: {  	[smem:$0x3FB2] =	sst s4  }
0xd: {  	[smem:$0x3FB3] =	sst s5  }
0xe: {  	[smem:$0x3FB4] =	sst s6  }
0xf: {  	[smem:$0x3FB5] =	sst s7  }
0x10: {  	[smem:$0x3FB6] =	sst s8  }
0x11: {  	[smem:$0x3FB7] =	sst s9;
	s0 =	simm.s32 @!p0 $0x0  }
0x12: {  	s1 =	sld [smem:$0x3F9D];
	s0 =	simm.s32 @p0 $0x1  }
0x13: {  	[smem:$0x3FB8] =	sst s0;
	s0 =	simm.s32 @!p1 $0x0  }
0x14: {  	s2 =	sld [smem:$0x3F9C];
	s0 =	simm.s32 @p1 $0x1  }
0x15: {  	[smem:$0x3FB9] =	sst s0;
	s0 =	simm.s32 @!p2 $0x0  }
0x16: {  	s3 =	sld [smem:$0x3FDB];
	s0 =	simm.s32 @p2 $0x1  }
0x17: {  	s4 =	simm.s32 $0x1BF5;
	[smem:$0x3FBB] =	sst s0  }
0x18: {  	s0 =	sld [smem:$0x3F9E];
	_ =	swait.ge [sflag:s4], $0x0  }
0x19: {  	s7 =	sld [smem:$0x3F9F]  }
0x1a: {  	s8 =	sadd.s32 $0xFFFFE003, lr  }
0x1b: {  	s9 =	sadd.s32 $0xFFFFFEF7, lr;
	s5 =	simm.s32 $0xFFFFFFFF;
	p2 =	slt.u32 s8, $0xFFFFF086  }
0x1c: {  	p1 =	slt.u32 s9, $0xF7A;
	s5 =	simm.s32 @!p2 $0x0  }
0x1d: {  	s5 =	simm.s32 @p1 $0x1;
	p0 =	seq.s32 s7, s2  }
0x1e: {  	s7 =	smul.u32 @!p0 $0xF7A, s2;
	p2 =	seq.s32 @!p0 s5, $0x0  }
0x1f: {  	s9 =	smul.u32 $0xF7A, s1;
	s8 =	simm.s32 @!p0 $0x1BF5;
	p2 =	por !p2, p0  }
0x20: {  	[sflag:s8] =	ssyncset.s32 @!p0 $0xFFFFF086;
	s6 =	sadd.s32 @!p0 s3, s7;
	s7 =	simm.s32 @!p0 $0x108  }
0x21: {  	s3 =	sadd.s32 s3, s9;
	s6 =	sadd.s32 @!p0 $0x88, s6;
	s7 =	simm.s32 @p2 $0x1082  }
0x22: {  	[simem:s7], [sflag:s8] =	dma.local @!p0 [hbm:s6], $0xF7A  }
0x23: {  	s9 =	sor.u32 $0xD0000000, s2;
	s6 =	simm.s32 $0x108;
	_ =	swait.ge @!p0 [sflag:s8], $0x0  }
0x24: {  	s3 =	sadd.s32 $0x88, s3;
	s6 =	simm.s32 @!p1 $0x1082;
	[sflag:s4] =	ssyncset.s32 $0xFFFFF086  }
0x25: {  	[simem:s6], [sflag:s4] =	dma.local [hbm:s3], $0xF7A  }
0x26: {  	[smem:$0x3F9F] =	sst s1;
	(tag) =	ssettag s2;
	_ =	strace s9  }
0x27: {  	s1 =	sld [smem:$0x3FAF]  }
0x28: {  	s2 =	sld [smem:$0x3FB0]  }
0x29: {  	s4 =	sld [smem:$0x3FB2]  }
0x2a: {  	p0 =	seq.s32 s5, $0x0;
	s5 =	sld [smem:$0x3FB3]  }
0x2b: {  	s6 =	sld [smem:$0x3FB4]  }
0x2c: {  	s7 =	sld [smem:$0x3FB5]  }
0x2d: {  	s3 =	simm.s32 $0x108;
	s8 =	sld [smem:$0x3FB6]  }
0x2e: {  	s3 =	simm.s32 @!p0 $0x1082;
	s9 =	sld [smem:$0x3FB7]  }
0x2f: {  	lr =	sadd.s32 s0, s3;
	s0 =	sld [smem:$0x3FAE]  }
0x30: {  	s3 =	sld [smem:$0x3FB1]  }
0x31: {  	[smem:$0x3FBA] =	sst s10  }
0x32: {  	s10 =	sld [smem:$0x3FB8];
	_ =	sdelay $0x3  }
0x33: {  	p0 =	seq.s32 s10, $0x1;
	s10 =	sld [smem:$0x3FBA];
	_ =	sdelay $0x3  }
0x34: {  	[smem:$0x3FBA] =	sst s10  }
0x35: {  	s10 =	sld [smem:$0x3FB9];
	_ =	sdelay $0x3  }
0x36: {  	p1 =	seq.s32 s10, $0x1;
	s10 =	sld [smem:$0x3FBA];
	_ =	sdelay $0x3  }
0x37: {  	[smem:$0x3FBA] =	sst s10  }
0x38: {  	s10 =	sld [smem:$0x3FBB]  }
0x39: {  	_ = 	snop;
	(pc) =	sbr.ind lr, $3  }
0x3a: {  	_ = 	snop  }
0x3b: {  	_ = 	snop  }
0x3c: {  	p2 =	seq.s32 s10, $0x1;
	s10 =	sld [smem:$0x3FBA]  }
0x3d: {  	_ =	shalt  }
0x3e: {  	_ =	shalt  }
0x3f: {  	_ =	shalt  }
0x40: {  	_ =	shalt  }
0x41: {  	_ =	shalt  }
0x42: {  	_ =	shalt  }
0x43: {  	_ =	shalt  }
0x44: {  	_ =	shalt  }
0x45: {  	_ =	shalt  }
0x46: {  	_ =	shalt  }
0x47: {  	_ =	shalt  }
0x48: {  	_ =	shalt  }
0x49: {  	_ =	shalt  }
0x4a: {  	_ =	shalt  }
0x4b: {  	_ =	shalt  }
0x4c: {  	_ =	shalt  }
0x4d: {  	_ =	shalt  }
0x4e: {  	_ =	shalt  }
0x4f: {  	_ =	shalt  }
0x50: {  	_ =	shalt  }
0x51: {  	_ =	shalt  }
0x52: {  	_ =	shalt  }
0x53: {  	_ =	shalt  }
0x54: {  	_ =	shalt  }
0x55: {  	_ =	shalt  }
0x56: {  	_ =	shalt  }
0x57: {  	_ =	shalt  }
0x58: {  	_ =	shalt  }
0x59: {  	_ =	shalt  }
0x5a: {  	_ =	shalt  }
0x5b: {  	_ =	shalt  }
0x5c: {  	_ =	shalt  }
0x5d: {  	_ =	shalt  }
0x5e: {  	_ =	shalt  }
0x5f: {  	_ =	shalt  }
0x60: {  	_ =	shalt  }
0x61: {  	_ =	shalt  }
0x62: {  	_ =	shalt  }
0x63: {  	_ =	shalt  }
0x64: {  	_ =	shalt  }
0x65: {  	_ =	shalt  }
0x66: {  	_ =	shalt  }
0x67: {  	_ =	shalt  }
0x68: {  	_ =	shalt  }
0x69: {  	_ =	shalt  }
0x6a: {  	_ =	shalt  }
0x6b: {  	_ =	shalt  }
0x6c: {  	_ =	shalt  }
0x6d: {  	_ =	shalt  }
0x6e: {  	_ =	shalt  }
0x6f: {  	_ =	shalt  }
0x70: {  	_ =	shalt  }
0x71: {  	_ =	shalt  }
0x72: {  	_ =	shalt  }
0x73: {  	_ =	shalt  }
0x74: {  	_ =	shalt  }
0x75: {  	_ =	shalt  }
0x76: {  	_ =	shalt  }
0x77: {  	_ =	shalt  }
0x78: {  	_ =	shalt  }
0x79: {  	_ =	shalt  }
0x7a: {  	_ =	shalt  }
0x7b: {  	_ =	shalt  }
0x7c: {  	_ =	shalt  }
0x7d: {  	_ =	shalt  }
0x7e: {  	_ =	shalt  }
0x7f: {  	_ =	shalt  }
0x80: {  	_ =	shalt  }
0x81: {  	_ =	shalt  }
0x82: {  	_ =	shalt  }
0x83: {  	_ =	shalt  }
0x84: {  	_ =	shalt  }
0x85: {  	_ =	shalt  }
0x86: {  	_ =	shalt  }
0x87: {  	_ =	shalt  }
.Lfunc_end0:
.L_simem_size_0:
called_computation_lowered:
.L_overlay_start_0:
0x88: {  	s2 =	sld [smem:$0x3FD9]  }
0x89: {  	s3 =	sld [smem:$0x3FFE];
	_ =	sdelay $0x1  }
0x8a: {  	s1 =	srdreg.scid  }
0x8b: {  	s0 =	sand.u32 $0x1, s1  }
0x8c: {  	s18 =	sshll.u32 s0, $0xA;
	s2 =	sadd.s32 s3, s2  }
0x8d: {  	s2 =	sadd.s32 s2, s18  }
0x8e: {  	[smem:$0x3FC6] =	sst s2  }
0x8f: {  	_ = 	snop  }
0x90: {  	s2 =	sld [smem:$0x3FC9]  }
0x91: {  	s19 =	sld [smem:$0x3FC8]  }
0x92: {  	s4 =	sld [smem:$0x3FD0];
	(tm) =	ssettm $0x1  }
0x93: {  	s5 =	sld [smem:$0x3FFB];
	_ =	sdelay $0x3  }
0x94: {  	_ =	strace s5  }
0x95: {  	s5 =	sld [smem:$0x3FFC];
	_ =	sdelay $0x3  }
0x96: {  	_ =	strace s5  }
0x97: {  	s5 =	sld [smem:$0x3FFD];
	_ =	sdelay $0x3  }
0x98: {  	_ =	strace s5  }
0x99: {  	_ =	strace $0x8FFFFFFF  }
0x9a: {  	s20 =	sld [smem:$0x3FDB];
	_ =	sdelay $0x1  }
0x9b: {  	s6 =	simm.s32 $_scs_section_size  }
0x9c: {  	s7 =	simm.s32 $_size__tile_overlayer_lowered;
	s8 =	simm.s32 $_tile_overlayer_lowered  }
0x9d: {  	s23 =	simm.s32 $0x1BFF;
	s22 =	sshll.u32 s8, $0x1;
	s5 =	sadd.s32 s6, s20  }
0x9e: {  	s9 =	simm.s32 $0x0;
	s21 =	sshll.u32 s7, $0x1;
	s7 =	sadd.s32 s22, s5  }
0x9f: {  	[timem:s9], [sflag:s23] =	dma.local [hbm:s7], s21  }
0xa0: {  	_ =	swait.ge [sflag:s23], s21  }
0xa1: {  	s6 =	ssub.s32 $0x0, s21;
	[sflag:s23] =	ssyncset.done $0x0  }
0xa2: {  	[sflag:s23] =	ssyncadd.s32 s6;
	_ =	sdelay $0x1  }
0xa3: {  	s24 =	simm.s32 $0x1B8B  }
0xa4: {  	_ =	swait.ge [sflag:s24], $0x1  }
0xa5: {  	[sflag:s24] =	ssyncset.done $0x0  }
0xa6: {  	s25 =	simm.s32 $0x1B8E;
	[sflag:s24] =	ssyncadd.s32 $0xFFFFFFFF  }
0xa7: {  	s26 =	simm.s32 $execute0_lowered;
	[smem:$0x3FD2] =	sst s25  }
0xa8: {  	s6 =	sshll.u32 s26, $0x1;
	_ =	strace $0x80000046;
	[dreg:$0x1] =	wrdreg $0xFFFFFFFF  }
0xa9: {  	s28 =	simm.s32 $_size_execute0_lowered;
	s5 =	sadd.s32 s5, s6;
	[dreg:$0x0] =	wrdreg $0x0  }
0xaa: {  	s6 =	sshll.u32 s28, $0x1;
	[dreg:$0x2] =	wrdreg s5  }
0xab: {  	[dreg:$0x3] =	wrdreg s6  }
0xac: {  	[dreg:$0x4] =	wrdreg $0xC0  }
0xad: {  	_ =	task [dreg:s9], $0x5FFFF  }
0xae: {  	[dreg:$0x1] =	wrdreg $0xFFFFFFFF  }
0xaf: {  	[dreg:$0x0] =	wrdreg $0x60  }
0xb0: {  	[dreg:$0x2] =	wrdreg s2  }
0xb1: {  	[dreg:$0x3] =	wrdreg s19  }
0xb2: {  	[dreg:$0x4] =	wrdreg s4  }
0xb3: {  	[dreg:$0x5] =	wrdreg $0x9  }
0xb4: {  	_ =	task.clear_ibuf [dreg:s9], $0x6FFFF;
	_ =	strace $0x90000046  }
0xb5: {  	s29 =	simm.s32 $0x9;
	_ =	strace $0x80000048  }
0xb6: {  	_ =	swait.ge [sflag:s29], $0x1  }
0xb7: {  	[sflag:s29] =	ssyncadd.s32 $0xFFFFFFFF  }
0xb8: {  	_ =	strace $0x90000048  }
0xb9: {  	_ =	sfence  }
0xba: {  	s30 =	sld [smem:$0x0];
	_ =	sdelay $0x2  }
0xbb: {  	s31 =	sshll.u32 s1, $0xD;
	s1 =	sshrl.u32 s1, $0x2  }
0xbc: {  	s3 =	sand.u32 $0x4000, s31;
	s1 =	sadd.s32 s1, s30  }
0xbd: {  	s0 =	sor.u32 s3, s0;
	s1 =	sshll.u32 s1, $0x11  }
0xbe: {  	s0 =	sor.u32 s1, s0  }
0xbf: {  	s0 =	sadd.s32 $0x8F2B, s0  }
0xc0: {  	[sflag:s0] =	ssyncadd.remote.s32 $0x1  }
0xc1: {  	_ =	sfence.sel $0xFFFF  }
0xc2: {  	[dreg:$0x0] =	wrdreg $0xFFFFFFFF;
	(pc) =	sbr.abs _section_cstart, $3  }
0xc3: {  	[dreg:$0x1] =	wrdreg $0xFFFFFFFF  }
0xc4: {  	_ =	task.clear_ibuf [dreg:s9], $0x2FFFF;
	_ =	strace $0x9FFFFFFF  }
0xc5: {  	(tm) =	ssettm $0x7FFFFFFF  }
tec
execute0_lowered:
.L_overlay_start_1:
0x0: {  	(tag) =	ssettag $0x1  }
0x1: {  	s0 =	rddreg [dreg:$0x0]  }
0x2: {  	s6 =	srdreg.scid;
	s25 =	stileid.u32;
	s5 =	simm.s32 $0x3  }
0x3: {  	s9 =	simm.s32 $0x9;
	s13 =	simm.s32 $0x11;
	s14 =	simm.s32 $0x17  }
0x4: {  	s15 =	simm.s32 $0x1E;
	s16 =	simm.s32 $0x22;
	s17 =	simm.s32 $0x25  }
0x5: {  	s7 =	simm.s32 $0x30;
	s24 =	simm.s32 $0x4E;
	s4 =	sand.u32 $0x1, s6  }
0x6: {  	s3 =	sshll.u32 s25, $0x1;
	s20 =	sand.u32 $0x1, s25;
	s22 =	sand.u32 $0x2, s25  }
0x7: {  	s23 =	sand.u32 $0x4, s25;
	p4 =	slt.u32 s25, $0x8;
	p0 =	seq.s32 s4, $0x0  }
0x8: {  	s8 =	sadd.s32 $0x1, s4;
	s10 =	sadd.s32 $0x7, s4;
	s11 =	sor.u32 $0xC, s4  }
0x9: {  	s12 =	sadd.s32 $0xF, s4;
	s18 =	sor.u32 $0x1C, s4;
	s19 =	sadd.s32 $0x2B, s4  }
0xa: {  	s21 =	sor.u32 $0x2E, s4;
	p2 =	seq.s32 s20, $0x1;
	s20 =	sadd.s32 $0x35, s4  }
0xb: {  	s3 =	sand.u32 $0x2, s3;
	p1 =	seq.s32 s22, $0x0;
	p3 =	seq.s32 s23, $0x0  }
0xc: {  	s22 =	simm.s32 $0x67;
	s23 =	simm.s32 $0x78;
	s5 =	simm.s32 @!p0 $0x5  }
0xd: {  	s9 =	simm.s32 @!p0 $0xB;
	s13 =	simm.s32 @!p0 $0x13;
	s14 =	simm.s32 @!p0 $0x19  }
0xe: {  	s15 =	simm.s32 @!p0 $0x21;
	s16 =	simm.s32 @!p0 $0x24;
	s17 =	simm.s32 @!p0 $0x29  }
0xf: {  	s7 =	simm.s32 @!p0 $0x32;
	s11 =	smov.u32 @p2 s12;
	s19 =	smov.u32 @p2 s21  }
0x10: {  	s12 =	simm.s32 $0x4F;
	s3 =	sor.u32 s3, s4;
	s21 =	simm.s32 $0x55  }
0x11: {  	s22 =	simm.s32 @!p0 $0x6B;
	s23 =	simm.s32 @!p0 $0x7A;
	s24 =	simm.s32 @!p0 $0x54  }
0x12: {  	s8 =	smov.u32 @p2 s5;
	s10 =	smov.u32 @p2 s9;
	s13 =	smov.u32 @p2 s14  }
0x13: {  	s18 =	smov.u32 @p2 s15;
	s16 =	smov.u32 @p2 s17;
	s7 =	smov.u32 @p2 s20  }
0x14: {  	s5 =	simm.s32 $0x3E;
	s9 =	simm.s32 $0x44;
	s12 =	simm.s32 @!p0 $0x51  }
0x15: {  	s14 =	sor.u32 $0x52, s4;
	s15 =	sadd.s32 $0x61, s4;
	s17 =	simm.s32 $0x76  }
0x16: {  	s20 =	simm.s32 $0x46;
	s21 =	simm.s32 @!p0 $0x5B;
	s10 =	smov.u32 @p1 s8  }
0x17: {  	s13 =	smov.u32 @p1 s11;
	s16 =	smov.u32 @p1 s18;
	s7 =	smov.u32 @p1 s19  }
0x18: {  	s5 =	simm.s32 @!p0 $0x42;
	s9 =	simm.s32 @!p0 $0x48;
	s11 =	sadd.s32 $0x4B, s4  }
0x19: {  	s18 =	sadd.s32 $0x71, s4;
	s17 =	simm.s32 @!p0 $0x7B;
	s8 =	sor.u32 $0x74, s4  }
0x1a: {  	s12 =	smov.u32 @p2 s14;
	s19 =	simm.s32 $0x39;
	s20 =	simm.s32 @!p0 $0x49  }
0x1b: {  	s14 =	simm.s32 $0x5E;
	s13 =	smov.u32 @p3 s10;
	s7 =	smov.u32 @p3 s16  }
0x1c: {  	s10 =	sor.u32 $0x3A, s4;
	s16 =	sor.u32 $0x6E, s4;
	s9 =	smov.u32 @p2 s11  }
0x1d: {  	s11 =	simm.s32 $0x68;
	s8 =	smov.u32 @p2 s17;
	s17 =	simm.s32 $0x20  }
0x1e: {  	s19 =	simm.s32 @!p0 $0x3D;
	s14 =	simm.s32 @!p0 $0x63;
	s7 =	smov.u32 @p4 s13  }
0x1f: {  	s13 =	simm.s32 $0x5D;
	s10 =	smov.u32 @p2 s5;
	s5 =	sadd.s32 $0x57, s3  }
0x20: {  	s11 =	simm.s32 @!p2 $0x64;
	s16 =	smov.u32 @p2 s18;
	s17 =	simm.s32 @!p0 $0x26  }
0x21: {  	s18 =	simm.s32 $0x28;
	s14 =	smov.u32 @p2 s22;
	s22 =	simm.s32 $0x41  }
0x22: {  	s13 =	simm.s32 @!p0 $0x5F;
	s3 =	sor.u32 s4, s11;
	s9 =	smov.u32 @p1 s10  }
0x23: {  	s5 =	smov.u32 @p1 s12;
	s8 =	smov.u32 @p1 s16;
	s10 =	simm.s32 $0x12  }
0x24: {  	s16 =	simm.s32 $0x18;
	s11 =	simm.s32 $0x33;
	s18 =	simm.s32 @!p0 $0x2D  }
0x25: {  	s12 =	simm.s32 $0x4D;
	s22 =	simm.s32 @!p0 $0x45;
	s13 =	smov.u32 @p2 s15  }
0x26: {  	s5 =	smov.u32 @p3 s9;
	s15 =	simm.s32 $0x7C;
	s10 =	simm.s32 @!p0 $0x15  }
0x27: {  	s16 =	simm.s32 @!p0 $0x1B;
	s11 =	simm.s32 @!p0 $0x37;
	s12 =	simm.s32 @!p0 $0x50  }
0x28: {  	s9 =	simm.s32 $0x6D;
	s17 =	smov.u32 @p2 s18;
	s18 =	simm.s32 $0x23  }
0x29: {  	s3 =	smov.u32 @p1 s13;
	s15 =	simm.s32 @!p0 $0x7E;
	s13 =	simm.s32 $0x40  }
0x2a: {  	s9 =	simm.s32 @!p0 $0x73;
	s10 =	smov.u32 @p2 s16;
	s11 =	smov.u32 @p2 s19  }
0x2b: {  	s12 =	smov.u32 @p2 s21;
	s16 =	simm.s32 $0x14;
	s19 =	simm.s32 $0x2A  }
0x2c: {  	s18 =	simm.s32 @!p0 $0x27;
	s21 =	simm.s32 $0x3C;
	s8 =	smov.u32 @p3 s3  }
0x2d: {  	s3 =	simm.s32 $0x7F;
	s13 =	simm.s32 @!p0 $0x43;
	s9 =	smov.u32 @p2 s23  }
0x2e: {  	s11 =	smov.u32 @p1 s17;
	s16 =	simm.s32 @!p0 $0x16;
	s17 =	simm.s32 $0x1A  }
0x2f: {  	s19 =	simm.s32 @!p0 $0x31;
	s21 =	simm.s32 @!p0 $0x3F;
	s23 =	simm.s32 $0x47  }
0x30: {  	s3 =	simm.s32 @!p0 $0xA;
	s13 =	smov.u32 @p2 s20;
	s17 =	simm.s32 @!p0 $0x1F  }
0x31: {  	s20 =	simm.s32 $0x34;
	s23 =	simm.s32 @!p0 $0x4A;
	s18 =	smov.u32 @p2 s19  }
0x32: {  	s19 =	simm.s32 $0x6A;
	s15 =	smov.u32 @p2 s3;
	s3 =	simm.s32 $0x6  }
0x33: {  	s20 =	simm.s32 @!p0 $0x38;
	s16 =	smov.u32 @p2 s17;
	s17 =	simm.s32 $0x60  }
0x34: {  	s19 =	simm.s32 @!p0 $0x6C;
	s22 =	smov.u32 @p2 s23;
	s23 =	simm.s32 $0x79  }
0x35: {  	s10 =	smov.u32 @p1 s15;
	s15 =	sshll.u32 s4, $0x2;
	s3 =	simm.s32 @!p0 $0xE  }
0x36: {  	s17 =	simm.s32 @!p0 $0x66;
	s20 =	smov.u32 @p2 s21;
	s21 =	simm.s32 $0x70  }
0x37: {  	s23 =	simm.s32 @!p0 $0x7D;
	s15 =	smov.u32 @p2 s3;
	s3 =	simm.s32 $0x56  }
0x38: {  	s17 =	smov.u32 @p2 s19;
	s21 =	simm.s32 @!p0 $0x77;
	s3 =	simm.s32 @!p0 $0x5C  }
0x39: {  	s20 =	smov.u32 @p1 s18;
	s21 =	smov.u32 @p2 s23;
	s24 =	smov.u32 @p2 s3  }
0x3a: {  	s16 =	smov.u32 @p1 s15;
	s21 =	smov.u32 @p1 s17;
	s24 =	smov.u32 @p1 s22  }
0x3b: {  	s2 =	rddreg [dreg:$0x1];
	s20 =	smov.u32 @p3 s16;
	s21 =	smov.u32 @p3 s24  }
0x3c: {  	s1 =	rddreg [dreg:$0x2];
	s7 =	smul.u32 $0xD800, s7;
	s21 =	smov.u32 @p4 s20  }
0x3d: {  	s9 =	smov.u32 @p1 s14;
	s8 =	smov.u32 @p4 s5;
	s26 =	smul.u32 $0x6C000, s21  }
0x3e: {  	s14 =	sadd.s32 $0x600, s1;
	s12 =	smov.u32 @p1 s13;
	s3 =	simm.s32 $0x0  }
0x3f: {  	s9 =	smov.u32 @p3 s12;
	[smem:$0x7FF] =	sst s3;
	s12 =	sshrl.u32 s26, $0x3  }
0x40: {  	s11 =	smov.u32 @p3 s10;
	_ =	strace $0x80000047;
	s10 =	sadd.s32 s12, s14  }
0x41: {  	s5 =	sadd.s32 s1, s12;
	s12 =	sadd.s32 s1, s7;
	[dreg:$0x4] =	wrdreg s10  }
0x42: {  	s7 =	sadd.s32 s0, s7;
	[dreg:$0xf] =	wrdreg s12  }
0x43: {  	s15 =	sadd.s32 $0xC00, s5;
	[dreg:$0x10] =	wrdreg s7  }
0x44: {  	s6 =	sand.u32 s6, s25;
	s16 =	sadd.s32 $0x1200, s5;
	[dreg:$0x5] =	wrdreg s15  }
0x45: {  	s6 =	sand.u32 $0x1, s6;
	s17 =	sadd.s32 $0x1800, s5;
	[dreg:$0x6] =	wrdreg s16  }
0x46: {  	s4 =	ssub.s32 $0x2, s4;
	s18 =	sadd.s32 $0x1E00, s5;
	[dreg:$0x7] =	wrdreg s17  }
0x47: {  	s9 =	smov.u32 @p4 s11;
	s19 =	sadd.s32 $0x2400, s5;
	[dreg:$0x8] =	wrdreg s18  }
0x48: {  	s22 =	smul.u32 $0x6C000, s9;
	s20 =	sadd.s32 $0x2A00, s5;
	[dreg:$0x9] =	wrdreg s19  }
0x49: {  	s24 =	sshrl.u32 s4, $0x1;
	s21 =	sadd.s32 $0x3000, s5;
	[dreg:$0xa] =	wrdreg s20  }
0x4a: {  	s26 =	smul.u32 $0xD800, s8;
	s23 =	sadd.s32 $0x3600, s5;
	[dreg:$0xb] =	wrdreg s21  }
0x4b: {  	s13 =	ssub.s32 s4, s24;
	s24 =	sadd.s32 $0x3C00, s5;
	[dreg:$0xc] =	wrdreg s23  }
0x4c: {  	p6 =	seq.s32 s6, $0x1;
	s6 =	sadd.s32 s0, s26;
	[dreg:$0xd] =	wrdreg s24  }
0x4d: {  	s10 =	sshrl.u32 s22, $0x3;
	s22 =	sadd.s32 $0x6000, s5;
	[dreg:$0x12] =	wrdreg s6  }
0x4e: {  	s11 =	sadd.s32 s10, s14;
	[dreg:$0x1a] =	wrdreg s22  }
0x4f: {  	s15 =	sadd.s32 s1, s26;
	[dreg:$0xe] =	wrdreg s11  }
0x50: {  	s17 =	sadd.s32 $0x4200, s5;
	[dreg:$0x11] =	wrdreg s15  }
0x51: {  	s18 =	sadd.s32 $0x4800, s5;
	[dreg:$0x15] =	wrdreg s17  }
0x52: {  	s19 =	sadd.s32 $0x4E00, s5;
	[dreg:$0x16] =	wrdreg s18  }
0x53: {  	s20 =	sadd.s32 $0x5400, s5;
	[dreg:$0x17] =	wrdreg s19  }
0x54: {  	s21 =	sadd.s32 $0x5A00, s5;
	[dreg:$0x18] =	wrdreg s20  }
0x55: {  	s23 =	sadd.s32 $0x6600, s5;
	[dreg:$0x19] =	wrdreg s21  }
0x56: {  	s24 =	sadd.s32 $0x6C00, s5;
	[dreg:$0x1b] =	wrdreg s23  }
0x57: {  	s16 =	sadd.s32 s1, s10;
	s26 =	sadd.s32 $0x7200, s5;
	[dreg:$0x1c] =	wrdreg s24  }
0x58: {  	[dreg:$0x1d] =	wrdreg s26;
	s6 =	sadd.s32 $0xC00, s16  }
0x59: {  	s17 =	sadd.s32 $0x1200, s16;
	[dreg:$0x1f] =	wrdreg s6  }
0x5a: {  	s14 =	smul.u32 $0xD800, s9;
	s24 =	sadd.s32 $0x1800, s16;
	[smem:$0x7DD] =	sst s17  }
0x5b: {  	s26 =	sadd.s32 $0x1E00, s16;
	[smem:$0x7DE] =	sst s24  }
0x5c: {  	s1 =	sadd.s32 s1, s14;
	[smem:$0x7DF] =	sst s26  }
0x5d: {  	s0 =	sadd.s32 s0, s14;
	[dreg:$0x13] =	wrdreg s1  }
0x5e: {  	s6 =	sadd.s32 $0x2A00, s16;
	[dreg:$0x14] =	wrdreg s0  }
0x5f: {  	s17 =	sadd.s32 $0x3000, s16;
	[smem:$0x7E1] =	sst s6  }
0x60: {  	s24 =	sadd.s32 $0x3600, s16;
	[smem:$0x7E2] =	sst s17  }
0x61: {  	s26 =	sadd.s32 $0x3C00, s16;
	[smem:$0x7E3] =	sst s24  }
0x62: {  	s1 =	sadd.s32 $0x7800, s5;
	[smem:$0x7E4] =	sst s26  }
0x63: {  	s6 =	sadd.s32 $0x4800, s16;
	[dreg:$0x1e] =	wrdreg s1  }
0x64: {  	s31 =	simm.s32 $0x1;
	s17 =	sadd.s32 $0x4E00, s16;
	[smem:$0x7E6] =	sst s6  }
0x65: {  	p5 =	sgt.u32 s25, $0x1;
	s24 =	sadd.s32 $0x5400, s16;
	[smem:$0x7E7] =	sst s17  }
0x66: {  	s28 =	sadd.s32 $0x30, s2;
	s26 =	sadd.s32 $0x5A00, s16;
	[smem:$0x7E8] =	sst s24  }
0x67: {  	s29 =	sadd.s32 $0x40, s2;
	s1 =	sadd.s32 $0x2400, s16;
	[smem:$0x7E9] =	sst s26  }
0x68: {  	s30 =	sadd.s32 $0x50, s2;
	s6 =	sadd.s32 $0x6600, s16;
	[smem:$0x7E0] =	sst s1  }
0x69: {  	p0 =	por p5, p6;
	s17 =	sadd.s32 $0x6C00, s16;
	[smem:$0x7EB] =	sst s6  }
0x6a: {  	s4 =	simm.s32 $0x3;
	s24 =	sadd.s32 $0x7200, s16;
	[smem:$0x7EC] =	sst s17  }
0x6b: {  	s25 =	smax.u32 s13, $0x1;
	s26 =	sadd.s32 $0x7800, s16;
	[smem:$0x7ED] =	sst s24  }
0x6c: {  	s7 =	sadd.s32 $0x7E00, s5;
	s1 =	sadd.s32 $0x4200, s16;
	[smem:$0x7EE] =	sst s26  }
0x6d: {  	s8 =	sadd.s32 $0x8400, s5;
	s6 =	sadd.s32 $0x8400, s16;
	[smem:$0x7E5] =	sst s1  }
0x6e: {  	s12 =	sadd.s32 $0x9C00, s5;
	s17 =	sadd.s32 $0x8A00, s16;
	[smem:$0x7F0] =	sst s6  }
0x6f: {  	s13 =	sadd.s32 $0xA200, s5;
	s24 =	sadd.s32 $0x9000, s16;
	[smem:$0x7F1] =	sst s17  }
0x70: {  	s9 =	sadd.s32 $0x8A00, s5;
	s26 =	sadd.s32 $0x9600, s16;
	[smem:$0x7F2] =	sst s24  }
0x71: {  	s10 =	sadd.s32 $0x9000, s5;
	s1 =	sadd.s32 $0x6000, s16;
	[smem:$0x7F3] =	sst s26  }
0x72: {  	s22 =	sadd.s32 $0xCC00, s5;
	s6 =	sadd.s32 $0xA200, s16;
	[smem:$0x7EA] =	sst s1  }
0x73: {  	s11 =	sadd.s32 $0x9600, s5;
	s17 =	sadd.s32 $0xA800, s16;
	[smem:$0x7F5] =	sst s6  }
0x74: {  	s15 =	sadd.s32 $0xAE00, s5;
	s24 =	sadd.s32 $0xAE00, s16;
	[smem:$0x7F6] =	sst s17  }
0x75: {  	s18 =	sadd.s32 $0xB400, s5;
	s26 =	sadd.s32 $0xB400, s16;
	[smem:$0x7F7] =	sst s24  }
0x76: {  	s19 =	sadd.s32 $0xBA00, s5;
	s1 =	sadd.s32 $0x7E00, s16;
	[smem:$0x7F8] =	sst s26  }
0x77: {  	s20 =	sadd.s32 $0xC000, s5;
	s6 =	sadd.s32 $0xC000, s16;
	[smem:$0x7EF] =	sst s1  }
0x78: {  	s21 =	sadd.s32 $0xC600, s5;
	s17 =	sadd.s32 $0xC600, s16;
	[smem:$0x7FA] =	sst s6  }
.Ltmp0:
0x79: {  	s24 =	sadd.s32 $0xCC00, s16;
	[smem:$0x7FB] =	sst s17;
	(pc) =	sbr.rel .LBB2_1-.Ltmp0, $4  }
0x7a: {  	s23 =	sadd.s32 $0xD200, s5;
	s26 =	sadd.s32 $0xD200, s16;
	[smem:$0x7FC] =	sst s24  }
0x7b: {  	s14 =	sadd.s32 $0xA800, s5;
	s1 =	sadd.s32 $0x9C00, s16;
	[smem:$0x7FD] =	sst s26  }
0x7c: {  	s0 =	simm.s32 $0x2;
	[smem:$0x7F4] =	sst s1;
	s1 =	sadd.s32 $0xBA00, s16  }
0x7d: {  	s24 =	sadd.s32 $0x10, s2;
	s26 =	sadd.s32 $0x20, s2;
	[smem:$0x7F9] =	sst s1  }
.LBB2_5:
0x7e: {  	s25 =	sadd.s32 $0xFFFFFFFF, s25  }
0x7f: {  	p1 =	sne.s32 s25, $0x0  }
.Ltmp1:
0x80: {  	_ = 	snop;
	(pc) =	sbr.rel @!p1 .LBB2_6-.Ltmp1, $1  }
0x81: {  	_ =	sdelay $0x3  }
.LBB2_1:
0x82: {  	[tilespmem:s3], [sflag:$0x1] =	stream.linear.gather [hbm4b:s2+s3], $0x80, $0x38;
	[tilespmem:$0x3000] =	vst v63  }
0x83: {  	s1 =	simm.s32 $0x400  }
0x84: {  	[tilespmem:s1], [sflag:$0x1] =	stream.linear.gather [hbm4b:s24+s3], $0x80, $0x38;
	[tilespmem:$0x3000] =	vst v63  }
0x85: {  	s6 =	simm.s32 $0x800  }
0x86: {  	[tilespmem:s6], [sflag:$0x1] =	stream.linear.gather [hbm4b:s26+s3], $0x80, $0x38;
	[tilespmem:$0x3000] =	vst v63  }
0x87: {  	s17 =	simm.s32 $0xC00  }
0x88: {  	[tilespmem:s17], [sflag:$0x1] =	stream.linear.gather [hbm4b:s28+s3], $0x80, $0x38;
	[tilespmem:$0x3000] =	vst v63  }
0x89: {  	s6 =	simm.s32 $0x1000  }
0x8a: {  	[tilespmem:s6], [sflag:$0x1] =	stream.linear.gather [hbm4b:s29+s3], $0x80, $0x38;
	[tilespmem:$0x3000] =	vst v63  }
0x8b: {  	s17 =	simm.s32 $0x1400  }
0x8c: {  	[tilespmem:s17], [sflag:$0x1] =	stream.linear.gather [hbm4b:s30+s3], $0x80, $0x38;
	[tilespmem:$0x3000] =	vst v63  }
0x8d: {  	s6 =	simm.s32 $0x80  }
0x8e: {  	[tilespmem:s6], [sflag:$0x1] =	stream.linear.gather [hbm4b:s2+s3], $0x80, $0x38;
	[tilespmem:$0x3000] =	vst v63  }
0x8f: {  	s17 =	simm.s32 $0x480  }
0x90: {  	[tilespmem:s17], [sflag:$0x1] =	stream.linear.gather [hbm4b:s24+s3], $0x80, $0x38;
	[tilespmem:$0x3000] =	vst v63  }
0x91: {  	s6 =	simm.s32 $0x880  }
0x92: {  	[tilespmem:s6], [sflag:$0x1] =	stream.linear.gather [hbm4b:s26+s3], $0x80, $0x38;
	[tilespmem:$0x3000] =	vst v63  }
0x93: {  	s17 =	simm.s32 $0xC80  }
0x94: {  	[tilespmem:s17], [sflag:$0x1] =	stream.linear.gather [hbm4b:s28+s3], $0x80, $0x38;
	[tilespmem:$0x3000] =	vst v63  }
0x95: {  	s6 =	simm.s32 $0x1080  }
0x96: {  	[tilespmem:s6], [sflag:$0x1] =	stream.linear.gather [hbm4b:s29+s3], $0x80, $0x38;
	[tilespmem:$0x3000] =	vst v63  }
0x97: {  	s17 =	simm.s32 $0x1480  }
0x98: {  	[tilespmem:s17], [sflag:$0x1] =	stream.linear.gather [hbm4b:s30+s3], $0x80, $0x38;
	[tilespmem:$0x3000] =	vst v63  }
0x99: {  	s6 =	simm.s32 $0x100  }
0x9a: {  	[tilespmem:s6], [sflag:$0x1] =	stream.linear.gather [hbm4b:s2+s3], $0x80, $0x38;
	[tilespmem:$0x3000] =	vst v63  }
0x9b: {  	s17 =	simm.s32 $0x500  }
0x9c: {  	[tilespmem:s17], [sflag:$0x1] =	stream.linear.gather [hbm4b:s24+s3], $0x80, $0x38;
	[tilespmem:$0x3000] =	vst v63  }
0x9d: {  	s6 =	simm.s32 $0x900  }
0x9e: {  	[tilespmem:s6], [sflag:$0x1] =	stream.linear.gather [hbm4b:s26+s3], $0x80, $0x38;
	[tilespmem:$0x3000] =	vst v63  }
0x9f: {  	s17 =	simm.s32 $0xD00  }
0xa0: {  	[tilespmem:s17], [sflag:$0x1] =	stream.linear.gather [hbm4b:s28+s3], $0x80, $0x38;
	[tilespmem:$0x3000] =	vst v63  }
0xa1: {  	s6 =	simm.s32 $0x1100  }
0xa2: {  	[tilespmem:s6], [sflag:$0x1] =	stream.linear.gather [hbm4b:s29+s3], $0x80, $0x38;
	[tilespmem:$0x3000] =	vst v63  }
0xa3: {  	s17 =	simm.s32 $0x1500  }
0xa4: {  	[tilespmem:s17], [sflag:$0x1] =	stream.linear.gather [hbm4b:s30+s3], $0x80, $0x38;
	[tilespmem:$0x3000] =	vst v63  }
0xa5: {  	s6 =	simm.s32 $0x180  }
0xa6: {  	[tilespmem:s6], [sflag:$0x1] =	stream.linear.gather [hbm4b:s2+s3], $0x80, $0x38;
	[tilespmem:$0x3000] =	vst v63  }
0xa7: {  	s17 =	simm.s32 $0x580  }
0xa8: {  	[tilespmem:s17], [sflag:$0x1] =	stream.linear.gather [hbm4b:s24+s3], $0x80, $0x38;
	[tilespmem:$0x3000] =	vst v63  }
0xa9: {  	s6 =	simm.s32 $0x980  }
0xaa: {  	[tilespmem:s6], [sflag:$0x1] =	stream.linear.gather [hbm4b:s26+s3], $0x80, $0x38;
	[tilespmem:$0x3000] =	vst v63  }
0xab: {  	s17 =	simm.s32 $0xD80  }
0xac: {  	[tilespmem:s17], [sflag:$0x1] =	stream.linear.gather [hbm4b:s28+s3], $0x80, $0x38;
	[tilespmem:$0x3000] =	vst v63  }
0xad: {  	s6 =	simm.s32 $0x1180  }
0xae: {  	[tilespmem:s6], [sflag:$0x1] =	stream.linear.gather [hbm4b:s29+s3], $0x80, $0x38;
	[tilespmem:$0x3000] =	vst v63  }
0xaf: {  	s17 =	simm.s32 $0x1580  }
0xb0: {  	[tilespmem:s17], [sflag:$0x1] =	stream.linear.gather [hbm4b:s30+s3], $0x80, $0x38;
	[tilespmem:$0x3000] =	vst v63  }
0xb1: {  	s6 =	simm.s32 $0x200  }
0xb2: {  	[tilespmem:s6], [sflag:$0x1] =	stream.linear.gather [hbm4b:s2+s3], $0x80, $0x38;
	[tilespmem:$0x3000] =	vst v63  }
0xb3: {  	s17 =	simm.s32 $0x600  }
0xb4: {  	[tilespmem:s17], [sflag:$0x1] =	stream.linear.gather [hbm4b:s24+s3], $0x80, $0x38;
	[tilespmem:$0x3000] =	vst v63  }
0xb5: {  	s6 =	simm.s32 $0xA00  }
0xb6: {  	[tilespmem:s6], [sflag:$0x1] =	stream.linear.gather [hbm4b:s26+s3], $0x80, $0x38;
	[tilespmem:$0x3000] =	vst v63  }
0xb7: {  	s17 =	simm.s32 $0xE00  }
0xb8: {  	[tilespmem:s17], [sflag:$0x1] =	stream.linear.gather [hbm4b:s28+s3], $0x80, $0x38;
	[tilespmem:$0x3000] =	vst v63  }
0xb9: {  	s6 =	simm.s32 $0x1200  }
0xba: {  	[tilespmem:s6], [sflag:$0x1] =	stream.linear.gather [hbm4b:s29+s3], $0x80, $0x38;
	[tilespmem:$0x3000] =	vst v63  }
0xbb: {  	s17 =	simm.s32 $0x1600  }
0xbc: {  	[tilespmem:s17], [sflag:$0x1] =	stream.linear.gather [hbm4b:s30+s3], $0x80, $0x38;
	[tilespmem:$0x3000] =	vst v63  }
0xbd: {  	s6 =	simm.s32 $0x280  }
0xbe: {  	[tilespmem:s6], [sflag:$0x1] =	stream.linear.gather [hbm4b:s2+s3], $0x80, $0x38;
	[tilespmem:$0x3000] =	vst v63  }
0xbf: {  	s17 =	simm.s32 $0x680  }
0xc0: {  	[tilespmem:s17], [sflag:$0x1] =	stream.linear.gather [hbm4b:s24+s3], $0x80, $0x38;
	[tilespmem:$0x3000] =	vst v63  }
0xc1: {  	s6 =	simm.s32 $0xA80  }
0xc2: {  	[tilespmem:s6], [sflag:$0x1] =	stream.linear.gather [hbm4b:s26+s3], $0x80, $0x38;
	[tilespmem:$0x3000] =	vst v63  }
0xc3: {  	s17 =	simm.s32 $0xE80  }
0xc4: {  	[tilespmem:s17], [sflag:$0x1] =	stream.linear.gather [hbm4b:s28+s3], $0x80, $0x38;
	[tilespmem:$0x3000] =	vst v63  }
0xc5: {  	s6 =	simm.s32 $0x1280  }
0xc6: {  	[tilespmem:s6], [sflag:$0x1] =	stream.linear.gather [hbm4b:s29+s3], $0x80, $0x38;
	[tilespmem:$0x3000] =	vst v63  }
0xc7: {  	s17 =	simm.s32 $0x1680  }
0xc8: {  	[tilespmem:s17], [sflag:$0x1] =	stream.linear.gather [hbm4b:s30+s3], $0x80, $0x38;
	[tilespmem:$0x3000] =	vst v63  }
0xc9: {  	s6 =	simm.s32 $0x300  }
0xca: {  	[tilespmem:s6], [sflag:$0x1] =	stream.linear.gather [hbm4b:s2+s3], $0x80, $0x38;
	[tilespmem:$0x3000] =	vst v63  }
0xcb: {  	s17 =	simm.s32 $0x700  }
0xcc: {  	[tilespmem:s17], [sflag:$0x1] =	stream.linear.gather [hbm4b:s24+s3], $0x80, $0x38;
	[tilespmem:$0x3000] =	vst v63  }
0xcd: {  	s6 =	simm.s32 $0xB00  }
0xce: {  	[tilespmem:s6], [sflag:$0x1] =	stream.linear.gather [hbm4b:s26+s3], $0x80, $0x38;
	[tilespmem:$0x3000] =	vst v63  }
0xcf: {  	s17 =	simm.s32 $0xF00  }
0xd0: {  	[tilespmem:s17], [sflag:$0x1] =	stream.linear.gather [hbm4b:s28+s3], $0x80, $0x38;
	[tilespmem:$0x3000] =	vst v63  }
0xd1: {  	s6 =	simm.s32 $0x1300  }
0xd2: {  	[tilespmem:s6], [sflag:$0x1] =	stream.linear.gather [hbm4b:s29+s3], $0x80, $0x38;
	[tilespmem:$0x3000] =	vst v63  }
0xd3: {  	s17 =	simm.s32 $0x1700  }
0xd4: {  	[tilespmem:s17], [sflag:$0x1] =	stream.linear.gather [hbm4b:s30+s3], $0x80, $0x38;
	[tilespmem:$0x3000] =	vst v63  }
0xd5: {  	s6 =	simm.s32 $0x380  }
0xd6: {  	[tilespmem:s6], [sflag:$0x1] =	stream.linear.gather [hbm4b:s2+s3], $0x80, $0x38;
	[tilespmem:$0x3000] =	vst v63  }
0xd7: {  	s17 =	simm.s32 $0x780  }
0xd8: {  	[tilespmem:s17], [sflag:$0x1] =	stream.linear.gather [hbm4b:s24+s3], $0x80, $0x38;
	[tilespmem:$0x3000] =	vst v63  }
0xd9: {  	s6 =	simm.s32 $0xB80  }
0xda: {  	[tilespmem:s6], [sflag:$0x1] =	stream.linear.gather [hbm4b:s26+s3], $0x80, $0x38;
	[tilespmem:$0x3000] =	vst v63  }
0xdb: {  	s17 =	simm.s32 $0xF80  }
0xdc: {  	[tilespmem:s17], [sflag:$0x1] =	stream.linear.gather [hbm4b:s28+s3], $0x80, $0x38;
	[tilespmem:$0x3000] =	vst v63  }
0xdd: {  	s6 =	simm.s32 $0x1380  }
0xde: {  	[tilespmem:s6], [sflag:$0x1] =	stream.linear.gather [hbm4b:s29+s3], $0x80, $0x38;
	[tilespmem:$0x3000] =	vst v63  }
0xdf: {  	s17 =	simm.s32 $0x1780  }
0xe0: {  	[tilespmem:s17], [sflag:$0x1] =	stream.linear.gather [hbm4b:s30+s3], $0x80, $0x38;
	[tilespmem:$0x3000] =	vst v63  }
0xe1: {  	s6 =	simm.s32 $0x1800  }
0xe2: {  	[tilespmem:s6], [sflag:$0x1] =	stream.linear.gather [hbm4b:s2+s3], $0x80, $0x38;
	[tilespmem:$0x3000] =	vst v63  }
0xe3: {  	s17 =	simm.s32 $0x1C00  }
0xe4: {  	[tilespmem:s17], [sflag:$0x1] =	stream.linear.gather [hbm4b:s24+s3], $0x80, $0x38;
	[tilespmem:$0x3000] =	vst v63  }
0xe5: {  	s6 =	simm.s32 $0x2000  }
0xe6: {  	[tilespmem:s6], [sflag:$0x1] =	stream.linear.gather [hbm4b:s26+s3], $0x80, $0x38;
	[tilespmem:$0x3000] =	vst v63  }
0xe7: {  	s17 =	simm.s32 $0x2400  }
0xe8: {  	[tilespmem:s17], [sflag:$0x1] =	stream.linear.gather [hbm4b:s28+s3], $0x80, $0x38;
	[tilespmem:$0x3000] =	vst v63  }
0xe9: {  	s6 =	simm.s32 $0x2800  }
0xea: {  	[tilespmem:s6], [sflag:$0x1] =	stream.linear.gather [hbm4b:s29+s3], $0x80, $0x38;
	[tilespmem:$0x3000] =	vst v63  }
0xeb: {  	s17 =	simm.s32 $0x2C00  }
0xec: {  	[tilespmem:s17], [sflag:$0x1] =	stream.linear.gather [hbm4b:s30+s3], $0x80, $0x38;
	[tilespmem:$0x3000] =	vst v63  }
0xed: {  	s6 =	simm.s32 $0x1880  }
0xee: {  	[tilespmem:s6], [sflag:$0x1] =	stream.linear.gather [hbm4b:s2+s3], $0x80, $0x38;
	[tilespmem:$0x3000] =	vst v63  }
0xef: {  	s17 =	simm.s32 $0x1C80  }
0xf0: {  	[tilespmem:s17], [sflag:$0x1] =	stream.linear.gather [hbm4b:s24+s3], $0x80, $0x38;
	[tilespmem:$0x3000] =	vst v63  }
0xf1: {  	s6 =	simm.s32 $0x2080  }
0xf2: {  	[tilespmem:s6], [sflag:$0x1] =	stream.linear.gather [hbm4b:s26+s3], $0x80, $0x38;
	[tilespmem:$0x3000] =	vst v63  }
0xf3: {  	s17 =	simm.s32 $0x2480  }
0xf4: {  	[tilespmem:s17], [sflag:$0x1] =	stream.linear.gather [hbm4b:s28+s3], $0x80, $0x38;
	[tilespmem:$0x3000] =	vst v63  }
0xf5: {  	s6 =	simm.s32 $0x2880  }
0xf6: {  	[tilespmem:s6], [sflag:$0x1] =	stream.linear.gather [hbm4b:s29+s3], $0x80, $0x38;
	[tilespmem:$0x3000] =	vst v63  }
0xf7: {  	s17 =	simm.s32 $0x2C80  }
0xf8: {  	[tilespmem:s17], [sflag:$0x1] =	stream.linear.gather [hbm4b:s30+s3], $0x80, $0x38;
	[tilespmem:$0x3000] =	vst v63  }
0xf9: {  	s6 =	simm.s32 $0x1900  }
0xfa: {  	[tilespmem:s6], [sflag:$0x1] =	stream.linear.gather [hbm4b:s2+s3], $0x80, $0x38;
	[tilespmem:$0x3000] =	vst v63  }
0xfb: {  	s17 =	simm.s32 $0x1D00  }
0xfc: {  	[tilespmem:s17], [sflag:$0x1] =	stream.linear.gather [hbm4b:s24+s3], $0x80, $0x38;
	[tilespmem:$0x3000] =	vst v63  }
0xfd: {  	s6 =	simm.s32 $0x2100  }
0xfe: {  	[tilespmem:s6], [sflag:$0x1] =	stream.linear.gather [hbm4b:s26+s3], $0x80, $0x38;
	[tilespmem:$0x3000] =	vst v63  }
0xff: {  	s17 =	simm.s32 $0x2500  }
0x100: {  	[tilespmem:s17], [sflag:$0x1] =	stream.linear.gather [hbm4b:s28+s3], $0x80, $0x38;
	[tilespmem:$0x3000] =	vst v63  }
0x101: {  	s6 =	simm.s32 $0x2900  }
0x102: {  	[tilespmem:s6], [sflag:$0x1] =	stream.linear.gather [hbm4b:s29+s3], $0x80, $0x38;
	[tilespmem:$0x3000] =	vst v63  }
0x103: {  	s17 =	simm.s32 $0x2D00  }
0x104: {  	[tilespmem:s17], [sflag:$0x1] =	stream.linear.gather [hbm4b:s30+s3], $0x80, $0x38;
	[tilespmem:$0x3000] =	vst v63  }
0x105: {  	s6 =	simm.s32 $0x1980  }
0x106: {  	[tilespmem:s6], [sflag:$0x1] =	stream.linear.gather [hbm4b:s2+s3], $0x80, $0x38;
	[tilespmem:$0x3000] =	vst v63  }
0x107: {  	s17 =	simm.s32 $0x1D80  }
0x108: {  	[tilespmem:s17], [sflag:$0x1] =	stream.linear.gather [hbm4b:s24+s3], $0x80, $0x38;
	[tilespmem:$0x3000] =	vst v63  }
0x109: {  	s6 =	simm.s32 $0x2180  }
0x10a: {  	[tilespmem:s6], [sflag:$0x1] =	stream.linear.gather [hbm4b:s26+s3], $0x80, $0x38;
	[tilespmem:$0x3000] =	vst v63  }
0x10b: {  	s17 =	simm.s32 $0x2580  }
0x10c: {  	[tilespmem:s17], [sflag:$0x1] =	stream.linear.gather [hbm4b:s28+s3], $0x80, $0x38;
	[tilespmem:$0x3000] =	vst v63  }
0x10d: {  	s6 =	simm.s32 $0x2980  }
0x10e: {  	[tilespmem:s6], [sflag:$0x1] =	stream.linear.gather [hbm4b:s29+s3], $0x80, $0x38;
	[tilespmem:$0x3000] =	vst v63  }
0x10f: {  	s17 =	simm.s32 $0x2D80  }
0x110: {  	[tilespmem:s17], [sflag:$0x1] =	stream.linear.gather [hbm4b:s30+s3], $0x80, $0x38;
	[tilespmem:$0x3000] =	vst v63  }
0x111: {  	s6 =	simm.s32 $0x1A00  }
0x112: {  	[tilespmem:s6], [sflag:$0x1] =	stream.linear.gather [hbm4b:s2+s3], $0x80, $0x38;
	[tilespmem:$0x3000] =	vst v63  }
0x113: {  	s17 =	simm.s32 $0x1E00  }
0x114: {  	[tilespmem:s17], [sflag:$0x1] =	stream.linear.gather [hbm4b:s24+s3], $0x80, $0x38;
	[tilespmem:$0x3000] =	vst v63  }
0x115: {  	s6 =	simm.s32 $0x2200  }
0x116: {  	[tilespmem:s6], [sflag:$0x1] =	stream.linear.gather [hbm4b:s26+s3], $0x80, $0x38;
	[tilespmem:$0x3000] =	vst v63  }
0x117: {  	s17 =	simm.s32 $0x2600  }
0x118: {  	[tilespmem:s17], [sflag:$0x1] =	stream.linear.gather [hbm4b:s28+s3], $0x80, $0x38;
	[tilespmem:$0x3000] =	vst v63  }
0x119: {  	s6 =	simm.s32 $0x2A00  }
0x11a: {  	[tilespmem:s6], [sflag:$0x1] =	stream.linear.gather [hbm4b:s29+s3], $0x80, $0x38;
	[tilespmem:$0x3000] =	vst v63  }
0x11b: {  	s17 =	simm.s32 $0x2E00  }
0x11c: {  	[tilespmem:s17], [sflag:$0x1] =	stream.linear.gather [hbm4b:s30+s3], $0x80, $0x38;
	[tilespmem:$0x3000] =	vst v63  }
0x11d: {  	s6 =	simm.s32 $0x1A80  }
0x11e: {  	[tilespmem:s6], [sflag:$0x1] =	stream.linear.gather [hbm4b:s2+s3], $0x80, $0x38;
	[tilespmem:$0x3000] =	vst v63  }
0x11f: {  	s17 =	simm.s32 $0x1E80  }
0x120: {  	[tilespmem:s17], [sflag:$0x1] =	stream.linear.gather [hbm4b:s24+s3], $0x80, $0x38;
	[tilespmem:$0x3000] =	vst v63  }
0x121: {  	s6 =	simm.s32 $0x2280  }
0x122: {  	[tilespmem:s6], [sflag:$0x1] =	stream.linear.gather [hbm4b:s26+s3], $0x80, $0x38;
	[tilespmem:$0x3000] =	vst v63  }
0x123: {  	s17 =	simm.s32 $0x2680  }
0x124: {  	[tilespmem:s17], [sflag:$0x1] =	stream.linear.gather [hbm4b:s28+s3], $0x80, $0x38;
	[tilespmem:$0x3000] =	vst v63  }
0x125: {  	s6 =	simm.s32 $0x2A80  }
0x126: {  	[tilespmem:s6], [sflag:$0x1] =	stream.linear.gather [hbm4b:s29+s3], $0x80, $0x38;
	[tilespmem:$0x3000] =	vst v63  }
0x127: {  	s17 =	simm.s32 $0x2E80  }
0x128: {  	[tilespmem:s17], [sflag:$0x1] =	stream.linear.gather [hbm4b:s30+s3], $0x80, $0x38;
	[tilespmem:$0x3000] =	vst v63  }
0x129: {  	s6 =	simm.s32 $0x1B00  }
0x12a: {  	[tilespmem:s6], [sflag:$0x1] =	stream.linear.gather [hbm4b:s2+s3], $0x80, $0x38;
	[tilespmem:$0x3000] =	vst v63  }
0x12b: {  	s17 =	simm.s32 $0x1F00  }
0x12c: {  	[tilespmem:s17], [sflag:$0x1] =	stream.linear.gather [hbm4b:s24+s3], $0x80, $0x38;
	[tilespmem:$0x3000] =	vst v63  }
0x12d: {  	s6 =	simm.s32 $0x2300  }
0x12e: {  	[tilespmem:s6], [sflag:$0x1] =	stream.linear.gather [hbm4b:s26+s3], $0x80, $0x38;
	[tilespmem:$0x3000] =	vst v63  }
0x12f: {  	s17 =	simm.s32 $0x2700  }
0x130: {  	[tilespmem:s17], [sflag:$0x1] =	stream.linear.gather [hbm4b:s28+s3], $0x80, $0x38;
	[tilespmem:$0x3000] =	vst v63  }
0x131: {  	s6 =	simm.s32 $0x2B00  }
0x132: {  	[tilespmem:s6], [sflag:$0x1] =	stream.linear.gather [hbm4b:s29+s3], $0x80, $0x38;
	[tilespmem:$0x3000] =	vst v63  }
0x133: {  	s17 =	simm.s32 $0x2F00  }
0x134: {  	[tilespmem:s17], [sflag:$0x1] =	stream.linear.gather [hbm4b:s30+s3], $0x80, $0x38;
	[tilespmem:$0x3000] =	vst v63  }
0x135: {  	s6 =	simm.s32 $0x1B80  }
0x136: {  	[tilespmem:s6], [sflag:$0x1] =	stream.linear.gather [hbm4b:s2+s3], $0x80, $0x38;
	[tilespmem:$0x3000] =	vst v63  }
0x137: {  	s17 =	simm.s32 $0x1F80  }
0x138: {  	[tilespmem:s17], [sflag:$0x1] =	stream.linear.gather [hbm4b:s24+s3], $0x80, $0x38;
	[tilespmem:$0x3000] =	vst v63  }
0x139: {  	s6 =	simm.s32 $0x2380  }
0x13a: {  	[tilespmem:s6], [sflag:$0x1] =	stream.linear.gather [hbm4b:s26+s3], $0x80, $0x38;
	[tilespmem:$0x3000] =	vst v63  }
0x13b: {  	s17 =	simm.s32 $0x2780  }
0x13c: {  	[tilespmem:s17], [sflag:$0x1] =	stream.linear.gather [hbm4b:s28+s3], $0x80, $0x38;
	[tilespmem:$0x3000] =	vst v63  }
0x13d: {  	s6 =	simm.s32 $0x2B80  }
0x13e: {  	[tilespmem:s6], [sflag:$0x1] =	stream.linear.gather [hbm4b:s29+s3], $0x80, $0x38;
	[tilespmem:$0x3000] =	vst v63  }
0x13f: {  	s17 =	simm.s32 $0x2F80  }
0x140: {  	[tilespmem:s17], [sflag:$0x1] =	stream.linear.gather [hbm4b:s30+s3], $0x80, $0x38;
	[tilespmem:$0x3000] =	vst v63  }
0x141: {  	_ =	swait.ge [sflag:s31], $0x300  }
0x142: {  	[sflag:s31] =	ssyncset.done $0x0  }
0x143: {  	[sflag:s31] =	ssyncadd.s32 $0xFFFFFD00  }
0x144: {  	_ =	swait.ge [sflag:s31], $0x300  }
0x145: {  	[sflag:s31] =	ssyncset.done $0x0  }
0x146: {  	[sflag:s31] =	ssyncadd.s32 $0xFFFFFD00  }
0x147: {  	_ =	swait.ge [sflag:s31], $0x300  }
0x148: {  	[sflag:s31] =	ssyncset.done $0x0  }
0x149: {  	[sflag:s31] =	ssyncadd.s32 $0xFFFFFD00  }
0x14a: {  	_ =	swait.ge [sflag:s31], $0x300  }
0x14b: {  	[sflag:s31] =	ssyncset.done $0x0  }
0x14c: {  	[sflag:s31] =	ssyncadd.s32 $0xFFFFFD00  }
0x14d: {  	_ =	swait.ge [sflag:s31], $0x300  }
0x14e: {  	[sflag:s31] =	ssyncset.done $0x0  }
0x14f: {  	[sflag:s31] =	ssyncadd.s32 $0xFFFFFD00  }
0x150: {  	_ =	swait.ge [sflag:s31], $0x300  }
0x151: {  	[sflag:s31] =	ssyncset.done $0x0  }
0x152: {  	[sflag:s31] =	ssyncadd.s32 $0xFFFFFD00  }
0x153: {  	_ =	swait.ge [sflag:s31], $0x300  }
0x154: {  	[sflag:s31] =	ssyncset.done $0x0  }
0x155: {  	[sflag:s31] =	ssyncadd.s32 $0xFFFFFD00  }
0x156: {  	_ =	swait.ge [sflag:s31], $0x300  }
0x157: {  	[sflag:s31] =	ssyncset.done $0x0  }
0x158: {  	[sflag:s31] =	ssyncadd.s32 $0xFFFFFD00  }
0x159: {  	_ =	swait.ge [sflag:s31], $0x300  }
0x15a: {  	[sflag:s31] =	ssyncset.done $0x0  }
0x15b: {  	[sflag:s31] =	ssyncadd.s32 $0xFFFFFD00  }
0x15c: {  	_ =	swait.ge [sflag:s31], $0x300  }
0x15d: {  	[sflag:s31] =	ssyncset.done $0x0  }
0x15e: {  	[sflag:s31] =	ssyncadd.s32 $0xFFFFFD00  }
0x15f: {  	_ =	swait.ge [sflag:s31], $0x300  }
0x160: {  	[sflag:s31] =	ssyncset.done $0x0  }
0x161: {  	[sflag:s31] =	ssyncadd.s32 $0xFFFFFD00  }
0x162: {  	_ =	swait.ge [sflag:s31], $0x300  }
0x163: {  	[sflag:s31] =	ssyncset.done $0x0  }
0x164: {  	[sflag:s31] =	ssyncadd.s32 $0xFFFFFD00  }
0x165: {  	_ =	swait.ge [sflag:s31], $0x300  }
0x166: {  	[sflag:s31] =	ssyncset.done $0x0  }
0x167: {  	[sflag:s31] =	ssyncadd.s32 $0xFFFFFD00  }
0x168: {  	_ =	swait.ge [sflag:s31], $0x300  }
0x169: {  	[sflag:s31] =	ssyncset.done $0x0  }
0x16a: {  	[sflag:s31] =	ssyncadd.s32 $0xFFFFFD00  }
0x16b: {  	_ =	swait.ge [sflag:s31], $0x300  }
0x16c: {  	[sflag:s31] =	ssyncset.done $0x0  }
0x16d: {  	[sflag:s31] =	ssyncadd.s32 $0xFFFFFD00  }
0x16e: {  	_ =	swait.ge [sflag:s31], $0x300  }
0x16f: {  	[sflag:s31] =	ssyncset.done $0x0  }
0x170: {  	[sflag:s31] =	ssyncadd.s32 $0xFFFFFD00  }
0x171: {  	[hbm4b:s5+s3] =	stream.linear.scatter [tilespmem:s3], [sflag:$0x3], $0x3000, $0x38;
	[tilespmem:$0x3000] =	vst v63  }
0x172: {  	s6 =	rddreg [dreg:$0x4]  }
0x173: {  	[hbm4b:s6+s3] =	stream.linear.scatter [tilespmem:s3], [sflag:$0x3], $0x3000, $0x38;
	[tilespmem:$0x3000] =	vst v63  }
0x174: {  	s17 =	rddreg [dreg:$0x5]  }
0x175: {  	[hbm4b:s17+s3] =	stream.linear.scatter [tilespmem:s3], [sflag:$0x3], $0x3000, $0x38;
	[tilespmem:$0x3000] =	vst v63  }
0x176: {  	s6 =	rddreg [dreg:$0x6]  }
0x177: {  	[hbm4b:s6+s3] =	stream.linear.scatter [tilespmem:s3], [sflag:$0x3], $0x3000, $0x38;
	[tilespmem:$0x3000] =	vst v63  }
0x178: {  	s17 =	rddreg [dreg:$0x7]  }
0x179: {  	[hbm4b:s17+s3] =	stream.linear.scatter [tilespmem:s3], [sflag:$0x3], $0x3000, $0x38;
	[tilespmem:$0x3000] =	vst v63  }
0x17a: {  	s6 =	rddreg [dreg:$0x8]  }
0x17b: {  	[hbm4b:s6+s3] =	stream.linear.scatter [tilespmem:s3], [sflag:$0x3], $0x3000, $0x38;
	[tilespmem:$0x3000] =	vst v63  }
0x17c: {  	s17 =	rddreg [dreg:$0x9]  }
0x17d: {  	[hbm4b:s17+s3] =	stream.linear.scatter [tilespmem:s3], [sflag:$0x3], $0x3000, $0x38;
	[tilespmem:$0x3000] =	vst v63  }
0x17e: {  	s6 =	rddreg [dreg:$0xa]  }
0x17f: {  	[hbm4b:s6+s3] =	stream.linear.scatter [tilespmem:s3], [sflag:$0x3], $0x3000, $0x38;
	[tilespmem:$0x3000] =	vst v63  }
0x180: {  	s17 =	rddreg [dreg:$0xb]  }
0x181: {  	[hbm4b:s17+s3] =	stream.linear.scatter [tilespmem:s3], [sflag:$0x3], $0x3000, $0x38;
	[tilespmem:$0x3000] =	vst v63  }
0x182: {  	s6 =	rddreg [dreg:$0xc]  }
0x183: {  	[hbm4b:s6+s3] =	stream.linear.scatter [tilespmem:s3], [sflag:$0x3], $0x3000, $0x38;
	[tilespmem:$0x3000] =	vst v63  }
0x184: {  	s17 =	rddreg [dreg:$0xd]  }
0x185: {  	[hbm4b:s17+s3] =	stream.linear.scatter [tilespmem:s3], [sflag:$0x3], $0x3000, $0x38;
	[tilespmem:$0x3000] =	vst v63  }
0x186: {  	s6 =	rddreg [dreg:$0x15]  }
0x187: {  	[hbm4b:s6+s3] =	stream.linear.scatter [tilespmem:s3], [sflag:$0x3], $0x3000, $0x38;
	[tilespmem:$0x3000] =	vst v63  }
0x188: {  	s17 =	rddreg [dreg:$0x16]  }
0x189: {  	[hbm4b:s17+s3] =	stream.linear.scatter [tilespmem:s3], [sflag:$0x3], $0x3000, $0x38;
	[tilespmem:$0x3000] =	vst v63  }
0x18a: {  	s6 =	rddreg [dreg:$0x17]  }
0x18b: {  	[hbm4b:s6+s3] =	stream.linear.scatter [tilespmem:s3], [sflag:$0x3], $0x3000, $0x38;
	[tilespmem:$0x3000] =	vst v63  }
0x18c: {  	s17 =	rddreg [dreg:$0x18]  }
0x18d: {  	[hbm4b:s17+s3] =	stream.linear.scatter [tilespmem:s3], [sflag:$0x3], $0x3000, $0x38;
	[tilespmem:$0x3000] =	vst v63  }
0x18e: {  	s6 =	rddreg [dreg:$0x19]  }
0x18f: {  	[hbm4b:s6+s3] =	stream.linear.scatter [tilespmem:s3], [sflag:$0x3], $0x3000, $0x38;
	[tilespmem:$0x3000] =	vst v63  }
0x190: {  	s17 =	rddreg [dreg:$0x1a]  }
0x191: {  	[hbm4b:s17+s3] =	stream.linear.scatter [tilespmem:s3], [sflag:$0x3], $0x3000, $0x38;
	[tilespmem:$0x3000] =	vst v63  }
0x192: {  	s6 =	rddreg [dreg:$0x1b]  }
0x193: {  	[hbm4b:s6+s3] =	stream.linear.scatter [tilespmem:s3], [sflag:$0x3], $0x3000, $0x38;
	[tilespmem:$0x3000] =	vst v63  }
0x194: {  	s17 =	rddreg [dreg:$0x1c]  }
0x195: {  	[hbm4b:s17+s3] =	stream.linear.scatter [tilespmem:s3], [sflag:$0x3], $0x3000, $0x38;
	[tilespmem:$0x3000] =	vst v63  }
0x196: {  	s6 =	rddreg [dreg:$0x1d]  }
0x197: {  	[hbm4b:s6+s3] =	stream.linear.scatter [tilespmem:s3], [sflag:$0x3], $0x3000, $0x38;
	[tilespmem:$0x3000] =	vst v63  }
0x198: {  	s17 =	rddreg [dreg:$0x1e]  }
0x199: {  	[hbm4b:s17+s3] =	stream.linear.scatter [tilespmem:s3], [sflag:$0x3], $0x3000, $0x38;
	[tilespmem:$0x3000] =	vst v63  }
0x19a: {  	_ = 	snop  }
0x19b: {  	[hbm4b:s7+s3] =	stream.linear.scatter [tilespmem:s3], [sflag:$0x3], $0x3000, $0x38;
	[tilespmem:$0x3000] =	vst v63  }
0x19c: {  	_ = 	snop  }
0x19d: {  	[hbm4b:s8+s3] =	stream.linear.scatter [tilespmem:s3], [sflag:$0x3], $0x3000, $0x38;
	[tilespmem:$0x3000] =	vst v63  }
0x19e: {  	_ = 	snop  }
0x19f: {  	[hbm4b:s9+s3] =	stream.linear.scatter [tilespmem:s3], [sflag:$0x3], $0x3000, $0x38;
	[tilespmem:$0x3000] =	vst v63  }
0x1a0: {  	_ = 	snop  }
0x1a1: {  	[hbm4b:s10+s3] =	stream.linear.scatter [tilespmem:s3], [sflag:$0x3], $0x3000, $0x38;
	[tilespmem:$0x3000] =	vst v63  }
0x1a2: {  	_ = 	snop  }
0x1a3: {  	[hbm4b:s11+s3] =	stream.linear.scatter [tilespmem:s3], [sflag:$0x3], $0x3000, $0x38;
	[tilespmem:$0x3000] =	vst v63  }
0x1a4: {  	_ = 	snop  }
0x1a5: {  	[hbm4b:s12+s3] =	stream.linear.scatter [tilespmem:s3], [sflag:$0x3], $0x3000, $0x38;
	[tilespmem:$0x3000] =	vst v63  }
0x1a6: {  	_ = 	snop  }
0x1a7: {  	[hbm4b:s13+s3] =	stream.linear.scatter [tilespmem:s3], [sflag:$0x3], $0x3000, $0x38;
	[tilespmem:$0x3000] =	vst v63  }
0x1a8: {  	_ = 	snop  }
0x1a9: {  	[hbm4b:s14+s3] =	stream.linear.scatter [tilespmem:s3], [sflag:$0x3], $0x3000, $0x38;
	[tilespmem:$0x3000] =	vst v63  }
0x1aa: {  	_ = 	snop  }
0x1ab: {  	[hbm4b:s15+s3] =	stream.linear.scatter [tilespmem:s3], [sflag:$0x3], $0x3000, $0x38;
	[tilespmem:$0x3000] =	vst v63  }
0x1ac: {  	_ = 	snop  }
0x1ad: {  	[hbm4b:s18+s3] =	stream.linear.scatter [tilespmem:s3], [sflag:$0x3], $0x3000, $0x38;
	[tilespmem:$0x3000] =	vst v63  }
0x1ae: {  	_ = 	snop  }
0x1af: {  	[hbm4b:s19+s3] =	stream.linear.scatter [tilespmem:s3], [sflag:$0x3], $0x3000, $0x38;
	[tilespmem:$0x3000] =	vst v63  }
0x1b0: {  	_ = 	snop  }
0x1b1: {  	[hbm4b:s20+s3] =	stream.linear.scatter [tilespmem:s3], [sflag:$0x3], $0x3000, $0x38;
	[tilespmem:$0x3000] =	vst v63  }
0x1b2: {  	_ = 	snop  }
0x1b3: {  	[hbm4b:s21+s3] =	stream.linear.scatter [tilespmem:s3], [sflag:$0x3], $0x3000, $0x38;
	[tilespmem:$0x3000] =	vst v63  }
.Ltmp2:
0x1b4: {  	_ = 	snop;
	(pc) =	sbr.rel @!p0 .LBB2_3-.Ltmp2, $4  }
0x1b5: {  	_ = 	snop  }
0x1b6: {  	[hbm4b:s22+s3] =	stream.linear.scatter [tilespmem:s3], [sflag:$0x3], $0x3000, $0x38;
	[tilespmem:$0x3000] =	vst v63  }
0x1b7: {  	_ = 	snop  }
0x1b8: {  	[hbm4b:s23+s3] =	stream.linear.scatter [tilespmem:s3], [sflag:$0x3], $0x3000, $0x38;
	[tilespmem:$0x3000] =	vst v63  }
0x1b9: {  	[hbm4b:s16+s3] =	stream.linear.scatter [tilespmem:s3], [sflag:$0x3], $0x3000, $0x38;
	[tilespmem:$0x3000] =	vst v63  }
0x1ba: {  	s1 =	rddreg [dreg:$0xe]  }
0x1bb: {  	s6 =	rddreg [dreg:$0x1f]  }
0x1bc: {  	[hbm4b:s1+s3] =	stream.linear.scatter [tilespmem:s3], [sflag:$0x3], $0x3000, $0x38;
	[tilespmem:$0x3000] =	vst v63  }
0x1bd: {  	s17 =	sld [smem:$0x7DD]  }
0x1be: {  	[hbm4b:s6+s3] =	stream.linear.scatter [tilespmem:s3], [sflag:$0x3], $0x3000, $0x38;
	[tilespmem:$0x3000] =	vst v63  }
0x1bf: {  	s6 =	sld [smem:$0x7DE]  }
0x1c0: {  	[hbm4b:s17+s3] =	stream.linear.scatter [tilespmem:s3], [sflag:$0x3], $0x3000, $0x38;
	[tilespmem:$0x3000] =	vst v63  }
0x1c1: {  	s17 =	sld [smem:$0x7DF]  }
0x1c2: {  	[hbm4b:s6+s3] =	stream.linear.scatter [tilespmem:s3], [sflag:$0x3], $0x3000, $0x38;
	[tilespmem:$0x3000] =	vst v63  }
0x1c3: {  	s6 =	sld [smem:$0x7E0]  }
0x1c4: {  	[hbm4b:s17+s3] =	stream.linear.scatter [tilespmem:s3], [sflag:$0x3], $0x3000, $0x38;
	[tilespmem:$0x3000] =	vst v63  }
0x1c5: {  	s17 =	sld [smem:$0x7E1]  }
0x1c6: {  	[hbm4b:s6+s3] =	stream.linear.scatter [tilespmem:s3], [sflag:$0x3], $0x3000, $0x38;
	[tilespmem:$0x3000] =	vst v63  }
0x1c7: {  	s6 =	sld [smem:$0x7E2]  }
0x1c8: {  	[hbm4b:s17+s3] =	stream.linear.scatter [tilespmem:s3], [sflag:$0x3], $0x3000, $0x38;
	[tilespmem:$0x3000] =	vst v63  }
0x1c9: {  	s17 =	sld [smem:$0x7E3]  }
0x1ca: {  	[hbm4b:s6+s3] =	stream.linear.scatter [tilespmem:s3], [sflag:$0x3], $0x3000, $0x38;
	[tilespmem:$0x3000] =	vst v63  }
0x1cb: {  	s6 =	sld [smem:$0x7E4]  }
0x1cc: {  	[hbm4b:s17+s3] =	stream.linear.scatter [tilespmem:s3], [sflag:$0x3], $0x3000, $0x38;
	[tilespmem:$0x3000] =	vst v63  }
0x1cd: {  	s17 =	sld [smem:$0x7E5]  }
0x1ce: {  	[hbm4b:s6+s3] =	stream.linear.scatter [tilespmem:s3], [sflag:$0x3], $0x3000, $0x38;
	[tilespmem:$0x3000] =	vst v63  }
0x1cf: {  	s6 =	sld [smem:$0x7E6]  }
0x1d0: {  	[hbm4b:s17+s3] =	stream.linear.scatter [tilespmem:s3], [sflag:$0x3], $0x3000, $0x38;
	[tilespmem:$0x3000] =	vst v63  }
0x1d1: {  	s17 =	sld [smem:$0x7E7]  }
0x1d2: {  	[hbm4b:s6+s3] =	stream.linear.scatter [tilespmem:s3], [sflag:$0x3], $0x3000, $0x38;
	[tilespmem:$0x3000] =	vst v63  }
0x1d3: {  	s6 =	sld [smem:$0x7E8]  }
0x1d4: {  	[hbm4b:s17+s3] =	stream.linear.scatter [tilespmem:s3], [sflag:$0x3], $0x3000, $0x38;
	[tilespmem:$0x3000] =	vst v63  }
0x1d5: {  	s17 =	sld [smem:$0x7E9]  }
0x1d6: {  	[hbm4b:s6+s3] =	stream.linear.scatter [tilespmem:s3], [sflag:$0x3], $0x3000, $0x38;
	[tilespmem:$0x3000] =	vst v63  }
0x1d7: {  	s6 =	sld [smem:$0x7EA]  }
0x1d8: {  	[hbm4b:s17+s3] =	stream.linear.scatter [tilespmem:s3], [sflag:$0x3], $0x3000, $0x38;
	[tilespmem:$0x3000] =	vst v63  }
0x1d9: {  	s17 =	sld [smem:$0x7EB]  }
0x1da: {  	[hbm4b:s6+s3] =	stream.linear.scatter [tilespmem:s3], [sflag:$0x3], $0x3000, $0x38;
	[tilespmem:$0x3000] =	vst v63  }
0x1db: {  	s6 =	sld [smem:$0x7EC]  }
0x1dc: {  	[hbm4b:s17+s3] =	stream.linear.scatter [tilespmem:s3], [sflag:$0x3], $0x3000, $0x38;
	[tilespmem:$0x3000] =	vst v63  }
0x1dd: {  	s17 =	sld [smem:$0x7ED]  }
0x1de: {  	[hbm4b:s6+s3] =	stream.linear.scatter [tilespmem:s3], [sflag:$0x3], $0x3000, $0x38;
	[tilespmem:$0x3000] =	vst v63  }
0x1df: {  	s6 =	sld [smem:$0x7EE]  }
0x1e0: {  	[hbm4b:s17+s3] =	stream.linear.scatter [tilespmem:s3], [sflag:$0x3], $0x3000, $0x38;
	[tilespmem:$0x3000] =	vst v63  }
0x1e1: {  	s17 =	sld [smem:$0x7EF]  }
0x1e2: {  	[hbm4b:s6+s3] =	stream.linear.scatter [tilespmem:s3], [sflag:$0x3], $0x3000, $0x38;
	[tilespmem:$0x3000] =	vst v63  }
0x1e3: {  	s6 =	sld [smem:$0x7F0]  }
0x1e4: {  	[hbm4b:s17+s3] =	stream.linear.scatter [tilespmem:s3], [sflag:$0x3], $0x3000, $0x38;
	[tilespmem:$0x3000] =	vst v63  }
0x1e5: {  	s17 =	sld [smem:$0x7F1]  }
0x1e6: {  	[hbm4b:s6+s3] =	stream.linear.scatter [tilespmem:s3], [sflag:$0x3], $0x3000, $0x38;
	[tilespmem:$0x3000] =	vst v63  }
0x1e7: {  	s6 =	sld [smem:$0x7F2]  }
0x1e8: {  	[hbm4b:s17+s3] =	stream.linear.scatter [tilespmem:s3], [sflag:$0x3], $0x3000, $0x38;
	[tilespmem:$0x3000] =	vst v63  }
0x1e9: {  	s17 =	sld [smem:$0x7F3]  }
0x1ea: {  	[hbm4b:s6+s3] =	stream.linear.scatter [tilespmem:s3], [sflag:$0x3], $0x3000, $0x38;
	[tilespmem:$0x3000] =	vst v63  }
0x1eb: {  	s6 =	sld [smem:$0x7F4]  }
0x1ec: {  	[hbm4b:s17+s3] =	stream.linear.scatter [tilespmem:s3], [sflag:$0x3], $0x3000, $0x38;
	[tilespmem:$0x3000] =	vst v63  }
0x1ed: {  	s17 =	sld [smem:$0x7F5]  }
0x1ee: {  	[hbm4b:s6+s3] =	stream.linear.scatter [tilespmem:s3], [sflag:$0x3], $0x3000, $0x38;
	[tilespmem:$0x3000] =	vst v63  }
0x1ef: {  	s6 =	sld [smem:$0x7F6]  }
0x1f0: {  	[hbm4b:s17+s3] =	stream.linear.scatter [tilespmem:s3], [sflag:$0x3], $0x3000, $0x38;
	[tilespmem:$0x3000] =	vst v63  }
0x1f1: {  	s17 =	sld [smem:$0x7F7]  }
0x1f2: {  	[hbm4b:s6+s3] =	stream.linear.scatter [tilespmem:s3], [sflag:$0x3], $0x3000, $0x38;
	[tilespmem:$0x3000] =	vst v63  }
0x1f3: {  	s6 =	sld [smem:$0x7F8]  }
0x1f4: {  	[hbm4b:s17+s3] =	stream.linear.scatter [tilespmem:s3], [sflag:$0x3], $0x3000, $0x38;
	[tilespmem:$0x3000] =	vst v63  }
0x1f5: {  	s17 =	sld [smem:$0x7F9]  }
0x1f6: {  	[hbm4b:s6+s3] =	stream.linear.scatter [tilespmem:s3], [sflag:$0x3], $0x3000, $0x38;
	[tilespmem:$0x3000] =	vst v63  }
0x1f7: {  	s6 =	sld [smem:$0x7FA]  }
0x1f8: {  	[hbm4b:s17+s3] =	stream.linear.scatter [tilespmem:s3], [sflag:$0x3], $0x3000, $0x38;
	[tilespmem:$0x3000] =	vst v63  }
0x1f9: {  	s17 =	sld [smem:$0x7FB]  }
0x1fa: {  	[hbm4b:s6+s3] =	stream.linear.scatter [tilespmem:s3], [sflag:$0x3], $0x3000, $0x38;
	[tilespmem:$0x3000] =	vst v63  }
0x1fb: {  	s6 =	sld [smem:$0x7FC]  }
0x1fc: {  	[hbm4b:s17+s3] =	stream.linear.scatter [tilespmem:s3], [sflag:$0x3], $0x3000, $0x38;
	[tilespmem:$0x3000] =	vst v63  }
0x1fd: {  	s17 =	sld [smem:$0x7FD]  }
0x1fe: {  	[hbm4b:s6+s3] =	stream.linear.scatter [tilespmem:s3], [sflag:$0x3], $0x3000, $0x38;
	[tilespmem:$0x3000] =	vst v63  }
0x1ff: {  	_ = 	snop  }
0x200: {  	[hbm4b:s17+s3] =	stream.linear.scatter [tilespmem:s3], [sflag:$0x3], $0x3000, $0x38;
	[tilespmem:$0x3000] =	vst v63  }
.LBB2_3:
0x201: {  	s1 =	stileid.u32  }
0x202: {  	s17 =	rddreg [dreg:$0xf];
	s1 =	sshll.u32 s1, $0x6  }
0x203: {  	s6 =	rddreg [dreg:$0x10];
	s1 =	sor.u32 $0x1C02, s1  }
0x204: {  	[hbm:s17], [sflag:s1] =	dma.local [hbm:s6], $0xD800  }
0x205: {  	s6 =	rddreg [dreg:$0x11]  }
0x206: {  	s17 =	rddreg [dreg:$0x12]  }
0x207: {  	[hbm:s6], [sflag:s1] =	dma.local [hbm:s17], $0xD800  }
0x208: {  	s6 =	rddreg [dreg:$0x13]  }
0x209: {  	s17 =	rddreg [dreg:$0x14]  }
0x20a: {  	[hbm:s6], [sflag:s1] =	dma.local @!p0 [hbm:s17], $0xD800  }
0x20b: {  	s1 =	simm.s32 @!p0 $0x2  }
0x20c: {  	_ =	swait.ge @!p0 [sflag:s1], $0xD800  }
0x20d: {  	[sflag:s1] =	ssyncset.done @!p0 $0x0  }
0x20e: {  	[sflag:s1] =	ssyncadd.s32 @!p0 $0xFFFF2800  }
0x20f: {  	_ =	swait.ge [sflag:s0], $0xD800  }
0x210: {  	[sflag:s0] =	ssyncset.done $0x0  }
0x211: {  	[sflag:s0] =	ssyncadd.s32 $0xFFFF2800  }
0x212: {  	_ =	swait.ge [sflag:s0], $0xD800  }
0x213: {  	[sflag:s0] =	ssyncset.done $0x0  }
0x214: {  	[sflag:s0] =	ssyncadd.s32 $0xFFFF2800  }
0x215: {  	_ =	swait.ge [sflag:s4], $0x3000  }
0x216: {  	[sflag:s4] =	ssyncset.done $0x0  }
0x217: {  	[sflag:s4] =	ssyncadd.s32 $0xFFFFD000  }
0x218: {  	_ =	swait.ge [sflag:s4], $0x3000  }
0x219: {  	[sflag:s4] =	ssyncset.done $0x0  }
0x21a: {  	[sflag:s4] =	ssyncadd.s32 $0xFFFFD000  }
0x21b: {  	_ =	swait.ge [sflag:s4], $0x3000  }
0x21c: {  	[sflag:s4] =	ssyncset.done $0x0  }
0x21d: {  	[sflag:s4] =	ssyncadd.s32 $0xFFFFD000  }
0x21e: {  	_ =	swait.ge [sflag:s4], $0x3000  }
0x21f: {  	[sflag:s4] =	ssyncset.done $0x0  }
0x220: {  	[sflag:s4] =	ssyncadd.s32 $0xFFFFD000  }
0x221: {  	_ =	swait.ge [sflag:s4], $0x3000  }
0x222: {  	[sflag:s4] =	ssyncset.done $0x0  }
0x223: {  	[sflag:s4] =	ssyncadd.s32 $0xFFFFD000  }
0x224: {  	_ =	swait.ge [sflag:s4], $0x3000  }
0x225: {  	[sflag:s4] =	ssyncset.done $0x0  }
0x226: {  	[sflag:s4] =	ssyncadd.s32 $0xFFFFD000  }
0x227: {  	_ =	swait.ge [sflag:s4], $0x3000  }
0x228: {  	[sflag:s4] =	ssyncset.done $0x0  }
0x229: {  	[sflag:s4] =	ssyncadd.s32 $0xFFFFD000  }
0x22a: {  	_ =	swait.ge [sflag:s4], $0x3000  }
0x22b: {  	[sflag:s4] =	ssyncset.done $0x0  }
0x22c: {  	[sflag:s4] =	ssyncadd.s32 $0xFFFFD000  }
0x22d: {  	_ =	swait.ge [sflag:s4], $0x3000  }
0x22e: {  	[sflag:s4] =	ssyncset.done $0x0  }
0x22f: {  	[sflag:s4] =	ssyncadd.s32 $0xFFFFD000  }
0x230: {  	_ =	swait.ge [sflag:s4], $0x3000  }
0x231: {  	[sflag:s4] =	ssyncset.done $0x0  }
0x232: {  	[sflag:s4] =	ssyncadd.s32 $0xFFFFD000  }
0x233: {  	_ =	swait.ge [sflag:s4], $0x3000  }
0x234: {  	[sflag:s4] =	ssyncset.done $0x0  }
0x235: {  	[sflag:s4] =	ssyncadd.s32 $0xFFFFD000  }
0x236: {  	_ =	swait.ge [sflag:s4], $0x3000  }
0x237: {  	[sflag:s4] =	ssyncset.done $0x0  }
0x238: {  	[sflag:s4] =	ssyncadd.s32 $0xFFFFD000  }
0x239: {  	_ =	swait.ge [sflag:s4], $0x3000  }
0x23a: {  	[sflag:s4] =	ssyncset.done $0x0  }
0x23b: {  	[sflag:s4] =	ssyncadd.s32 $0xFFFFD000  }
0x23c: {  	_ =	swait.ge [sflag:s4], $0x3000  }
0x23d: {  	[sflag:s4] =	ssyncset.done $0x0  }
0x23e: {  	[sflag:s4] =	ssyncadd.s32 $0xFFFFD000  }
0x23f: {  	_ =	swait.ge [sflag:s4], $0x3000  }
0x240: {  	[sflag:s4] =	ssyncset.done $0x0  }
0x241: {  	[sflag:s4] =	ssyncadd.s32 $0xFFFFD000  }
0x242: {  	_ =	swait.ge [sflag:s4], $0x3000  }
0x243: {  	[sflag:s4] =	ssyncset.done $0x0  }
0x244: {  	[sflag:s4] =	ssyncadd.s32 $0xFFFFD000  }
0x245: {  	_ =	swait.ge [sflag:s4], $0x3000  }
0x246: {  	[sflag:s4] =	ssyncset.done $0x0  }
0x247: {  	[sflag:s4] =	ssyncadd.s32 $0xFFFFD000  }
0x248: {  	_ =	swait.ge [sflag:s4], $0x3000  }
0x249: {  	[sflag:s4] =	ssyncset.done $0x0  }
0x24a: {  	[sflag:s4] =	ssyncadd.s32 $0xFFFFD000  }
0x24b: {  	_ =	swait.ge [sflag:s4], $0x3000  }
0x24c: {  	[sflag:s4] =	ssyncset.done $0x0  }
0x24d: {  	[sflag:s4] =	ssyncadd.s32 $0xFFFFD000  }
0x24e: {  	_ =	swait.ge [sflag:s4], $0x3000  }
0x24f: {  	[sflag:s4] =	ssyncset.done $0x0  }
0x250: {  	[sflag:s4] =	ssyncadd.s32 $0xFFFFD000  }
0x251: {  	_ =	swait.ge [sflag:s4], $0x3000  }
0x252: {  	[sflag:s4] =	ssyncset.done $0x0  }
0x253: {  	[sflag:s4] =	ssyncadd.s32 $0xFFFFD000  }
0x254: {  	_ =	swait.ge [sflag:s4], $0x3000  }
0x255: {  	[sflag:s4] =	ssyncset.done $0x0  }
0x256: {  	[sflag:s4] =	ssyncadd.s32 $0xFFFFD000  }
0x257: {  	_ =	swait.ge [sflag:s4], $0x3000  }
0x258: {  	[sflag:s4] =	ssyncset.done $0x0  }
0x259: {  	[sflag:s4] =	ssyncadd.s32 $0xFFFFD000  }
0x25a: {  	_ =	swait.ge [sflag:s4], $0x3000  }
0x25b: {  	[sflag:s4] =	ssyncset.done $0x0  }
0x25c: {  	[sflag:s4] =	ssyncadd.s32 $0xFFFFD000  }
0x25d: {  	_ =	swait.ge [sflag:s4], $0x3000  }
0x25e: {  	[sflag:s4] =	ssyncset.done $0x0  }
0x25f: {  	[sflag:s4] =	ssyncadd.s32 $0xFFFFD000  }
0x260: {  	_ =	swait.ge [sflag:s4], $0x3000  }
0x261: {  	[sflag:s4] =	ssyncset.done $0x0  }
0x262: {  	[sflag:s4] =	ssyncadd.s32 $0xFFFFD000  }
0x263: {  	_ =	swait.ge [sflag:s4], $0x3000  }
0x264: {  	[sflag:s4] =	ssyncset.done $0x0  }
0x265: {  	[sflag:s4] =	ssyncadd.s32 $0xFFFFD000  }
0x266: {  	_ =	swait.ge [sflag:s4], $0x3000  }
0x267: {  	[sflag:s4] =	ssyncset.done $0x0  }
0x268: {  	[sflag:s4] =	ssyncadd.s32 $0xFFFFD000  }
0x269: {  	_ =	swait.ge [sflag:s4], $0x3000  }
0x26a: {  	[sflag:s4] =	ssyncset.done $0x0  }
0x26b: {  	[sflag:s4] =	ssyncadd.s32 $0xFFFFD000  }
0x26c: {  	_ =	swait.ge [sflag:s4], $0x3000  }
0x26d: {  	[sflag:s4] =	ssyncset.done $0x0  }
0x26e: {  	[sflag:s4] =	ssyncadd.s32 $0xFFFFD000  }
0x26f: {  	_ =	swait.ge [sflag:s4], $0x3000  }
0x270: {  	[sflag:s4] =	ssyncset.done $0x0  }
0x271: {  	[sflag:s4] =	ssyncadd.s32 $0xFFFFD000  }
0x272: {  	_ =	swait.ge [sflag:s4], $0x3000  }
0x273: {  	[sflag:s4] =	ssyncset.done $0x0  }
0x274: {  	[sflag:s4] =	ssyncadd.s32 $0xFFFFD000  }
0x275: {  	_ =	swait.ge [sflag:s4], $0x3000  }
0x276: {  	[sflag:s4] =	ssyncset.done $0x0  }
0x277: {  	[sflag:s4] =	ssyncadd.s32 $0xFFFFD000  }
0x278: {  	_ =	swait.ge [sflag:s4], $0x3000  }
0x279: {  	[sflag:s4] =	ssyncset.done $0x0  }
0x27a: {  	[sflag:s4] =	ssyncadd.s32 $0xFFFFD000  }
0x27b: {  	_ =	swait.ge [sflag:s4], $0x3000  }
.Ltmp3:
0x27c: {  	[sflag:s4] =	ssyncset.done $0x0;
	(pc) =	sbr.rel @!p0 .LBB2_5-.Ltmp3, $4  }
0x27d: {  	[sflag:s4] =	ssyncadd.s32 $0xFFFFD000  }
0x27e: {  	_ =	swait.ge [sflag:s4], $0x3000  }
0x27f: {  	[sflag:s4] =	ssyncset.done $0x0  }
0x280: {  	[sflag:s4] =	ssyncadd.s32 $0xFFFFD000  }
0x281: {  	_ =	swait.ge [sflag:s4], $0x3000  }
0x282: {  	[sflag:s4] =	ssyncset.done $0x0  }
0x283: {  	[sflag:s4] =	ssyncadd.s32 $0xFFFFD000  }
0x284: {  	_ =	swait.ge [sflag:s4], $0x3000  }
0x285: {  	[sflag:s4] =	ssyncset.done $0x0  }
0x286: {  	[sflag:s4] =	ssyncadd.s32 $0xFFFFD000  }
0x287: {  	_ =	swait.ge [sflag:s4], $0x3000  }
0x288: {  	[sflag:s4] =	ssyncset.done $0x0  }
0x289: {  	[sflag:s4] =	ssyncadd.s32 $0xFFFFD000  }
0x28a: {  	_ =	swait.ge [sflag:s4], $0x3000  }
0x28b: {  	[sflag:s4] =	ssyncset.done $0x0  }
0x28c: {  	[sflag:s4] =	ssyncadd.s32 $0xFFFFD000  }
0x28d: {  	_ =	swait.ge [sflag:s4], $0x3000  }
0x28e: {  	[sflag:s4] =	ssyncset.done $0x0  }
0x28f: {  	[sflag:s4] =	ssyncadd.s32 $0xFFFFD000  }
0x290: {  	_ =	swait.ge [sflag:s4], $0x3000  }
0x291: {  	[sflag:s4] =	ssyncset.done $0x0  }
0x292: {  	[sflag:s4] =	ssyncadd.s32 $0xFFFFD000  }
0x293: {  	_ =	swait.ge [sflag:s4], $0x3000  }
0x294: {  	[sflag:s4] =	ssyncset.done $0x0  }
0x295: {  	[sflag:s4] =	ssyncadd.s32 $0xFFFFD000  }
0x296: {  	_ =	swait.ge [sflag:s4], $0x3000  }
0x297: {  	[sflag:s4] =	ssyncset.done $0x0  }
0x298: {  	[sflag:s4] =	ssyncadd.s32 $0xFFFFD000  }
0x299: {  	_ =	swait.ge [sflag:s4], $0x3000  }
0x29a: {  	[sflag:s4] =	ssyncset.done $0x0  }
0x29b: {  	[sflag:s4] =	ssyncadd.s32 $0xFFFFD000  }
0x29c: {  	_ =	swait.ge [sflag:s4], $0x3000  }
0x29d: {  	[sflag:s4] =	ssyncset.done $0x0  }
0x29e: {  	[sflag:s4] =	ssyncadd.s32 $0xFFFFD000  }
0x29f: {  	_ =	swait.ge [sflag:s4], $0x3000  }
0x2a0: {  	[sflag:s4] =	ssyncset.done $0x0  }
0x2a1: {  	[sflag:s4] =	ssyncadd.s32 $0xFFFFD000  }
0x2a2: {  	_ =	swait.ge [sflag:s4], $0x3000  }
0x2a3: {  	[sflag:s4] =	ssyncset.done $0x0  }
0x2a4: {  	[sflag:s4] =	ssyncadd.s32 $0xFFFFD000  }
0x2a5: {  	_ =	swait.ge [sflag:s4], $0x3000  }
0x2a6: {  	[sflag:s4] =	ssyncset.done $0x0  }
0x2a7: {  	[sflag:s4] =	ssyncadd.s32 $0xFFFFD000  }
0x2a8: {  	_ =	swait.ge [sflag:s4], $0x3000  }
0x2a9: {  	[sflag:s4] =	ssyncset.done $0x0  }
0x2aa: {  	[sflag:s4] =	ssyncadd.s32 $0xFFFFD000  }
0x2ab: {  	_ =	swait.ge [sflag:s4], $0x3000  }
0x2ac: {  	[sflag:s4] =	ssyncset.done $0x0  }
0x2ad: {  	[sflag:s4] =	ssyncadd.s32 $0xFFFFD000  }
0x2ae: {  	_ =	swait.ge [sflag:s4], $0x3000  }
0x2af: {  	[sflag:s4] =	ssyncset.done $0x0  }
0x2b0: {  	[sflag:s4] =	ssyncadd.s32 $0xFFFFD000  }
0x2b1: {  	_ =	swait.ge [sflag:s4], $0x3000  }
0x2b2: {  	[sflag:s4] =	ssyncset.done $0x0  }
0x2b3: {  	[sflag:s4] =	ssyncadd.s32 $0xFFFFD000  }
0x2b4: {  	_ =	swait.ge [sflag:s4], $0x3000  }
0x2b5: {  	[sflag:s4] =	ssyncset.done $0x0  }
0x2b6: {  	[sflag:s4] =	ssyncadd.s32 $0xFFFFD000  }
0x2b7: {  	_ =	swait.ge [sflag:s4], $0x3000  }
0x2b8: {  	[sflag:s4] =	ssyncset.done $0x0  }
0x2b9: {  	[sflag:s4] =	ssyncadd.s32 $0xFFFFD000  }
0x2ba: {  	_ =	swait.ge [sflag:s4], $0x3000  }
0x2bb: {  	[sflag:s4] =	ssyncset.done $0x0  }
0x2bc: {  	[sflag:s4] =	ssyncadd.s32 $0xFFFFD000  }
0x2bd: {  	_ =	swait.ge [sflag:s4], $0x3000  }
0x2be: {  	[sflag:s4] =	ssyncset.done $0x0  }
0x2bf: {  	[sflag:s4] =	ssyncadd.s32 $0xFFFFD000  }
0x2c0: {  	_ =	swait.ge [sflag:s4], $0x3000  }
0x2c1: {  	[sflag:s4] =	ssyncset.done $0x0  }
0x2c2: {  	[sflag:s4] =	ssyncadd.s32 $0xFFFFD000  }
0x2c3: {  	_ =	swait.ge [sflag:s4], $0x3000  }
0x2c4: {  	[sflag:s4] =	ssyncset.done $0x0  }
0x2c5: {  	[sflag:s4] =	ssyncadd.s32 $0xFFFFD000  }
0x2c6: {  	_ =	swait.ge [sflag:s4], $0x3000  }
0x2c7: {  	[sflag:s4] =	ssyncset.done $0x0  }
0x2c8: {  	[sflag:s4] =	ssyncadd.s32 $0xFFFFD000  }
0x2c9: {  	_ =	swait.ge [sflag:s4], $0x3000  }
0x2ca: {  	[sflag:s4] =	ssyncset.done $0x0  }
0x2cb: {  	[sflag:s4] =	ssyncadd.s32 $0xFFFFD000  }
0x2cc: {  	_ =	swait.ge [sflag:s4], $0x3000  }
0x2cd: {  	[sflag:s4] =	ssyncset.done $0x0  }
0x2ce: {  	[sflag:s4] =	ssyncadd.s32 $0xFFFFD000  }
0x2cf: {  	_ =	swait.ge [sflag:s4], $0x3000  }
0x2d0: {  	[sflag:s4] =	ssyncset.done $0x0  }
0x2d1: {  	[sflag:s4] =	ssyncadd.s32 $0xFFFFD000  }
0x2d2: {  	_ =	swait.ge [sflag:s4], $0x3000  }
0x2d3: {  	[sflag:s4] =	ssyncset.done $0x0  }
0x2d4: {  	[sflag:s4] =	ssyncadd.s32 $0xFFFFD000  }
0x2d5: {  	_ =	swait.ge [sflag:s4], $0x3000  }
0x2d6: {  	[sflag:s4] =	ssyncset.done $0x0  }
0x2d7: {  	[sflag:s4] =	ssyncadd.s32 $0xFFFFD000  }
0x2d8: {  	_ =	swait.ge [sflag:s4], $0x3000  }
0x2d9: {  	[sflag:s4] =	ssyncset.done $0x0  }
0x2da: {  	[sflag:s4] =	ssyncadd.s32 $0xFFFFD000  }
0x2db: {  	_ =	swait.ge [sflag:s4], $0x3000  }
0x2dc: {  	[sflag:s4] =	ssyncset.done $0x0  }
0x2dd: {  	[sflag:s4] =	ssyncadd.s32 $0xFFFFD000  }
0x2de: {  	_ =	swait.ge [sflag:s4], $0x3000  }
0x2df: {  	[sflag:s4] =	ssyncset.done $0x0  }
0x2e0: {  	[sflag:s4] =	ssyncadd.s32 $0xFFFFD000  }
0x2e1: {  	_ =	swait.ge [sflag:s4], $0x3000  }
0x2e2: {  	[sflag:s4] =	ssyncset.done $0x0  }
0x2e3: {  	[sflag:s4] =	ssyncadd.s32 $0xFFFFD000  }
0x2e4: {  	_ =	swait.ge [sflag:s4], $0x3000  }
0x2e5: {  	[sflag:s4] =	ssyncset.done $0x0  }
0x2e6: {  	[sflag:s4] =	ssyncadd.s32 $0xFFFFD000  }
0x2e7: {  	_ =	swait.ge [sflag:s4], $0x3000  }
.Ltmp4:
0x2e8: {  	[sflag:s4] =	ssyncset.done $0x0;
	(pc) =	sbr.rel .LBB2_5-.Ltmp4, $4  }
0x2e9: {  	[sflag:s4] =	ssyncadd.s32 $0xFFFFD000  }
0x2ea: {  	_ =	swait.ge [sflag:s4], $0x3000  }
0x2eb: {  	[sflag:s4] =	ssyncset.done $0x0  }
0x2ec: {  	[sflag:s4] =	ssyncadd.s32 $0xFFFFD000  }
.LBB2_6:
0x2ed: {  	_ =	sfence.sel $0x180000  }
0x2ee: {  	[bflag:$0x0] =	sbarrier.arrive $0xFFFF  }
0x2ef: {  	_ =	strace $0x90000047  }
0x2f0: {  	s0 =	stileid.u32;
	[bflag:$0x2] =	sbarrier.arrive $0xFFFF  }
0x2f1: {  	p0 =	sne.s32 s0, $0x0;
	s0 =	rddreg [dreg:$0x3]  }
0x2f2: {  	s0 =	sadd.s32 @!p0 $0x100000, s0  }
0x2f3: {  	[sflag:s0] =	ssyncadd.tile.s32 @!p0 $0x1;
	_ =	shalt  }
.Lfunc_end2:
_tile_overlayer_lowered:
.L_overlay_start_2:
0x2f4: {  	(tag) =	ssettag $0x2  }
0x2f5: {  	s0 =	rddreg [dreg:$0x0];
	s2 =	stileid.u32  }
0x2f6: {  	s1 =	rddreg [dreg:$0x1];
	p0 =	sne.s32 s2, $0x0  }
0x2f7: {  	s3 =	rddreg [dreg:$0x2];
	[bflag:$0x3] =	sbarrier.arrive $0xFFFF;
	s2 =	simm.s32 @!p0 $0x1C04  }
0x2f8: {  	[timem:s3], [sflag:s2] =	dma.local @!p0 [hbm:s0], s1  }
0x2f9: {  	s0 =	simm.s32 @!p0 $0x4  }
0x2fa: {  	_ =	swait.ge @!p0 [sflag:s0], s1  }
0x2fb: {  	s1 =	ssub.s32 @!p0 $0x0, s1;
	[sflag:s0] =	ssyncset.done @!p0 $0x0  }
0x2fc: {  	[sflag:s0] =	ssyncadd.s32 @!p0 s1  }
0x2fd: {  	[bflag:$0x3] =	sbarrier.arrive $0xFFFF  }
0x2fe: {  	_ =	shalt  }

</sc_bundles>
